<compile_context>
chip_gen: v7x
topology: tpu7x:2x2x1
jax: 0.10.2.dev20260603
libtpu: 0.0.44.dev20260713+nightly
codegen_flags: <defaults>
</compile_context>

<pallas_src>
import functools

import jax
import jax.numpy as jnp
from jax import lax
import numpy as np
from jax.experimental import pallas as pl
from jax.experimental.pallas import tpu as pltpu
from jax.experimental.pallas import tpu_sc as plsc

S = 2048
HQ = 12
HKV = 4
G = HQ // HKV
D = 64
CSTRIDE = 16
CBLOCK = 32
SBLOCK = 64
TOPK = 16
WINDOW = 512
TC = 127
TCP = 128
NSEL = 31
NBLK = 32
SCALE = 1.0 / np.sqrt(D)

TQ = 512
TK = 512
NQT = S // TQ
NKT = S // TK

_BF = jnp.bfloat16
_F32 = jnp.float32


def _dot(a, b, dims, precision=None):
    return lax.dot_general(a, b, (dims, ((), ())),
                           preferred_element_type=_F32, precision=precision)



def _stage_a_body(kwin_ref, vwin_ref, wk_ref, wv_ref, q_ref, p_ref,
                  cmp_ref, selbits_ref):
    kw = kwin_ref[0].astype(_BF)
    vw = vwin_ref[0].astype(_BF)
    ck = _dot(kw, wk_ref[...].astype(_BF), ((1,), (0,)))
    cv = _dot(vw, wv_ref[...].astype(_BF), ((1,), (0,)))
    ckb = ck.astype(_BF)
    cvb = cv.astype(_BF)

    t_io = lax.broadcasted_iota(jnp.int32, (S, TCP), 0)
    c_io = lax.broadcasted_iota(jnp.int32, (S, TCP), 1)
    cmask = (c_io * CSTRIDE + CBLOCK - 1) <= t_io

    gp = jnp.zeros((S, TCP), dtype=_F32)
    for j in range(G):
        qj = q_ref[j].astype(_BF)
        cs = _dot(qj, ckb, ((1,), (1,)))
        e = jnp.where(cmask, jnp.exp(cs), 0.0)
        den = jnp.maximum(jnp.sum(e, axis=1, keepdims=True), 1e-20)
        p = e / den
        cmp_ref[j] = _dot(p.astype(_BF), cvb, ((1,), (0,)))
        gp = gp + p

    pooled = _dot(gp, p_ref[...], ((1,), (0,)),
                  precision=lax.Precision.HIGHEST)
    selbits_ref[0] = pooled.T


def _stage_a(kwin, vwin, wkf, wvf, q3, pool_mat):
    grid = (HKV,)
    out_shapes = (
        jax.ShapeDtypeStruct((HQ, S, D), _F32),
        jax.ShapeDtypeStruct((HKV, NBLK, S), _F32),
    )
    return pl.pallas_call(
        _stage_a_body,
        grid=grid,
        in_specs=[
            pl.BlockSpec((1, TCP, CBLOCK * D), lambda h: (h, 0, 0)),
            pl.BlockSpec((1, TCP, CBLOCK * D), lambda h: (h, 0, 0)),
            pl.BlockSpec((CBLOCK * D, D), lambda h: (0, 0)),
            pl.BlockSpec((CBLOCK * D, D), lambda h: (0, 0)),
            pl.BlockSpec((G, S, D), lambda h: (h, 0, 0)),
            pl.BlockSpec((TCP, NBLK), lambda h: (0, 0)),
        ],
        out_specs=(
            pl.BlockSpec((G, S, D), lambda h: (h, 0, 0)),
            pl.BlockSpec((1, NBLK, S), lambda h: (h, 0, 0)),
        ),
        out_shape=out_shapes,
    )(kwin, vwin, wkf, wvf, q3, pool_mat)



_SC_NC = 2
_SC_NS = 16
_SC_NW = _SC_NC * _SC_NS
_ROWS = HKV * S
_SC_LPW = S // (_SC_NW // HKV)


def _sc_topk(pooledT):
    mesh = plsc.VectorSubcoreMesh(core_axis_name="c", subcore_axis_name="s")

    @functools.partial(
        pl.kernel,
        out_type=jax.ShapeDtypeStruct((_SC_NW, NBLK, _SC_LPW), _F32),
        mesh=mesh,
        scratch_types=[
            pltpu.VMEM((NBLK, _SC_LPW), _F32),
            pltpu.VMEM((NBLK, _SC_LPW), _F32),
            pltpu.VMEM((NBLK, _SC_LPW), _F32),
        ],
    )
    def topk_kernel(poolt_hbm, out_hbm, pool_v, flag_v, key_v):
        wid = lax.axis_index("s") * _SC_NC + lax.axis_index("c")
        pltpu.sync_copy(poolt_hbm.at[wid], pool_v)
        nchunk = _SC_LPW // 16

        def key_body(s, carry):
            sl = pl.ds(s * 16, 16)
            for n in range(NBLK):
                p = pool_v[n, sl]
                key_v[n, sl] = jnp.where(
                    p == 0.0, jnp.float32(-1e-30 * (n + 1)), p)
            return carry

        lax.fori_loop(0, nchunk, key_body, 0)

        def rank_body(i, carry):
            s = i >> 5
            n = jnp.bitwise_and(i, 31)
            sl = pl.ds(s * 16, 16)
            kn = key_v[n, sl]
            cnt = jnp.zeros((16,), _F32)
            for m in range(NBLK):
                cnt = cnt + jnp.where(key_v[m, sl] > kn, 1.0, 0.0)
            flag_v[n, sl] = jnp.where(cnt < float(TOPK), 1.0, 0.0).astype(_F32)
            return carry

        lax.fori_loop(0, nchunk * NBLK, rank_body, 0)
        pltpu.sync_copy(flag_v, out_hbm.at[wid])

    slabs = pooledT.reshape(HKV, NBLK, _SC_NW // HKV, _SC_LPW) \
                   .transpose(0, 2, 1, 3).reshape(_SC_NW, NBLK, _SC_LPW)
    flags = topk_kernel(slabs)
    return flags.reshape(HKV, _SC_NW // HKV, NBLK, _SC_LPW) \
                .transpose(0, 2, 1, 3).reshape(HKV, NBLK, S)



_NBT = TK // SBLOCK
_DA = D + 8


_HB = G * TQ


def _flash_body(q_ref, k_ref, v_ref, cmp_ref, sm_ref, tril_ref, striu_ref,
                wg_ref, o_ref, acca_s, acca_w):
    qi = pl.program_id(1)

    acca_s[...] = jnp.zeros_like(acca_s)
    acca_w[...] = jnp.zeros_like(acca_w)

    qb = q_ref[...].reshape(_HB, D).astype(_BF)
    kb = k_ref[0].astype(_BF)
    vb = v_ref[0].astype(_BF)
    sm1 = sm_ref[0].T
    sm3 = jnp.concatenate([sm1, sm1, sm1], axis=0).astype(_BF)

    for kt in range(NKT):
        @pl.when(qi >= kt)
        def _tile(kt=kt):
            kslc = kb[kt * TK:(kt + 1) * TK]
            vaug = jnp.concatenate(
                [vb[kt * TK:(kt + 1) * TK], jnp.ones((TK, _DA - D), _BF)],
                axis=1)
            s = _dot(qb, kslc, ((1,), (1,)))
            eb = jnp.exp(s).astype(_BF)
            b_io = lax.broadcasted_iota(jnp.int32, (NBLK, 1), 0)
            cblk = (lax.broadcasted_iota(jnp.int32, (1, TK), 1) >> 6) \
                + kt * _NBT
            expander = (b_io == cblk).astype(_BF)
            selm = _dot(sm3, expander, ((1,), (0,))).astype(_BF)

            @pl.when(qi > kt)
            def _below():
                acca_s[...] += _dot(eb * selm, vaug, ((1,), (0,)))

                @pl.when(qi == kt + 1)
                def _win_edge():
                    acca_w[...] += _dot(eb * striu_ref[...], vaug,
                                        ((1,), (0,)))

            @pl.when(qi == kt)
            def _diag():
                ec = eb * tril_ref[...]
                acca_w[...] += _dot(ec, vaug, ((1,), (0,)))
                acca_s[...] += _dot(ec * selm, vaug, ((1,), (0,)))

    o_sel = acca_s[:, :D] / jnp.maximum(acca_s[:, D:D + 1], 1e-20)
    o_win = acca_w[:, :D] / jnp.maximum(acca_w[:, D:D + 1], 1e-20)
    qf = qb.astype(_F32)
    wg = wg_ref[...].astype(_BF).astype(_F32)
    inv = 1.0 / SCALE
    g0 = jnp.sum(qf * wg[0:1], axis=1, keepdims=True) * inv
    g1 = jnp.sum(qf * wg[1:2], axis=1, keepdims=True) * inv
    g2 = jnp.sum(qf * wg[2:3], axis=1, keepdims=True) * inv
    o = g0 * o_sel + g1 * o_win + g2 * cmp_ref[...].reshape(_HB, D)
    o_ref[...] = o.reshape(G, TQ, D)


def _stage_b(q3, k3, v3, cmp_o, selmask, tril3, striu3, Wg):
    grid = (HKV, NQT)
    return pl.pallas_call(
        _flash_body,
        grid=grid,
        in_specs=[
            pl.BlockSpec((G, TQ, D), lambda h, qi: (h, qi, 0)),
            pl.BlockSpec((1, S, D), lambda h, qi: (h, 0, 0)),
            pl.BlockSpec((1, S, D), lambda h, qi: (h, 0, 0)),
            pl.BlockSpec((G, TQ, D), lambda h, qi: (h, qi, 0)),
            pl.BlockSpec((1, NBLK, TQ), lambda h, qi: (h, 0, qi)),
            pl.BlockSpec((_HB, TK), lambda h, qi: (0, 0)),
            pl.BlockSpec((_HB, TK), lambda h, qi: (0, 0)),
            pl.BlockSpec((3, D), lambda h, qi: (0, 0)),
        ],
        out_specs=pl.BlockSpec((G, TQ, D), lambda h, qi: (h, qi, 0)),
        out_shape=jax.ShapeDtypeStruct((HQ, S, D), _F32),
        scratch_shapes=[
            pltpu.VMEM((_HB, _DA), _F32),
            pltpu.VMEM((_HB, _DA), _F32),
        ],
    )(q3, k3, v3, cmp_o, selmask, tril3, striu3, Wg)


def _pool_matrix():
    P = np.zeros((TCP, NBLK), dtype=np.float32)
    stride = SBLOCK // CSTRIDE
    taps = stride + 1
    for n in range(NSEL):
        for j in range(taps):
            P[stride * n + j, n] = 1.0
    return jnp.asarray(P)


def kernel(q, k, v, cu_seqlens, Wk, Wv, Wg):
    q3 = q.transpose(1, 0, 2) * SCALE
    k3 = k.transpose(1, 0, 2)
    v3 = v.transpose(1, 0, 2)

    kh = k3.reshape(HKV, S // CSTRIDE, CSTRIDE * D)
    vh = v3.reshape(HKV, S // CSTRIDE, CSTRIDE * D)
    kwin = jnp.concatenate([kh[:, :TC], kh[:, 1:]], axis=-1)
    vwin = jnp.concatenate([vh[:, :TC], vh[:, 1:]], axis=-1)
    kwin = jnp.pad(kwin, ((0, 0), (0, 1), (0, 0)))
    vwin = jnp.pad(vwin, ((0, 0), (0, 1), (0, 0)))
    wkf = Wk.transpose(2, 1, 0).reshape(CBLOCK * D, D)
    wvf = Wv.transpose(2, 1, 0).reshape(CBLOCK * D, D)

    tril3 = jnp.asarray(
        np.tile(np.tril(np.ones((TQ, TK), np.float32)), (G, 1)), _BF)
    striu3 = jnp.asarray(
        np.tile(np.triu(np.ones((TQ, TK), np.float32), 1), (G, 1)), _BF)
    cmp_o, pooled = _stage_a(kwin, vwin, wkf, wvf, q3, _pool_matrix())
    selmask = _sc_topk(pooled)
    out = _stage_b(q3, k3, v3, cmp_o, selmask, tril3, striu3, Wg)
    return out.transpose(1, 0, 2).reshape(-1, HQ, D)

# --- scband reference (transcript-rebuilt; emitter-appended) ---
"""Pipeline reference for scband-nsaattention-81174881895039 (READ-ONLY COPY).

The authoritative reference and input builder live on the scoring server;
editing this copy changes nothing except your own understanding.
"""

import jax, jax.numpy as jnp
import numpy as np

B = 1
S = 2048
HQ = 12
HKV = 4
D = 64
CSTRIDE = 16
CBLOCK = 32
SBLOCK = 64
TOPK = 16
WINDOW = 512


def setup_inputs(seed: int = 0) -> dict:
    key = jax.random.key(seed)
    ks = jax.random.split(key, 6)
    q = jax.random.normal(ks[0], (B * S, HQ, D), dtype=jnp.float32)
    k = jax.random.normal(ks[1], (B * S, HKV, D), dtype=jnp.float32)
    v = jax.random.normal(ks[2], (B * S, HKV, D), dtype=jnp.float32)
    cu_seqlens = jnp.arange(B + 1, dtype=jnp.int32) * S
    Wk = jax.random.normal(ks[3], (D, D, CBLOCK), dtype=jnp.float32) * 0.02
    Wv = jax.random.normal(ks[4], (D, D, CBLOCK), dtype=jnp.float32) * 0.02
    Wg = jax.random.normal(ks[5], (3, D), dtype=jnp.float32) * 0.02
    return {"q": q, "k": k, "v": v, "cu_seqlens": cu_seqlens, "Wk": Wk, "Wv": Wv, "Wg": Wg}


def _safe_softmax(scores, mask):
    scores = jnp.where(mask, scores, -jnp.inf)
    m = jnp.max(scores, axis=-1, keepdims=True)
    m = jnp.where(jnp.isfinite(m), m, 0.0)
    e = jnp.where(mask, jnp.exp(scores - m), 0.0)
    den = jnp.sum(e, axis=-1, keepdims=True)
    return e / jnp.maximum(den, 1e-20)


def _nsa_forward(q, k, v, Wk, Wv, Wg, cu_seqlens):
    bs = cu_seqlens.shape[0] - 1
    scale = 1.0 / np.sqrt(D)
    qb = q.reshape(bs, -1, HQ, D)
    kb = k.reshape(bs, -1, HKV, D)
    vb = v.reshape(bs, -1, HKV, D)
    seq = qb.shape[1]
    G = HQ // HKV
    # gating scores: f.linear(q, gating_weight)
    gate = jnp.einsum('bshd,gd->bshg', qb, Wg)
    # --- compression branch: strided conv over time per kv head ---
    ck_in = kb.transpose(0, 2, 3, 1).reshape(bs * HKV, D, seq)
    cv_in = vb.transpose(0, 2, 3, 1).reshape(bs * HKV, D, seq)
    dn = ('NCH', 'OIH', 'NCH')
    ck = jax.lax.conv_general_dilated(ck_in, Wk, (CSTRIDE,), 'VALID', dimension_numbers=dn)
    cv = jax.lax.conv_general_dilated(cv_in, Wv, (CSTRIDE,), 'VALID', dimension_numbers=dn)
    Tc = ck.shape[-1]
    ck = ck.reshape(bs, HKV, D, Tc).transpose(0, 3, 1, 2)
    cv = cv.reshape(bs, HKV, D, Tc).transpose(0, 3, 1, 2)
    ckr = jnp.repeat(ck, G, axis=2)  # (bs, Tc, HQ, D)
    cvr = jnp.repeat(cv, G, axis=2)
    cs = jnp.einsum('bthd,bshd->bhts', qb, ckr) * scale
    t_idx = jnp.arange(seq)[:, None]
    c_idx = jnp.arange(Tc)[None, :]
    cmask = (c_idx * CSTRIDE + CBLOCK - 1) <= t_idx  # causal over compressed blocks
    cp = _safe_softmax(cs, cmask[None, None])
    cmp_o = jnp.einsum('bhts,bshd->bthd', cp, cvr)
    # --- selection scores: sum probs over query heads per kv group, pool, top-k ---
    gp = cp.reshape(bs, HKV, G, seq, Tc).sum(axis=2)  # (bs, HKV, S, Tc)
    kernel = SBLOCK // CSTRIDE + 1
    stride = SBLOCK // CSTRIDE
    pad = CBLOCK // CSTRIDE - 2
    if pad > 0:
        gp = jnp.pad(gp, ((0, 0), (0, 0), (0, 0), (pad, pad)))
    Tp = gp.shape[-1]
    nsel = (Tp - kernel) // stride + 1
    widx = (jnp.arange(nsel)[:, None] * stride + jnp.arange(kernel)[None, :]).reshape(-1)
    pooled = jnp.take(gp, widx, axis=-1).reshape(bs, HKV, seq, nsel, kernel).sum(-1)
    topk = min(TOPK, nsel)
    _, sel_idx = jax.lax.top_k(pooled, topk)  # (bs, HKV, S, topk)
    nblocks = seq // SBLOCK
    blk_mask = jax.nn.one_hot(sel_idx, nblocks, dtype=jnp.float32).sum(-2) > 0  # (bs,HKV,S,nblocks)
    key_blk = jnp.arange(seq) // SBLOCK
    sel_mask = jnp.take(blk_mask, key_blk, axis=-1)  # (bs, HKV, S, S)
    causal = jnp.arange(seq)[None, :] <= jnp.arange(seq)[:, None]
    sel_mask = sel_mask & causal[None, None]
    sel_mask = jnp.repeat(sel_mask, G, axis=1)  # (bs, HQ, S, S)
    # --- selection attention over raw k/v ---
    kf = jnp.repeat(kb, G, axis=2)
    vf = jnp.repeat(vb, G, axis=2)
    s_full = jnp.einsum('bthd,bshd->bhts', qb, kf) * scale
    sel_p = _safe_softmax(s_full, sel_mask)
    sel_o = jnp.einsum('bhts,bshd->bthd', sel_p, vf)
    # --- sliding window branch ---
    diff = jnp.arange(seq)[:, None] - jnp.arange(seq)[None, :]
    win_mask = (diff >= 0) & (diff <= WINDOW - 1)
    win_p = _safe_softmax(s_full, win_mask[None, None])
    win_o = jnp.einsum('bhts,bshd->bthd', win_p, vf)
    # --- gated combination ---
    o = gate[..., 0:1] * sel_o + gate[..., 1:2] * win_o + gate[..., 2:3] * cmp_o
    return o.reshape(-1, HQ, D)


def reference(q, k, v, cu_seqlens, Wk, Wv, Wg):
    return _nsa_forward(q, k, v, Wk, Wv, Wg, cu_seqlens)

if __name__ == "__main__":
    import jax
    _d = setup_inputs()
    print(jax.jit(kernel)(*tuple(_d.values())))

</pallas_src>

<mosaic_0001>
#map = affine_map<(d0, d1) -> (0, 0, 0)>
module attributes {stable_mosaic.version = 14 : i64} {
  func.func @topk_kernel(%arg0: i32, %arg1: i32, %arg2: memref<32x32x256xf32, #tpu.memory_space<hbm>>, %arg3: memref<32x32x256xf32, #tpu.memory_space<hbm>>, %arg4: memref<32x256xf32, #tpu.memory_space<vmem>>, %arg5: memref<32x256xf32, #tpu.memory_space<vmem>>, %arg6: memref<32x256xf32, #tpu.memory_space<vmem>>) attributes {dimension_semantics = [#tpu.dimension_semantics<core_parallel>, #tpu.dimension_semantics<subcore_parallel>], iteration_bounds = array<i64: 2, 16>, scalar_prefetch = 0 : i64, scratch_operands = 3 : i64, tpu.core_type = #tpu.core_type<sc_vector_subcore>, window_params = [{transform_indices = #map}, {transform_indices = #map}]} {
    %mul3A = arith.constant 2 : i32
    %mul3A_0 = arith.muli %arg1, %mul3A : i32
    %add3A = arith.addi %mul3A_0, %arg0 : i32
    "tpu.region"() ({
      %run_scoped3A = tpu.sem_alloc : memref<!tpu.dma_semaphore, #tpu.memory_space<semaphore_mem>>
      %dma_start3A = arith.constant 0 : i32
      %dma_start3A_12 = arith.constant 0 : i32
      %dma_start3A_13 = tpu.memref_slice %arg2[%add3A, %dma_start3A, %dma_start3A_12] : memref<32x32x256xf32, #tpu.memory_space<hbm>> -> memref<1x32x256xf32, #tpu.memory_space<hbm>>
      %dma_start3A_14 = tpu.memref_squeeze %dma_start3A_13 : memref<1x32x256xf32, #tpu.memory_space<hbm>> -> memref<32x256xf32, #tpu.memory_space<hbm>>
      %dma_start3A_15 = arith.constant 0 : i32
      %dma_start3A_16 = arith.constant 0 : i32
      %dma_start3A_17 = tpu.memref_slice %arg2[%add3A, %dma_start3A_15, %dma_start3A_16] : memref<32x32x256xf32, #tpu.memory_space<hbm>> -> memref<1x32x256xf32, #tpu.memory_space<hbm>>
      %dma_start3A_18 = tpu.memref_squeeze %dma_start3A_17 : memref<1x32x256xf32, #tpu.memory_space<hbm>> -> memref<32x256xf32, #tpu.memory_space<hbm>>
      tpu.enqueue_dma source(%dma_start3A_18 : memref<32x256xf32, #tpu.memory_space<hbm>>) target(%arg4 : memref<32x256xf32, #tpu.memory_space<vmem>>) target_semaphore(%run_scoped3A : memref<!tpu.dma_semaphore, #tpu.memory_space<semaphore_mem>>)
      %dma_wait3A = arith.constant 0 : i32
      %dma_wait3A_19 = arith.constant 0 : i32
      %dma_wait3A_20 = tpu.memref_slice %arg2[%add3A, %dma_wait3A, %dma_wait3A_19] : memref<32x32x256xf32, #tpu.memory_space<hbm>> -> memref<1x32x256xf32, #tpu.memory_space<hbm>>
      %dma_wait3A_21 = tpu.memref_squeeze %dma_wait3A_20 : memref<1x32x256xf32, #tpu.memory_space<hbm>> -> memref<32x256xf32, #tpu.memory_space<hbm>>
      %dma_wait3A_22 = arith.constant 0 : i32
      %dma_wait3A_23 = arith.constant 0 : i32
      %dma_wait3A_24 = tpu.memref_slice %arg2[%add3A, %dma_wait3A_22, %dma_wait3A_23] : memref<32x32x256xf32, #tpu.memory_space<hbm>> -> memref<1x32x256xf32, #tpu.memory_space<hbm>>
      %dma_wait3A_25 = tpu.memref_squeeze %dma_wait3A_24 : memref<1x32x256xf32, #tpu.memory_space<hbm>> -> memref<32x256xf32, #tpu.memory_space<hbm>>
      tpu.wait_dma2 semaphore(%run_scoped3A : memref<!tpu.dma_semaphore, #tpu.memory_space<semaphore_mem>>) src(%dma_wait3A_25 : memref<32x256xf32, #tpu.memory_space<hbm>>) dst(%arg4 : memref<32x256xf32, #tpu.memory_space<vmem>>)
      tpu.yield
    }) : () -> ()
    %scan3A = arith.constant 0 : i32
    %scan3A_1 = arith.constant 0 : i32
    %scan3A_2 = arith.constant 16 : i32
    %scan3A_3 = arith.addi %scan3A_1, %scan3A_2 : i32
    %scan3A_4 = arith.constant 1 : i32
    scf.for %scan3A_12 = %scan3A_1 to %scan3A_3 step %scan3A_4  : i32 {
      %mul3A_13 = arith.constant 16 : i32
      %mul3A_14 = arith.muli %scan3A_12, %mul3A_13 : i32
      %get3A = arith.constant 0 : i32
      %get3A_15 = arith.index_cast %get3A : i32 to index
      %get3A_16 = arith.index_cast %mul3A_14 : i32 to index
      %get3A_17 = tpu.vector_load %arg4[%get3A_15, %get3A_16] {strides = array<i32>} : memref<32x256xf32, #tpu.memory_space<vmem>>, vector<1x16xf32>,
      %get3A_18 = vector.shape_cast %get3A_17 : vector<1x16xf32> to vector<16xf32>
      %eq3A = arith.constant 0.000000e+00 : f32
      %eq3A_19 = vector.broadcast %eq3A : f32 to vector<16xf32>
      %eq3A_20 = arith.cmpf oeq, %get3A_18, %eq3A_19 : vector<16xf32>
      %jit3A = arith.constant -1.000000e-30 : f32
      %broadcast_in_dim3A = vector.broadcast %jit3A : f32 to vector<16xf32>
      %select_n3A = arith.select %eq3A_20, %broadcast_in_dim3A, %get3A_18 : vector<16xi1>, vector<16xf32>
      %swap3A = arith.constant 0 : i32
      %swap3A_21 = arith.index_cast %swap3A : i32 to index
      %swap3A_22 = arith.index_cast %mul3A_14 : i32 to index
      %swap3A_23 = tpu.vector_load %arg6[%swap3A_21, %swap3A_22] {strides = array<i32>} : memref<32x256xf32, #tpu.memory_space<vmem>>, vector<1x16xf32>,
      %swap3A_24 = vector.shape_cast %swap3A_23 : vector<1x16xf32> to vector<16xf32>
      %swap3A_25 = vector.shape_cast %select_n3A : vector<16xf32> to vector<1x16xf32>
      tpu.vector_store %arg6[%swap3A_21, %swap3A_22], %swap3A_25 {strides = array<i32>} : memref<32x256xf32, #tpu.memory_space<vmem>>, vector<1x16xf32>,
      %get3A_26 = arith.constant 1 : i32
      %get3A_27 = arith.index_cast %get3A_26 : i32 to index
      %get3A_28 = arith.index_cast %mul3A_14 : i32 to index
      %get3A_29 = tpu.vector_load %arg4[%get3A_27, %get3A_28] {strides = array<i32>} : memref<32x256xf32, #tpu.memory_space<vmem>>, vector<1x16xf32>,
      %get3A_30 = vector.shape_cast %get3A_29 : vector<1x16xf32> to vector<16xf32>
      %eq3A_31 = arith.constant 0.000000e+00 : f32
      %eq3A_32 = vector.broadcast %eq3A_31 : f32 to vector<16xf32>
      %eq3A_33 = arith.cmpf oeq, %get3A_30, %eq3A_32 : vector<16xf32>
      %jit3A_34 = arith.constant -2.000000e-30 : f32
      %broadcast_in_dim3A_35 = vector.broadcast %jit3A_34 : f32 to vector<16xf32>
      %select_n3A_36 = arith.select %eq3A_33, %broadcast_in_dim3A_35, %get3A_30 : vector<16xi1>, vector<16xf32>
      %swap3A_37 = arith.constant 1 : i32
      %swap3A_38 = arith.index_cast %swap3A_37 : i32 to index
      %swap3A_39 = arith.index_cast %mul3A_14 : i32 to index
      %swap3A_40 = tpu.vector_load %arg6[%swap3A_38, %swap3A_39] {strides = array<i32>} : memref<32x256xf32, #tpu.memory_space<vmem>>, vector<1x16xf32>,
      %swap3A_41 = vector.shape_cast %swap3A_40 : vector<1x16xf32> to vector<16xf32>
      %swap3A_42 = vector.shape_cast %select_n3A_36 : vector<16xf32> to vector<1x16xf32>
      tpu.vector_store %arg6[%swap3A_38, %swap3A_39], %swap3A_42 {strides = array<i32>} : memref<32x256xf32, #tpu.memory_space<vmem>>, vector<1x16xf32>,
      %get3A_43 = arith.constant 2 : i32
      %get3A_44 = arith.index_cast %get3A_43 : i32 to index
      %get3A_45 = arith.index_cast %mul3A_14 : i32 to index
      %get3A_46 = tpu.vector_load %arg4[%get3A_44, %get3A_45] {strides = array<i32>} : memref<32x256xf32, #tpu.memory_space<vmem>>, vector<1x16xf32>,
      %get3A_47 = vector.shape_cast %get3A_46 : vector<1x16xf32> to vector<16xf32>
      %eq3A_48 = arith.constant 0.000000e+00 : f32
      %eq3A_49 = vector.broadcast %eq3A_48 : f32 to vector<16xf32>
      %eq3A_50 = arith.cmpf oeq, %get3A_47, %eq3A_49 : vector<16xf32>
      %jit3A_51 = arith.constant -3.000000e-30 : f32
      %broadcast_in_dim3A_52 = vector.broadcast %jit3A_51 : f32 to vector<16xf32>
      %select_n3A_53 = arith.select %eq3A_50, %broadcast_in_dim3A_52, %get3A_47 : vector<16xi1>, vector<16xf32>
      %swap3A_54 = arith.constant 2 : i32
      %swap3A_55 = arith.index_cast %swap3A_54 : i32 to index
      %swap3A_56 = arith.index_cast %mul3A_14 : i32 to index
      %swap3A_57 = tpu.vector_load %arg6[%swap3A_55, %swap3A_56] {strides = array<i32>} : memref<32x256xf32, #tpu.memory_space<vmem>>, vector<1x16xf32>,
      %swap3A_58 = vector.shape_cast %swap3A_57 : vector<1x16xf32> to vector<16xf32>
      %swap3A_59 = vector.shape_cast %select_n3A_53 : vector<16xf32> to vector<1x16xf32>
      tpu.vector_store %arg6[%swap3A_55, %swap3A_56], %swap3A_59 {strides = array<i32>} : memref<32x256xf32, #tpu.memory_space<vmem>>, vector<1x16xf32>,
      %get3A_60 = arith.constant 3 : i32
      %get3A_61 = arith.index_cast %get3A_60 : i32 to index
      %get3A_62 = arith.index_cast %mul3A_14 : i32 to index
      %get3A_63 = tpu.vector_load %arg4[%get3A_61, %get3A_62] {strides = array<i32>} : memref<32x256xf32, #tpu.memory_space<vmem>>, vector<1x16xf32>,
      %get3A_64 = vector.shape_cast %get3A_63 : vector<1x16xf32> to vector<16xf32>
      %eq3A_65 = arith.constant 0.000000e+00 : f32
      %eq3A_66 = vector.broadcast %eq3A_65 : f32 to vector<16xf32>
      %eq3A_67 = arith.cmpf oeq, %get3A_64, %eq3A_66 : vector<16xf32>
      %jit3A_68 = arith.constant -4.000000e-30 : f32
      %broadcast_in_dim3A_69 = vector.broadcast %jit3A_68 : f32 to vector<16xf32>
      %select_n3A_70 = arith.select %eq3A_67, %broadcast_in_dim3A_69, %get3A_64 : vector<16xi1>, vector<16xf32>
      %swap3A_71 = arith.constant 3 : i32
      %swap3A_72 = arith.index_cast %swap3A_71 : i32 to index
      %swap3A_73 = arith.index_cast %mul3A_14 : i32 to index
      %swap3A_74 = tpu.vector_load %arg6[%swap3A_72, %swap3A_73] {strides = array<i32>} : memref<32x256xf32, #tpu.memory_space<vmem>>, vector<1x16xf32>,
      %swap3A_75 = vector.shape_cast %swap3A_74 : vector<1x16xf32> to vector<16xf32>
      %swap3A_76 = vector.shape_cast %select_n3A_70 : vector<16xf32> to vector<1x16xf32>
      tpu.vector_store %arg6[%swap3A_72, %swap3A_73], %swap3A_76 {strides = array<i32>} : memref<32x256xf32, #tpu.memory_space<vmem>>, vector<1x16xf32>,
      %get3A_77 = arith.constant 4 : i32
      %get3A_78 = arith.index_cast %get3A_77 : i32 to index
      %get3A_79 = arith.index_cast %mul3A_14 : i32 to index
      %get3A_80 = tpu.vector_load %arg4[%get3A_78, %get3A_79] {strides = array<i32>} : memref<32x256xf32, #tpu.memory_space<vmem>>, vector<1x16xf32>,
      %get3A_81 = vector.shape_cast %get3A_80 : vector<1x16xf32> to vector<16xf32>
      %eq3A_82 = arith.constant 0.000000e+00 : f32
      %eq3A_83 = vector.broadcast %eq3A_82 : f32 to vector<16xf32>
      %eq3A_84 = arith.cmpf oeq, %get3A_81, %eq3A_83 : vector<16xf32>
      %jit3A_85 = arith.constant -5.000000e-30 : f32
      %broadcast_in_dim3A_86 = vector.broadcast %jit3A_85 : f32 to vector<16xf32>
      %select_n3A_87 = arith.select %eq3A_84, %broadcast_in_dim3A_86, %get3A_81 : vector<16xi1>, vector<16xf32>
      %swap3A_88 = arith.constant 4 : i32
      %swap3A_89 = arith.index_cast %swap3A_88 : i32 to index
      %swap3A_90 = arith.index_cast %mul3A_14 : i32 to index
      %swap3A_91 = tpu.vector_load %arg6[%swap3A_89, %swap3A_90] {strides = array<i32>} : memref<32x256xf32, #tpu.memory_space<vmem>>, vector<1x16xf32>,
      %swap3A_92 = vector.shape_cast %swap3A_91 : vector<1x16xf32> to vector<16xf32>
      %swap3A_93 = vector.shape_cast %select_n3A_87 : vector<16xf32> to vector<1x16xf32>
      tpu.vector_store %arg6[%swap3A_89, %swap3A_90], %swap3A_93 {strides = array<i32>} : memref<32x256xf32, #tpu.memory_space<vmem>>, vector<1x16xf32>,
      %get3A_94 = arith.constant 5 : i32
      %get3A_95 = arith.index_cast %get3A_94 : i32 to index
      %get3A_96 = arith.index_cast %mul3A_14 : i32 to index
      %get3A_97 = tpu.vector_load %arg4[%get3A_95, %get3A_96] {strides = array<i32>} : memref<32x256xf32, #tpu.memory_space<vmem>>, vector<1x16xf32>,
      %get3A_98 = vector.shape_cast %get3A_97 : vector<1x16xf32> to vector<16xf32>
      %eq3A_99 = arith.constant 0.000000e+00 : f32
      %eq3A_100 = vector.broadcast %eq3A_99 : f32 to vector<16xf32>
      %eq3A_101 = arith.cmpf oeq, %get3A_98, %eq3A_100 : vector<16xf32>
      %jit3A_102 = arith.constant -6.000000e-30 : f32
      %broadcast_in_dim3A_103 = vector.broadcast %jit3A_102 : f32 to vector<16xf32>
      %select_n3A_104 = arith.select %eq3A_101, %broadcast_in_dim3A_103, %get3A_98 : vector<16xi1>, vector<16xf32>
      %swap3A_105 = arith.constant 5 : i32
      %swap3A_106 = arith.index_cast %swap3A_105 : i32 to index
      %swap3A_107 = arith.index_cast %mul3A_14 : i32 to index
      %swap3A_108 = tpu.vector_load %arg6[%swap3A_106, %swap3A_107] {strides = array<i32>} : memref<32x256xf32, #tpu.memory_space<vmem>>, vector<1x16xf32>,
      %swap3A_109 = vector.shape_cast %swap3A_108 : vector<1x16xf32> to vector<16xf32>
      %swap3A_110 = vector.shape_cast %select_n3A_104 : vector<16xf32> to vector<1x16xf32>
      tpu.vector_store %arg6[%swap3A_106, %swap3A_107], %swap3A_110 {strides = array<i32>} : memref<32x256xf32, #tpu.memory_space<vmem>>, vector<1x16xf32>,
      %get3A_111 = arith.constant 6 : i32
      %get3A_112 = arith.index_cast %get3A_111 : i32 to index
      %get3A_113 = arith.index_cast %mul3A_14 : i32 to index
      %get3A_114 = tpu.vector_load %arg4[%get3A_112, %get3A_113] {strides = array<i32>} : memref<32x256xf32, #tpu.memory_space<vmem>>, vector<1x16xf32>,
      %get3A_115 = vector.shape_cast %get3A_114 : vector<1x16xf32> to vector<16xf32>
      %eq3A_116 = arith.constant 0.000000e+00 : f32
      %eq3A_117 = vector.broadcast %eq3A_116 : f32 to vector<16xf32>
      %eq3A_118 = arith.cmpf oeq, %get3A_115, %eq3A_117 : vector<16xf32>
      %jit3A_119 = arith.constant -7.000000e-30 : f32
      %broadcast_in_dim3A_120 = vector.broadcast %jit3A_119 : f32 to vector<16xf32>
      %select_n3A_121 = arith.select %eq3A_118, %broadcast_in_dim3A_120, %get3A_115 : vector<16xi1>, vector<16xf32>
      %swap3A_122 = arith.constant 6 : i32
      %swap3A_123 = arith.index_cast %swap3A_122 : i32 to index
      %swap3A_124 = arith.index_cast %mul3A_14 : i32 to index
      %swap3A_125 = tpu.vector_load %arg6[%swap3A_123, %swap3A_124] {strides = array<i32>} : memref<32x256xf32, #tpu.memory_space<vmem>>, vector<1x16xf32>,
      %swap3A_126 = vector.shape_cast %swap3A_125 : vector<1x16xf32> to vector<16xf32>
      %swap3A_127 = vector.shape_cast %select_n3A_121 : vector<16xf32> to vector<1x16xf32>
      tpu.vector_store %arg6[%swap3A_123, %swap3A_124], %swap3A_127 {strides = array<i32>} : memref<32x256xf32, #tpu.memory_space<vmem>>, vector<1x16xf32>,
      %get3A_128 = arith.constant 7 : i32
      %get3A_129 = arith.index_cast %get3A_128 : i32 to index
      %get3A_130 = arith.index_cast %mul3A_14 : i32 to index
      %get3A_131 = tpu.vector_load %arg4[%get3A_129, %get3A_130] {strides = array<i32>} : memref<32x256xf32, #tpu.memory_space<vmem>>, vector<1x16xf32>,
      %get3A_132 = vector.shape_cast %get3A_131 : vector<1x16xf32> to vector<16xf32>
      %eq3A_133 = arith.constant 0.000000e+00 : f32
      %eq3A_134 = vector.broadcast %eq3A_133 : f32 to vector<16xf32>
      %eq3A_135 = arith.cmpf oeq, %get3A_132, %eq3A_134 : vector<16xf32>
      %jit3A_136 = arith.constant -8.000000e-30 : f32
      %broadcast_in_dim3A_137 = vector.broadcast %jit3A_136 : f32 to vector<16xf32>
      %select_n3A_138 = arith.select %eq3A_135, %broadcast_in_dim3A_137, %get3A_132 : vector<16xi1>, vector<16xf32>
      %swap3A_139 = arith.constant 7 : i32
      %swap3A_140 = arith.index_cast %swap3A_139 : i32 to index
      %swap3A_141 = arith.index_cast %mul3A_14 : i32 to index
      %swap3A_142 = tpu.vector_load %arg6[%swap3A_140, %swap3A_141] {strides = array<i32>} : memref<32x256xf32, #tpu.memory_space<vmem>>, vector<1x16xf32>,
      %swap3A_143 = vector.shape_cast %swap3A_142 : vector<1x16xf32> to vector<16xf32>
      %swap3A_144 = vector.shape_cast %select_n3A_138 : vector<16xf32> to vector<1x16xf32>
      tpu.vector_store %arg6[%swap3A_140, %swap3A_141], %swap3A_144 {strides = array<i32>} : memref<32x256xf32, #tpu.memory_space<vmem>>, vector<1x16xf32>,
      %get3A_145 = arith.constant 8 : i32
      %get3A_146 = arith.index_cast %get3A_145 : i32 to index
      %get3A_147 = arith.index_cast %mul3A_14 : i32 to index
      %get3A_148 = tpu.vector_load %arg4[%get3A_146, %get3A_147] {strides = array<i32>} : memref<32x256xf32, #tpu.memory_space<vmem>>, vector<1x16xf32>,
      %get3A_149 = vector.shape_cast %get3A_148 : vector<1x16xf32> to vector<16xf32>
      %eq3A_150 = arith.constant 0.000000e+00 : f32
      %eq3A_151 = vector.broadcast %eq3A_150 : f32 to vector<16xf32>
      %eq3A_152 = arith.cmpf oeq, %get3A_149, %eq3A_151 : vector<16xf32>
      %jit3A_153 = arith.constant -9.000000e-30 : f32
      %broadcast_in_dim3A_154 = vector.broadcast %jit3A_153 : f32 to vector<16xf32>
      %select_n3A_155 = arith.select %eq3A_152, %broadcast_in_dim3A_154, %get3A_149 : vector<16xi1>, vector<16xf32>
      %swap3A_156 = arith.constant 8 : i32
      %swap3A_157 = arith.index_cast %swap3A_156 : i32 to index
      %swap3A_158 = arith.index_cast %mul3A_14 : i32 to index
      %swap3A_159 = tpu.vector_load %arg6[%swap3A_157, %swap3A_158] {strides = array<i32>} : memref<32x256xf32, #tpu.memory_space<vmem>>, vector<1x16xf32>,
      %swap3A_160 = vector.shape_cast %swap3A_159 : vector<1x16xf32> to vector<16xf32>
      %swap3A_161 = vector.shape_cast %select_n3A_155 : vector<16xf32> to vector<1x16xf32>
      tpu.vector_store %arg6[%swap3A_157, %swap3A_158], %swap3A_161 {strides = array<i32>} : memref<32x256xf32, #tpu.memory_space<vmem>>, vector<1x16xf32>,
      %get3A_162 = arith.constant 9 : i32
      %get3A_163 = arith.index_cast %get3A_162 : i32 to index
      %get3A_164 = arith.index_cast %mul3A_14 : i32 to index
      %get3A_165 = tpu.vector_load %arg4[%get3A_163, %get3A_164] {strides = array<i32>} : memref<32x256xf32, #tpu.memory_space<vmem>>, vector<1x16xf32>,
      %get3A_166 = vector.shape_cast %get3A_165 : vector<1x16xf32> to vector<16xf32>
      %eq3A_167 = arith.constant 0.000000e+00 : f32
      %eq3A_168 = vector.broadcast %eq3A_167 : f32 to vector<16xf32>
      %eq3A_169 = arith.cmpf oeq, %get3A_166, %eq3A_168 : vector<16xf32>
      %jit3A_170 = arith.constant -1.000000e-29 : f32
      %broadcast_in_dim3A_171 = vector.broadcast %jit3A_170 : f32 to vector<16xf32>
      %select_n3A_172 = arith.select %eq3A_169, %broadcast_in_dim3A_171, %get3A_166 : vector<16xi1>, vector<16xf32>
      %swap3A_173 = arith.constant 9 : i32
      %swap3A_174 = arith.index_cast %swap3A_173 : i32 to index
      %swap3A_175 = arith.index_cast %mul3A_14 : i32 to index
      %swap3A_176 = tpu.vector_load %arg6[%swap3A_174, %swap3A_175] {strides = array<i32>} : memref<32x256xf32, #tpu.memory_space<vmem>>, vector<1x16xf32>,
      %swap3A_177 = vector.shape_cast %swap3A_176 : vector<1x16xf32> to vector<16xf32>
      %swap3A_178 = vector.shape_cast %select_n3A_172 : vector<16xf32> to vector<1x16xf32>
      tpu.vector_store %arg6[%swap3A_174, %swap3A_175], %swap3A_178 {strides = array<i32>} : memref<32x256xf32, #tpu.memory_space<vmem>>, vector<1x16xf32>,
      %get3A_179 = arith.constant 10 : i32
      %get3A_180 = arith.index_cast %get3A_179 : i32 to index
      %get3A_181 = arith.index_cast %mul3A_14 : i32 to index
      %get3A_182 = tpu.vector_load %arg4[%get3A_180, %get3A_181] {strides = array<i32>} : memref<32x256xf32, #tpu.memory_space<vmem>>, vector<1x16xf32>,
      %get3A_183 = vector.shape_cast %get3A_182 : vector<1x16xf32> to vector<16xf32>
      %eq3A_184 = arith.constant 0.000000e+00 : f32
      %eq3A_185 = vector.broadcast %eq3A_184 : f32 to vector<16xf32>
      %eq3A_186 = arith.cmpf oeq, %get3A_183, %eq3A_185 : vector<16xf32>
      %jit3A_187 = arith.constant -1.100000e-29 : f32
      %broadcast_in_dim3A_188 = vector.broadcast %jit3A_187 : f32 to vector<16xf32>
      %select_n3A_189 = arith.select %eq3A_186, %broadcast_in_dim3A_188, %get3A_183 : vector<16xi1>, vector<16xf32>
      %swap3A_190 = arith.constant 10 : i32
      %swap3A_191 = arith.index_cast %swap3A_190 : i32 to index
      %swap3A_192 = arith.index_cast %mul3A_14 : i32 to index
      %swap3A_193 = tpu.vector_load %arg6[%swap3A_191, %swap3A_192] {strides = array<i32>} : memref<32x256xf32, #tpu.memory_space<vmem>>, vector<1x16xf32>,
      %swap3A_194 = vector.shape_cast %swap3A_193 : vector<1x16xf32> to vector<16xf32>
      %swap3A_195 = vector.shape_cast %select_n3A_189 : vector<16xf32> to vector<1x16xf32>
      tpu.vector_store %arg6[%swap3A_191, %swap3A_192], %swap3A_195 {strides = array<i32>} : memref<32x256xf32, #tpu.memory_space<vmem>>, vector<1x16xf32>,
      %get3A_196 = arith.constant 11 : i32
      %get3A_197 = arith.index_cast %get3A_196 : i32 to index
      %get3A_198 = arith.index_cast %mul3A_14 : i32 to index
      %get3A_199 = tpu.vector_load %arg4[%get3A_197, %get3A_198] {strides = array<i32>} : memref<32x256xf32, #tpu.memory_space<vmem>>, vector<1x16xf32>,
      %get3A_200 = vector.shape_cast %get3A_199 : vector<1x16xf32> to vector<16xf32>
      %eq3A_201 = arith.constant 0.000000e+00 : f32
      %eq3A_202 = vector.broadcast %eq3A_201 : f32 to vector<16xf32>
      %eq3A_203 = arith.cmpf oeq, %get3A_200, %eq3A_202 : vector<16xf32>
      %jit3A_204 = arith.constant -1.200000e-29 : f32
      %broadcast_in_dim3A_205 = vector.broadcast %jit3A_204 : f32 to vector<16xf32>
      %select_n3A_206 = arith.select %eq3A_203, %broadcast_in_dim3A_205, %get3A_200 : vector<16xi1>, vector<16xf32>
      %swap3A_207 = arith.constant 11 : i32
      %swap3A_208 = arith.index_cast %swap3A_207 : i32 to index
      %swap3A_209 = arith.index_cast %mul3A_14 : i32 to index
      %swap3A_210 = tpu.vector_load %arg6[%swap3A_208, %swap3A_209] {strides = array<i32>} : memref<32x256xf32, #tpu.memory_space<vmem>>, vector<1x16xf32>,
      %swap3A_211 = vector.shape_cast %swap3A_210 : vector<1x16xf32> to vector<16xf32>
      %swap3A_212 = vector.shape_cast %select_n3A_206 : vector<16xf32> to vector<1x16xf32>
      tpu.vector_store %arg6[%swap3A_208, %swap3A_209], %swap3A_212 {strides = array<i32>} : memref<32x256xf32, #tpu.memory_space<vmem>>, vector<1x16xf32>,
      %get3A_213 = arith.constant 12 : i32
      %get3A_214 = arith.index_cast %get3A_213 : i32 to index
      %get3A_215 = arith.index_cast %mul3A_14 : i32 to index
      %get3A_216 = tpu.vector_load %arg4[%get3A_214, %get3A_215] {strides = array<i32>} : memref<32x256xf32, #tpu.memory_space<vmem>>, vector<1x16xf32>,
      %get3A_217 = vector.shape_cast %get3A_216 : vector<1x16xf32> to vector<16xf32>
      %eq3A_218 = arith.constant 0.000000e+00 : f32
      %eq3A_219 = vector.broadcast %eq3A_218 : f32 to vector<16xf32>
      %eq3A_220 = arith.cmpf oeq, %get3A_217, %eq3A_219 : vector<16xf32>
      %jit3A_221 = arith.constant -1.300000e-29 : f32
      %broadcast_in_dim3A_222 = vector.broadcast %jit3A_221 : f32 to vector<16xf32>
      %select_n3A_223 = arith.select %eq3A_220, %broadcast_in_dim3A_222, %get3A_217 : vector<16xi1>, vector<16xf32>
      %swap3A_224 = arith.constant 12 : i32
      %swap3A_225 = arith.index_cast %swap3A_224 : i32 to index
      %swap3A_226 = arith.index_cast %mul3A_14 : i32 to index
      %swap3A_227 = tpu.vector_load %arg6[%swap3A_225, %swap3A_226] {strides = array<i32>} : memref<32x256xf32, #tpu.memory_space<vmem>>, vector<1x16xf32>,
      %swap3A_228 = vector.shape_cast %swap3A_227 : vector<1x16xf32> to vector<16xf32>
      %swap3A_229 = vector.shape_cast %select_n3A_223 : vector<16xf32> to vector<1x16xf32>
      tpu.vector_store %arg6[%swap3A_225, %swap3A_226], %swap3A_229 {strides = array<i32>} : memref<32x256xf32, #tpu.memory_space<vmem>>, vector<1x16xf32>,
      %get3A_230 = arith.constant 13 : i32
      %get3A_231 = arith.index_cast %get3A_230 : i32 to index
      %get3A_232 = arith.index_cast %mul3A_14 : i32 to index
      %get3A_233 = tpu.vector_load %arg4[%get3A_231, %get3A_232] {strides = array<i32>} : memref<32x256xf32, #tpu.memory_space<vmem>>, vector<1x16xf32>,
      %get3A_234 = vector.shape_cast %get3A_233 : vector<1x16xf32> to vector<16xf32>
      %eq3A_235 = arith.constant 0.000000e+00 : f32
      %eq3A_236 = vector.broadcast %eq3A_235 : f32 to vector<16xf32>
      %eq3A_237 = arith.cmpf oeq, %get3A_234, %eq3A_236 : vector<16xf32>
      %jit3A_238 = arith.constant -1.400000e-29 : f32
      %broadcast_in_dim3A_239 = vector.broadcast %jit3A_238 : f32 to vector<16xf32>
      %select_n3A_240 = arith.select %eq3A_237, %broadcast_in_dim3A_239, %get3A_234 : vector<16xi1>, vector<16xf32>
      %swap3A_241 = arith.constant 13 : i32
      %swap3A_242 = arith.index_cast %swap3A_241 : i32 to index
      %swap3A_243 = arith.index_cast %mul3A_14 : i32 to index
      %swap3A_244 = tpu.vector_load %arg6[%swap3A_242, %swap3A_243] {strides = array<i32>} : memref<32x256xf32, #tpu.memory_space<vmem>>, vector<1x16xf32>,
      %swap3A_245 = vector.shape_cast %swap3A_244 : vector<1x16xf32> to vector<16xf32>
      %swap3A_246 = vector.shape_cast %select_n3A_240 : vector<16xf32> to vector<1x16xf32>
      tpu.vector_store %arg6[%swap3A_242, %swap3A_243], %swap3A_246 {strides = array<i32>} : memref<32x256xf32, #tpu.memory_space<vmem>>, vector<1x16xf32>,
      %get3A_247 = arith.constant 14 : i32
      %get3A_248 = arith.index_cast %get3A_247 : i32 to index
      %get3A_249 = arith.index_cast %mul3A_14 : i32 to index
      %get3A_250 = tpu.vector_load %arg4[%get3A_248, %get3A_249] {strides = array<i32>} : memref<32x256xf32, #tpu.memory_space<vmem>>, vector<1x16xf32>,
      %get3A_251 = vector.shape_cast %get3A_250 : vector<1x16xf32> to vector<16xf32>
      %eq3A_252 = arith.constant 0.000000e+00 : f32
      %eq3A_253 = vector.broadcast %eq3A_252 : f32 to vector<16xf32>
      %eq3A_254 = arith.cmpf oeq, %get3A_251, %eq3A_253 : vector<16xf32>
      %jit3A_255 = arith.constant -1.500000e-29 : f32
      %broadcast_in_dim3A_256 = vector.broadcast %jit3A_255 : f32 to vector<16xf32>
      %select_n3A_257 = arith.select %eq3A_254, %broadcast_in_dim3A_256, %get3A_251 : vector<16xi1>, vector<16xf32>
      %swap3A_258 = arith.constant 14 : i32
      %swap3A_259 = arith.index_cast %swap3A_258 : i32 to index
      %swap3A_260 = arith.index_cast %mul3A_14 : i32 to index
      %swap3A_261 = tpu.vector_load %arg6[%swap3A_259, %swap3A_260] {strides = array<i32>} : memref<32x256xf32, #tpu.memory_space<vmem>>, vector<1x16xf32>,
      %swap3A_262 = vector.shape_cast %swap3A_261 : vector<1x16xf32> to vector<16xf32>
      %swap3A_263 = vector.shape_cast %select_n3A_257 : vector<16xf32> to vector<1x16xf32>
      tpu.vector_store %arg6[%swap3A_259, %swap3A_260], %swap3A_263 {strides = array<i32>} : memref<32x256xf32, #tpu.memory_space<vmem>>, vector<1x16xf32>,
      %get3A_264 = arith.constant 15 : i32
      %get3A_265 = arith.index_cast %get3A_264 : i32 to index
      %get3A_266 = arith.index_cast %mul3A_14 : i32 to index
      %get3A_267 = tpu.vector_load %arg4[%get3A_265, %get3A_266] {strides = array<i32>} : memref<32x256xf32, #tpu.memory_space<vmem>>, vector<1x16xf32>,
      %get3A_268 = vector.shape_cast %get3A_267 : vector<1x16xf32> to vector<16xf32>
      %eq3A_269 = arith.constant 0.000000e+00 : f32
      %eq3A_270 = vector.broadcast %eq3A_269 : f32 to vector<16xf32>
      %eq3A_271 = arith.cmpf oeq, %get3A_268, %eq3A_270 : vector<16xf32>
      %jit3A_272 = arith.constant -1.600000e-29 : f32
      %broadcast_in_dim3A_273 = vector.broadcast %jit3A_272 : f32 to vector<16xf32>
      %select_n3A_274 = arith.select %eq3A_271, %broadcast_in_dim3A_273, %get3A_268 : vector<16xi1>, vector<16xf32>
      %swap3A_275 = arith.constant 15 : i32
      %swap3A_276 = arith.index_cast %swap3A_275 : i32 to index
      %swap3A_277 = arith.index_cast %mul3A_14 : i32 to index
      %swap3A_278 = tpu.vector_load %arg6[%swap3A_276, %swap3A_277] {strides = array<i32>} : memref<32x256xf32, #tpu.memory_space<vmem>>, vector<1x16xf32>,
      %swap3A_279 = vector.shape_cast %swap3A_278 : vector<1x16xf32> to vector<16xf32>
      %swap3A_280 = vector.shape_cast %select_n3A_274 : vector<16xf32> to vector<1x16xf32>
      tpu.vector_store %arg6[%swap3A_276, %swap3A_277], %swap3A_280 {strides = array<i32>} : memref<32x256xf32, #tpu.memory_space<vmem>>, vector<1x16xf32>,
      %get3A_281 = arith.constant 16 : i32
      %get3A_282 = arith.index_cast %get3A_281 : i32 to index
      %get3A_283 = arith.index_cast %mul3A_14 : i32 to index
      %get3A_284 = tpu.vector_load %arg4[%get3A_282, %get3A_283] {strides = array<i32>} : memref<32x256xf32, #tpu.memory_space<vmem>>, vector<1x16xf32>,
      %get3A_285 = vector.shape_cast %get3A_284 : vector<1x16xf32> to vector<16xf32>
      %eq3A_286 = arith.constant 0.000000e+00 : f32
      %eq3A_287 = vector.broadcast %eq3A_286 : f32 to vector<16xf32>
      %eq3A_288 = arith.cmpf oeq, %get3A_285, %eq3A_287 : vector<16xf32>
      %jit3A_289 = arith.constant -1.700000e-29 : f32
      %broadcast_in_dim3A_290 = vector.broadcast %jit3A_289 : f32 to vector<16xf32>
      %select_n3A_291 = arith.select %eq3A_288, %broadcast_in_dim3A_290, %get3A_285 : vector<16xi1>, vector<16xf32>
      %swap3A_292 = arith.constant 16 : i32
      %swap3A_293 = arith.index_cast %swap3A_292 : i32 to index
      %swap3A_294 = arith.index_cast %mul3A_14 : i32 to index
      %swap3A_295 = tpu.vector_load %arg6[%swap3A_293, %swap3A_294] {strides = array<i32>} : memref<32x256xf32, #tpu.memory_space<vmem>>, vector<1x16xf32>,
      %swap3A_296 = vector.shape_cast %swap3A_295 : vector<1x16xf32> to vector<16xf32>
      %swap3A_297 = vector.shape_cast %select_n3A_291 : vector<16xf32> to vector<1x16xf32>
      tpu.vector_store %arg6[%swap3A_293, %swap3A_294], %swap3A_297 {strides = array<i32>} : memref<32x256xf32, #tpu.memory_space<vmem>>, vector<1x16xf32>,
      %get3A_298 = arith.constant 17 : i32
      %get3A_299 = arith.index_cast %get3A_298 : i32 to index
      %get3A_300 = arith.index_cast %mul3A_14 : i32 to index
      %get3A_301 = tpu.vector_load %arg4[%get3A_299, %get3A_300] {strides = array<i32>} : memref<32x256xf32, #tpu.memory_space<vmem>>, vector<1x16xf32>,
      %get3A_302 = vector.shape_cast %get3A_301 : vector<1x16xf32> to vector<16xf32>
      %eq3A_303 = arith.constant 0.000000e+00 : f32
      %eq3A_304 = vector.broadcast %eq3A_303 : f32 to vector<16xf32>
      %eq3A_305 = arith.cmpf oeq, %get3A_302, %eq3A_304 : vector<16xf32>
      %jit3A_306 = arith.constant -1.800000e-29 : f32
      %broadcast_in_dim3A_307 = vector.broadcast %jit3A_306 : f32 to vector<16xf32>
      %select_n3A_308 = arith.select %eq3A_305, %broadcast_in_dim3A_307, %get3A_302 : vector<16xi1>, vector<16xf32>
      %swap3A_309 = arith.constant 17 : i32
      %swap3A_310 = arith.index_cast %swap3A_309 : i32 to index
      %swap3A_311 = arith.index_cast %mul3A_14 : i32 to index
      %swap3A_312 = tpu.vector_load %arg6[%swap3A_310, %swap3A_311] {strides = array<i32>} : memref<32x256xf32, #tpu.memory_space<vmem>>, vector<1x16xf32>,
      %swap3A_313 = vector.shape_cast %swap3A_312 : vector<1x16xf32> to vector<16xf32>
      %swap3A_314 = vector.shape_cast %select_n3A_308 : vector<16xf32> to vector<1x16xf32>
      tpu.vector_store %arg6[%swap3A_310, %swap3A_311], %swap3A_314 {strides = array<i32>} : memref<32x256xf32, #tpu.memory_space<vmem>>, vector<1x16xf32>,
      %get3A_315 = arith.constant 18 : i32
      %get3A_316 = arith.index_cast %get3A_315 : i32 to index
      %get3A_317 = arith.index_cast %mul3A_14 : i32 to index
      %get3A_318 = tpu.vector_load %arg4[%get3A_316, %get3A_317] {strides = array<i32>} : memref<32x256xf32, #tpu.memory_space<vmem>>, vector<1x16xf32>,
      %get3A_319 = vector.shape_cast %get3A_318 : vector<1x16xf32> to vector<16xf32>
      %eq3A_320 = arith.constant 0.000000e+00 : f32
      %eq3A_321 = vector.broadcast %eq3A_320 : f32 to vector<16xf32>
      %eq3A_322 = arith.cmpf oeq, %get3A_319, %eq3A_321 : vector<16xf32>
      %jit3A_323 = arith.constant -1.900000e-29 : f32
      %broadcast_in_dim3A_324 = vector.broadcast %jit3A_323 : f32 to vector<16xf32>
      %select_n3A_325 = arith.select %eq3A_322, %broadcast_in_dim3A_324, %get3A_319 : vector<16xi1>, vector<16xf32>
      %swap3A_326 = arith.constant 18 : i32
      %swap3A_327 = arith.index_cast %swap3A_326 : i32 to index
      %swap3A_328 = arith.index_cast %mul3A_14 : i32 to index
      %swap3A_329 = tpu.vector_load %arg6[%swap3A_327, %swap3A_328] {strides = array<i32>} : memref<32x256xf32, #tpu.memory_space<vmem>>, vector<1x16xf32>,
      %swap3A_330 = vector.shape_cast %swap3A_329 : vector<1x16xf32> to vector<16xf32>
      %swap3A_331 = vector.shape_cast %select_n3A_325 : vector<16xf32> to vector<1x16xf32>
      tpu.vector_store %arg6[%swap3A_327, %swap3A_328], %swap3A_331 {strides = array<i32>} : memref<32x256xf32, #tpu.memory_space<vmem>>, vector<1x16xf32>,
      %get3A_332 = arith.constant 19 : i32
      %get3A_333 = arith.index_cast %get3A_332 : i32 to index
      %get3A_334 = arith.index_cast %mul3A_14 : i32 to index
      %get3A_335 = tpu.vector_load %arg4[%get3A_333, %get3A_334] {strides = array<i32>} : memref<32x256xf32, #tpu.memory_space<vmem>>, vector<1x16xf32>,
      %get3A_336 = vector.shape_cast %get3A_335 : vector<1x16xf32> to vector<16xf32>
      %eq3A_337 = arith.constant 0.000000e+00 : f32
      %eq3A_338 = vector.broadcast %eq3A_337 : f32 to vector<16xf32>
      %eq3A_339 = arith.cmpf oeq, %get3A_336, %eq3A_338 : vector<16xf32>
      %jit3A_340 = arith.constant -2.000000e-29 : f32
      %broadcast_in_dim3A_341 = vector.broadcast %jit3A_340 : f32 to vector<16xf32>
      %select_n3A_342 = arith.select %eq3A_339, %broadcast_in_dim3A_341, %get3A_336 : vector<16xi1>, vector<16xf32>
      %swap3A_343 = arith.constant 19 : i32
      %swap3A_344 = arith.index_cast %swap3A_343 : i32 to index
      %swap3A_345 = arith.index_cast %mul3A_14 : i32 to index
      %swap3A_346 = tpu.vector_load %arg6[%swap3A_344, %swap3A_345] {strides = array<i32>} : memref<32x256xf32, #tpu.memory_space<vmem>>, vector<1x16xf32>,
      %swap3A_347 = vector.shape_cast %swap3A_346 : vector<1x16xf32> to vector<16xf32>
      %swap3A_348 = vector.shape_cast %select_n3A_342 : vector<16xf32> to vector<1x16xf32>
      tpu.vector_store %arg6[%swap3A_344, %swap3A_345], %swap3A_348 {strides = array<i32>} : memref<32x256xf32, #tpu.memory_space<vmem>>, vector<1x16xf32>,
      %get3A_349 = arith.constant 20 : i32
      %get3A_350 = arith.index_cast %get3A_349 : i32 to index
      %get3A_351 = arith.index_cast %mul3A_14 : i32 to index
      %get3A_352 = tpu.vector_load %arg4[%get3A_350, %get3A_351] {strides = array<i32>} : memref<32x256xf32, #tpu.memory_space<vmem>>, vector<1x16xf32>,
      %get3A_353 = vector.shape_cast %get3A_352 : vector<1x16xf32> to vector<16xf32>
      %eq3A_354 = arith.constant 0.000000e+00 : f32
      %eq3A_355 = vector.broadcast %eq3A_354 : f32 to vector<16xf32>
      %eq3A_356 = arith.cmpf oeq, %get3A_353, %eq3A_355 : vector<16xf32>
      %jit3A_357 = arith.constant -2.100000e-29 : f32
      %broadcast_in_dim3A_358 = vector.broadcast %jit3A_357 : f32 to vector<16xf32>
      %select_n3A_359 = arith.select %eq3A_356, %broadcast_in_dim3A_358, %get3A_353 : vector<16xi1>, vector<16xf32>
      %swap3A_360 = arith.constant 20 : i32
      %swap3A_361 = arith.index_cast %swap3A_360 : i32 to index
      %swap3A_362 = arith.index_cast %mul3A_14 : i32 to index
      %swap3A_363 = tpu.vector_load %arg6[%swap3A_361, %swap3A_362] {strides = array<i32>} : memref<32x256xf32, #tpu.memory_space<vmem>>, vector<1x16xf32>,
      %swap3A_364 = vector.shape_cast %swap3A_363 : vector<1x16xf32> to vector<16xf32>
      %swap3A_365 = vector.shape_cast %select_n3A_359 : vector<16xf32> to vector<1x16xf32>
      tpu.vector_store %arg6[%swap3A_361, %swap3A_362], %swap3A_365 {strides = array<i32>} : memref<32x256xf32, #tpu.memory_space<vmem>>, vector<1x16xf32>,
      %get3A_366 = arith.constant 21 : i32
      %get3A_367 = arith.index_cast %get3A_366 : i32 to index
      %get3A_368 = arith.index_cast %mul3A_14 : i32 to index
      %get3A_369 = tpu.vector_load %arg4[%get3A_367, %get3A_368] {strides = array<i32>} : memref<32x256xf32, #tpu.memory_space<vmem>>, vector<1x16xf32>,
      %get3A_370 = vector.shape_cast %get3A_369 : vector<1x16xf32> to vector<16xf32>
      %eq3A_371 = arith.constant 0.000000e+00 : f32
      %eq3A_372 = vector.broadcast %eq3A_371 : f32 to vector<16xf32>
      %eq3A_373 = arith.cmpf oeq, %get3A_370, %eq3A_372 : vector<16xf32>
      %jit3A_374 = arith.constant -2.200000e-29 : f32
      %broadcast_in_dim3A_375 = vector.broadcast %jit3A_374 : f32 to vector<16xf32>
      %select_n3A_376 = arith.select %eq3A_373, %broadcast_in_dim3A_375, %get3A_370 : vector<16xi1>, vector<16xf32>
      %swap3A_377 = arith.constant 21 : i32
      %swap3A_378 = arith.index_cast %swap3A_377 : i32 to index
      %swap3A_379 = arith.index_cast %mul3A_14 : i32 to index
      %swap3A_380 = tpu.vector_load %arg6[%swap3A_378, %swap3A_379] {strides = array<i32>} : memref<32x256xf32, #tpu.memory_space<vmem>>, vector<1x16xf32>,
      %swap3A_381 = vector.shape_cast %swap3A_380 : vector<1x16xf32> to vector<16xf32>
      %swap3A_382 = vector.shape_cast %select_n3A_376 : vector<16xf32> to vector<1x16xf32>
      tpu.vector_store %arg6[%swap3A_378, %swap3A_379], %swap3A_382 {strides = array<i32>} : memref<32x256xf32, #tpu.memory_space<vmem>>, vector<1x16xf32>,
      %get3A_383 = arith.constant 22 : i32
      %get3A_384 = arith.index_cast %get3A_383 : i32 to index
      %get3A_385 = arith.index_cast %mul3A_14 : i32 to index
      %get3A_386 = tpu.vector_load %arg4[%get3A_384, %get3A_385] {strides = array<i32>} : memref<32x256xf32, #tpu.memory_space<vmem>>, vector<1x16xf32>,
      %get3A_387 = vector.shape_cast %get3A_386 : vector<1x16xf32> to vector<16xf32>
      %eq3A_388 = arith.constant 0.000000e+00 : f32
      %eq3A_389 = vector.broadcast %eq3A_388 : f32 to vector<16xf32>
      %eq3A_390 = arith.cmpf oeq, %get3A_387, %eq3A_389 : vector<16xf32>
      %jit3A_391 = arith.constant -2.300000e-29 : f32
      %broadcast_in_dim3A_392 = vector.broadcast %jit3A_391 : f32 to vector<16xf32>
      %select_n3A_393 = arith.select %eq3A_390, %broadcast_in_dim3A_392, %get3A_387 : vector<16xi1>, vector<16xf32>
      %swap3A_394 = arith.constant 22 : i32
      %swap3A_395 = arith.index_cast %swap3A_394 : i32 to index
      %swap3A_396 = arith.index_cast %mul3A_14 : i32 to index
      %swap3A_397 = tpu.vector_load %arg6[%swap3A_395, %swap3A_396] {strides = array<i32>} : memref<32x256xf32, #tpu.memory_space<vmem>>, vector<1x16xf32>,
      %swap3A_398 = vector.shape_cast %swap3A_397 : vector<1x16xf32> to vector<16xf32>
      %swap3A_399 = vector.shape_cast %select_n3A_393 : vector<16xf32> to vector<1x16xf32>
      tpu.vector_store %arg6[%swap3A_395, %swap3A_396], %swap3A_399 {strides = array<i32>} : memref<32x256xf32, #tpu.memory_space<vmem>>, vector<1x16xf32>,
      %get3A_400 = arith.constant 23 : i32
      %get3A_401 = arith.index_cast %get3A_400 : i32 to index
      %get3A_402 = arith.index_cast %mul3A_14 : i32 to index
      %get3A_403 = tpu.vector_load %arg4[%get3A_401, %get3A_402] {strides = array<i32>} : memref<32x256xf32, #tpu.memory_space<vmem>>, vector<1x16xf32>,
      %get3A_404 = vector.shape_cast %get3A_403 : vector<1x16xf32> to vector<16xf32>
      %eq3A_405 = arith.constant 0.000000e+00 : f32
      %eq3A_406 = vector.broadcast %eq3A_405 : f32 to vector<16xf32>
      %eq3A_407 = arith.cmpf oeq, %get3A_404, %eq3A_406 : vector<16xf32>
      %jit3A_408 = arith.constant -2.400000e-29 : f32
      %broadcast_in_dim3A_409 = vector.broadcast %jit3A_408 : f32 to vector<16xf32>
      %select_n3A_410 = arith.select %eq3A_407, %broadcast_in_dim3A_409, %get3A_404 : vector<16xi1>, vector<16xf32>
      %swap3A_411 = arith.constant 23 : i32
      %swap3A_412 = arith.index_cast %swap3A_411 : i32 to index
      %swap3A_413 = arith.index_cast %mul3A_14 : i32 to index
      %swap3A_414 = tpu.vector_load %arg6[%swap3A_412, %swap3A_413] {strides = array<i32>} : memref<32x256xf32, #tpu.memory_space<vmem>>, vector<1x16xf32>,
      %swap3A_415 = vector.shape_cast %swap3A_414 : vector<1x16xf32> to vector<16xf32>
      %swap3A_416 = vector.shape_cast %select_n3A_410 : vector<16xf32> to vector<1x16xf32>
      tpu.vector_store %arg6[%swap3A_412, %swap3A_413], %swap3A_416 {strides = array<i32>} : memref<32x256xf32, #tpu.memory_space<vmem>>, vector<1x16xf32>,
      %get3A_417 = arith.constant 24 : i32
      %get3A_418 = arith.index_cast %get3A_417 : i32 to index
      %get3A_419 = arith.index_cast %mul3A_14 : i32 to index
      %get3A_420 = tpu.vector_load %arg4[%get3A_418, %get3A_419] {strides = array<i32>} : memref<32x256xf32, #tpu.memory_space<vmem>>, vector<1x16xf32>,
      %get3A_421 = vector.shape_cast %get3A_420 : vector<1x16xf32> to vector<16xf32>
      %eq3A_422 = arith.constant 0.000000e+00 : f32
      %eq3A_423 = vector.broadcast %eq3A_422 : f32 to vector<16xf32>
      %eq3A_424 = arith.cmpf oeq, %get3A_421, %eq3A_423 : vector<16xf32>
      %jit3A_425 = arith.constant -2.500000e-29 : f32
      %broadcast_in_dim3A_426 = vector.broadcast %jit3A_425 : f32 to vector<16xf32>
      %select_n3A_427 = arith.select %eq3A_424, %broadcast_in_dim3A_426, %get3A_421 : vector<16xi1>, vector<16xf32>
      %swap3A_428 = arith.constant 24 : i32
      %swap3A_429 = arith.index_cast %swap3A_428 : i32 to index
      %swap3A_430 = arith.index_cast %mul3A_14 : i32 to index
      %swap3A_431 = tpu.vector_load %arg6[%swap3A_429, %swap3A_430] {strides = array<i32>} : memref<32x256xf32, #tpu.memory_space<vmem>>, vector<1x16xf32>,
      %swap3A_432 = vector.shape_cast %swap3A_431 : vector<1x16xf32> to vector<16xf32>
      %swap3A_433 = vector.shape_cast %select_n3A_427 : vector<16xf32> to vector<1x16xf32>
      tpu.vector_store %arg6[%swap3A_429, %swap3A_430], %swap3A_433 {strides = array<i32>} : memref<32x256xf32, #tpu.memory_space<vmem>>, vector<1x16xf32>,
      %get3A_434 = arith.constant 25 : i32
      %get3A_435 = arith.index_cast %get3A_434 : i32 to index
      %get3A_436 = arith.index_cast %mul3A_14 : i32 to index
      %get3A_437 = tpu.vector_load %arg4[%get3A_435, %get3A_436] {strides = array<i32>} : memref<32x256xf32, #tpu.memory_space<vmem>>, vector<1x16xf32>,
      %get3A_438 = vector.shape_cast %get3A_437 : vector<1x16xf32> to vector<16xf32>
      %eq3A_439 = arith.constant 0.000000e+00 : f32
      %eq3A_440 = vector.broadcast %eq3A_439 : f32 to vector<16xf32>
      %eq3A_441 = arith.cmpf oeq, %get3A_438, %eq3A_440 : vector<16xf32>
      %jit3A_442 = arith.constant -2.600000e-29 : f32
      %broadcast_in_dim3A_443 = vector.broadcast %jit3A_442 : f32 to vector<16xf32>
      %select_n3A_444 = arith.select %eq3A_441, %broadcast_in_dim3A_443, %get3A_438 : vector<16xi1>, vector<16xf32>
      %swap3A_445 = arith.constant 25 : i32
      %swap3A_446 = arith.index_cast %swap3A_445 : i32 to index
      %swap3A_447 = arith.index_cast %mul3A_14 : i32 to index
      %swap3A_448 = tpu.vector_load %arg6[%swap3A_446, %swap3A_447] {strides = array<i32>} : memref<32x256xf32, #tpu.memory_space<vmem>>, vector<1x16xf32>,
      %swap3A_449 = vector.shape_cast %swap3A_448 : vector<1x16xf32> to vector<16xf32>
      %swap3A_450 = vector.shape_cast %select_n3A_444 : vector<16xf32> to vector<1x16xf32>
      tpu.vector_store %arg6[%swap3A_446, %swap3A_447], %swap3A_450 {strides = array<i32>} : memref<32x256xf32, #tpu.memory_space<vmem>>, vector<1x16xf32>,
      %get3A_451 = arith.constant 26 : i32
      %get3A_452 = arith.index_cast %get3A_451 : i32 to index
      %get3A_453 = arith.index_cast %mul3A_14 : i32 to index
      %get3A_454 = tpu.vector_load %arg4[%get3A_452, %get3A_453] {strides = array<i32>} : memref<32x256xf32, #tpu.memory_space<vmem>>, vector<1x16xf32>,
      %get3A_455 = vector.shape_cast %get3A_454 : vector<1x16xf32> to vector<16xf32>
      %eq3A_456 = arith.constant 0.000000e+00 : f32
      %eq3A_457 = vector.broadcast %eq3A_456 : f32 to vector<16xf32>
      %eq3A_458 = arith.cmpf oeq, %get3A_455, %eq3A_457 : vector<16xf32>
      %jit3A_459 = arith.constant -2.700000e-29 : f32
      %broadcast_in_dim3A_460 = vector.broadcast %jit3A_459 : f32 to vector<16xf32>
      %select_n3A_461 = arith.select %eq3A_458, %broadcast_in_dim3A_460, %get3A_455 : vector<16xi1>, vector<16xf32>
      %swap3A_462 = arith.constant 26 : i32
      %swap3A_463 = arith.index_cast %swap3A_462 : i32 to index
      %swap3A_464 = arith.index_cast %mul3A_14 : i32 to index
      %swap3A_465 = tpu.vector_load %arg6[%swap3A_463, %swap3A_464] {strides = array<i32>} : memref<32x256xf32, #tpu.memory_space<vmem>>, vector<1x16xf32>,
      %swap3A_466 = vector.shape_cast %swap3A_465 : vector<1x16xf32> to vector<16xf32>
      %swap3A_467 = vector.shape_cast %select_n3A_461 : vector<16xf32> to vector<1x16xf32>
      tpu.vector_store %arg6[%swap3A_463, %swap3A_464], %swap3A_467 {strides = array<i32>} : memref<32x256xf32, #tpu.memory_space<vmem>>, vector<1x16xf32>,
      %get3A_468 = arith.constant 27 : i32
      %get3A_469 = arith.index_cast %get3A_468 : i32 to index
      %get3A_470 = arith.index_cast %mul3A_14 : i32 to index
      %get3A_471 = tpu.vector_load %arg4[%get3A_469, %get3A_470] {strides = array<i32>} : memref<32x256xf32, #tpu.memory_space<vmem>>, vector<1x16xf32>,
      %get3A_472 = vector.shape_cast %get3A_471 : vector<1x16xf32> to vector<16xf32>
      %eq3A_473 = arith.constant 0.000000e+00 : f32
      %eq3A_474 = vector.broadcast %eq3A_473 : f32 to vector<16xf32>
      %eq3A_475 = arith.cmpf oeq, %get3A_472, %eq3A_474 : vector<16xf32>
      %jit3A_476 = arith.constant -2.800000e-29 : f32
      %broadcast_in_dim3A_477 = vector.broadcast %jit3A_476 : f32 to vector<16xf32>
      %select_n3A_478 = arith.select %eq3A_475, %broadcast_in_dim3A_477, %get3A_472 : vector<16xi1>, vector<16xf32>
      %swap3A_479 = arith.constant 27 : i32
      %swap3A_480 = arith.index_cast %swap3A_479 : i32 to index
      %swap3A_481 = arith.index_cast %mul3A_14 : i32 to index
      %swap3A_482 = tpu.vector_load %arg6[%swap3A_480, %swap3A_481] {strides = array<i32>} : memref<32x256xf32, #tpu.memory_space<vmem>>, vector<1x16xf32>,
      %swap3A_483 = vector.shape_cast %swap3A_482 : vector<1x16xf32> to vector<16xf32>
      %swap3A_484 = vector.shape_cast %select_n3A_478 : vector<16xf32> to vector<1x16xf32>
      tpu.vector_store %arg6[%swap3A_480, %swap3A_481], %swap3A_484 {strides = array<i32>} : memref<32x256xf32, #tpu.memory_space<vmem>>, vector<1x16xf32>,
      %get3A_485 = arith.constant 28 : i32
      %get3A_486 = arith.index_cast %get3A_485 : i32 to index
      %get3A_487 = arith.index_cast %mul3A_14 : i32 to index
      %get3A_488 = tpu.vector_load %arg4[%get3A_486, %get3A_487] {strides = array<i32>} : memref<32x256xf32, #tpu.memory_space<vmem>>, vector<1x16xf32>,
      %get3A_489 = vector.shape_cast %get3A_488 : vector<1x16xf32> to vector<16xf32>
      %eq3A_490 = arith.constant 0.000000e+00 : f32
      %eq3A_491 = vector.broadcast %eq3A_490 : f32 to vector<16xf32>
      %eq3A_492 = arith.cmpf oeq, %get3A_489, %eq3A_491 : vector<16xf32>
      %jit3A_493 = arith.constant -2.900000e-29 : f32
      %broadcast_in_dim3A_494 = vector.broadcast %jit3A_493 : f32 to vector<16xf32>
      %select_n3A_495 = arith.select %eq3A_492, %broadcast_in_dim3A_494, %get3A_489 : vector<16xi1>, vector<16xf32>
      %swap3A_496 = arith.constant 28 : i32
      %swap3A_497 = arith.index_cast %swap3A_496 : i32 to index
      %swap3A_498 = arith.index_cast %mul3A_14 : i32 to index
      %swap3A_499 = tpu.vector_load %arg6[%swap3A_497, %swap3A_498] {strides = array<i32>} : memref<32x256xf32, #tpu.memory_space<vmem>>, vector<1x16xf32>,
      %swap3A_500 = vector.shape_cast %swap3A_499 : vector<1x16xf32> to vector<16xf32>
      %swap3A_501 = vector.shape_cast %select_n3A_495 : vector<16xf32> to vector<1x16xf32>
      tpu.vector_store %arg6[%swap3A_497, %swap3A_498], %swap3A_501 {strides = array<i32>} : memref<32x256xf32, #tpu.memory_space<vmem>>, vector<1x16xf32>,
      %get3A_502 = arith.constant 29 : i32
      %get3A_503 = arith.index_cast %get3A_502 : i32 to index
      %get3A_504 = arith.index_cast %mul3A_14 : i32 to index
      %get3A_505 = tpu.vector_load %arg4[%get3A_503, %get3A_504] {strides = array<i32>} : memref<32x256xf32, #tpu.memory_space<vmem>>, vector<1x16xf32>,
      %get3A_506 = vector.shape_cast %get3A_505 : vector<1x16xf32> to vector<16xf32>
      %eq3A_507 = arith.constant 0.000000e+00 : f32
      %eq3A_508 = vector.broadcast %eq3A_507 : f32 to vector<16xf32>
      %eq3A_509 = arith.cmpf oeq, %get3A_506, %eq3A_508 : vector<16xf32>
      %jit3A_510 = arith.constant -3.000000e-29 : f32
      %broadcast_in_dim3A_511 = vector.broadcast %jit3A_510 : f32 to vector<16xf32>
      %select_n3A_512 = arith.select %eq3A_509, %broadcast_in_dim3A_511, %get3A_506 : vector<16xi1>, vector<16xf32>
      %swap3A_513 = arith.constant 29 : i32
      %swap3A_514 = arith.index_cast %swap3A_513 : i32 to index
      %swap3A_515 = arith.index_cast %mul3A_14 : i32 to index
      %swap3A_516 = tpu.vector_load %arg6[%swap3A_514, %swap3A_515] {strides = array<i32>} : memref<32x256xf32, #tpu.memory_space<vmem>>, vector<1x16xf32>,
      %swap3A_517 = vector.shape_cast %swap3A_516 : vector<1x16xf32> to vector<16xf32>
      %swap3A_518 = vector.shape_cast %select_n3A_512 : vector<16xf32> to vector<1x16xf32>
      tpu.vector_store %arg6[%swap3A_514, %swap3A_515], %swap3A_518 {strides = array<i32>} : memref<32x256xf32, #tpu.memory_space<vmem>>, vector<1x16xf32>,
      %get3A_519 = arith.constant 30 : i32
      %get3A_520 = arith.index_cast %get3A_519 : i32 to index
      %get3A_521 = arith.index_cast %mul3A_14 : i32 to index
      %get3A_522 = tpu.vector_load %arg4[%get3A_520, %get3A_521] {strides = array<i32>} : memref<32x256xf32, #tpu.memory_space<vmem>>, vector<1x16xf32>,
      %get3A_523 = vector.shape_cast %get3A_522 : vector<1x16xf32> to vector<16xf32>
      %eq3A_524 = arith.constant 0.000000e+00 : f32
      %eq3A_525 = vector.broadcast %eq3A_524 : f32 to vector<16xf32>
      %eq3A_526 = arith.cmpf oeq, %get3A_523, %eq3A_525 : vector<16xf32>
      %jit3A_527 = arith.constant -3.100000e-29 : f32
      %broadcast_in_dim3A_528 = vector.broadcast %jit3A_527 : f32 to vector<16xf32>
      %select_n3A_529 = arith.select %eq3A_526, %broadcast_in_dim3A_528, %get3A_523 : vector<16xi1>, vector<16xf32>
      %swap3A_530 = arith.constant 30 : i32
      %swap3A_531 = arith.index_cast %swap3A_530 : i32 to index
      %swap3A_532 = arith.index_cast %mul3A_14 : i32 to index
      %swap3A_533 = tpu.vector_load %arg6[%swap3A_531, %swap3A_532] {strides = array<i32>} : memref<32x256xf32, #tpu.memory_space<vmem>>, vector<1x16xf32>,
      %swap3A_534 = vector.shape_cast %swap3A_533 : vector<1x16xf32> to vector<16xf32>
      %swap3A_535 = vector.shape_cast %select_n3A_529 : vector<16xf32> to vector<1x16xf32>
      tpu.vector_store %arg6[%swap3A_531, %swap3A_532], %swap3A_535 {strides = array<i32>} : memref<32x256xf32, #tpu.memory_space<vmem>>, vector<1x16xf32>,
      %get3A_536 = arith.constant 31 : i32
      %get3A_537 = arith.index_cast %get3A_536 : i32 to index
      %get3A_538 = arith.index_cast %mul3A_14 : i32 to index
      %get3A_539 = tpu.vector_load %arg4[%get3A_537, %get3A_538] {strides = array<i32>} : memref<32x256xf32, #tpu.memory_space<vmem>>, vector<1x16xf32>,
      %get3A_540 = vector.shape_cast %get3A_539 : vector<1x16xf32> to vector<16xf32>
      %eq3A_541 = arith.constant 0.000000e+00 : f32
      %eq3A_542 = vector.broadcast %eq3A_541 : f32 to vector<16xf32>
      %eq3A_543 = arith.cmpf oeq, %get3A_540, %eq3A_542 : vector<16xf32>
      %jit3A_544 = arith.constant -3.200000e-29 : f32
      %broadcast_in_dim3A_545 = vector.broadcast %jit3A_544 : f32 to vector<16xf32>
      %select_n3A_546 = arith.select %eq3A_543, %broadcast_in_dim3A_545, %get3A_540 : vector<16xi1>, vector<16xf32>
      %swap3A_547 = arith.constant 31 : i32
      %swap3A_548 = arith.index_cast %swap3A_547 : i32 to index
      %swap3A_549 = arith.index_cast %mul3A_14 : i32 to index
      %swap3A_550 = tpu.vector_load %arg6[%swap3A_548, %swap3A_549] {strides = array<i32>} : memref<32x256xf32, #tpu.memory_space<vmem>>, vector<1x16xf32>,
      %swap3A_551 = vector.shape_cast %swap3A_550 : vector<1x16xf32> to vector<16xf32>
      %swap3A_552 = vector.shape_cast %select_n3A_546 : vector<16xf32> to vector<1x16xf32>
      tpu.vector_store %arg6[%swap3A_548, %swap3A_549], %swap3A_552 {strides = array<i32>} : memref<32x256xf32, #tpu.memory_space<vmem>>, vector<1x16xf32>,
    }
    %scan3A_5 = arith.constant 16 : i32
    %scan3A_6 = arith.constant 0 : i32
    %scan3A_7 = arith.constant 0 : i32
    %scan3A_8 = arith.constant 512 : i32
    %scan3A_9 = arith.addi %scan3A_7, %scan3A_8 : i32
    %scan3A_10 = arith.constant 1 : i32
    scf.for %scan3A_12 = %scan3A_7 to %scan3A_9 step %scan3A_10  : i32 {
      %shift_right_arithmetic3A = arith.constant 5 : i32
      %shift_right_arithmetic3A_13 = arith.shrsi %scan3A_12, %shift_right_arithmetic3A : i32
      %and3A = arith.constant 31 : i32
      %and3A_14 = arith.andi %scan3A_12, %and3A : i32
      %mul3A_15 = arith.constant 16 : i32
      %mul3A_16 = arith.muli %shift_right_arithmetic3A_13, %mul3A_15 : i32
      %get3A = arith.index_cast %and3A_14 : i32 to index
      %get3A_17 = arith.index_cast %mul3A_16 : i32 to index
      %get3A_18 = tpu.vector_load %arg6[%get3A, %get3A_17] {strides = array<i32>} : memref<32x256xf32, #tpu.memory_space<vmem>>, vector<1x16xf32>,
      %get3A_19 = vector.shape_cast %get3A_18 : vector<1x16xf32> to vector<16xf32>
      %broadcast_in_dim3A = arith.constant 0.000000e+00 : f32
      %broadcast_in_dim3A_20 = vector.broadcast %broadcast_in_dim3A : f32 to vector<16xf32>
      %get3A_21 = arith.constant 0 : i32
      %get3A_22 = arith.index_cast %get3A_21 : i32 to index
      %get3A_23 = arith.index_cast %mul3A_16 : i32 to index
      %get3A_24 = tpu.vector_load %arg6[%get3A_22, %get3A_23] {strides = array<i32>} : memref<32x256xf32, #tpu.memory_space<vmem>>, vector<1x16xf32>,
      %get3A_25 = vector.shape_cast %get3A_24 : vector<1x16xf32> to vector<16xf32>
      %gt3A = arith.cmpf ogt, %get3A_25, %get3A_19 : vector<16xf32>
      %jit3A = arith.constant 1.000000e+00 : f32
      %jit3A_26 = arith.constant 0.000000e+00 : f32
      %broadcast_in_dim3A_27 = vector.broadcast %jit3A : f32 to vector<16xf32>
      %broadcast_in_dim3A_28 = vector.broadcast %jit3A_26 : f32 to vector<16xf32>
      %select_n3A = arith.select %gt3A, %broadcast_in_dim3A_27, %broadcast_in_dim3A_28 : vector<16xi1>, vector<16xf32>
      %add3A_29 = arith.addf %broadcast_in_dim3A_20, %select_n3A : vector<16xf32>
      %get3A_30 = arith.constant 1 : i32
      %get3A_31 = arith.index_cast %get3A_30 : i32 to index
      %get3A_32 = arith.index_cast %mul3A_16 : i32 to index
      %get3A_33 = tpu.vector_load %arg6[%get3A_31, %get3A_32] {strides = array<i32>} : memref<32x256xf32, #tpu.memory_space<vmem>>, vector<1x16xf32>,
      %get3A_34 = vector.shape_cast %get3A_33 : vector<1x16xf32> to vector<16xf32>
      %gt3A_35 = arith.cmpf ogt, %get3A_34, %get3A_19 : vector<16xf32>
      %jit3A_36 = arith.constant 1.000000e+00 : f32
      %jit3A_37 = arith.constant 0.000000e+00 : f32
      %broadcast_in_dim3A_38 = vector.broadcast %jit3A_36 : f32 to vector<16xf32>
      %broadcast_in_dim3A_39 = vector.broadcast %jit3A_37 : f32 to vector<16xf32>
      %select_n3A_40 = arith.select %gt3A_35, %broadcast_in_dim3A_38, %broadcast_in_dim3A_39 : vector<16xi1>, vector<16xf32>
      %add3A_41 = arith.addf %add3A_29, %select_n3A_40 : vector<16xf32>
      %get3A_42 = arith.constant 2 : i32
      %get3A_43 = arith.index_cast %get3A_42 : i32 to index
      %get3A_44 = arith.index_cast %mul3A_16 : i32 to index
      %get3A_45 = tpu.vector_load %arg6[%get3A_43, %get3A_44] {strides = array<i32>} : memref<32x256xf32, #tpu.memory_space<vmem>>, vector<1x16xf32>,
      %get3A_46 = vector.shape_cast %get3A_45 : vector<1x16xf32> to vector<16xf32>
      %gt3A_47 = arith.cmpf ogt, %get3A_46, %get3A_19 : vector<16xf32>
      %jit3A_48 = arith.constant 1.000000e+00 : f32
      %jit3A_49 = arith.constant 0.000000e+00 : f32
      %broadcast_in_dim3A_50 = vector.broadcast %jit3A_48 : f32 to vector<16xf32>
      %broadcast_in_dim3A_51 = vector.broadcast %jit3A_49 : f32 to vector<16xf32>
      %select_n3A_52 = arith.select %gt3A_47, %broadcast_in_dim3A_50, %broadcast_in_dim3A_51 : vector<16xi1>, vector<16xf32>
      %add3A_53 = arith.addf %add3A_41, %select_n3A_52 : vector<16xf32>
      %get3A_54 = arith.constant 3 : i32
      %get3A_55 = arith.index_cast %get3A_54 : i32 to index
      %get3A_56 = arith.index_cast %mul3A_16 : i32 to index
      %get3A_57 = tpu.vector_load %arg6[%get3A_55, %get3A_56] {strides = array<i32>} : memref<32x256xf32, #tpu.memory_space<vmem>>, vector<1x16xf32>,
      %get3A_58 = vector.shape_cast %get3A_57 : vector<1x16xf32> to vector<16xf32>
      %gt3A_59 = arith.cmpf ogt, %get3A_58, %get3A_19 : vector<16xf32>
      %jit3A_60 = arith.constant 1.000000e+00 : f32
      %jit3A_61 = arith.constant 0.000000e+00 : f32
      %broadcast_in_dim3A_62 = vector.broadcast %jit3A_60 : f32 to vector<16xf32>
      %broadcast_in_dim3A_63 = vector.broadcast %jit3A_61 : f32 to vector<16xf32>
      %select_n3A_64 = arith.select %gt3A_59, %broadcast_in_dim3A_62, %broadcast_in_dim3A_63 : vector<16xi1>, vector<16xf32>
      %add3A_65 = arith.addf %add3A_53, %select_n3A_64 : vector<16xf32>
      %get3A_66 = arith.constant 4 : i32
      %get3A_67 = arith.index_cast %get3A_66 : i32 to index
      %get3A_68 = arith.index_cast %mul3A_16 : i32 to index
      %get3A_69 = tpu.vector_load %arg6[%get3A_67, %get3A_68] {strides = array<i32>} : memref<32x256xf32, #tpu.memory_space<vmem>>, vector<1x16xf32>,
      %get3A_70 = vector.shape_cast %get3A_69 : vector<1x16xf32> to vector<16xf32>
      %gt3A_71 = arith.cmpf ogt, %get3A_70, %get3A_19 : vector<16xf32>
      %jit3A_72 = arith.constant 1.000000e+00 : f32
      %jit3A_73 = arith.constant 0.000000e+00 : f32
      %broadcast_in_dim3A_74 = vector.broadcast %jit3A_72 : f32 to vector<16xf32>
      %broadcast_in_dim3A_75 = vector.broadcast %jit3A_73 : f32 to vector<16xf32>
      %select_n3A_76 = arith.select %gt3A_71, %broadcast_in_dim3A_74, %broadcast_in_dim3A_75 : vector<16xi1>, vector<16xf32>
      %add3A_77 = arith.addf %add3A_65, %select_n3A_76 : vector<16xf32>
      %get3A_78 = arith.constant 5 : i32
      %get3A_79 = arith.index_cast %get3A_78 : i32 to index
      %get3A_80 = arith.index_cast %mul3A_16 : i32 to index
      %get3A_81 = tpu.vector_load %arg6[%get3A_79, %get3A_80] {strides = array<i32>} : memref<32x256xf32, #tpu.memory_space<vmem>>, vector<1x16xf32>,
      %get3A_82 = vector.shape_cast %get3A_81 : vector<1x16xf32> to vector<16xf32>
      %gt3A_83 = arith.cmpf ogt, %get3A_82, %get3A_19 : vector<16xf32>
      %jit3A_84 = arith.constant 1.000000e+00 : f32
      %jit3A_85 = arith.constant 0.000000e+00 : f32
      %broadcast_in_dim3A_86 = vector.broadcast %jit3A_84 : f32 to vector<16xf32>
      %broadcast_in_dim3A_87 = vector.broadcast %jit3A_85 : f32 to vector<16xf32>
      %select_n3A_88 = arith.select %gt3A_83, %broadcast_in_dim3A_86, %broadcast_in_dim3A_87 : vector<16xi1>, vector<16xf32>
      %add3A_89 = arith.addf %add3A_77, %select_n3A_88 : vector<16xf32>
      %get3A_90 = arith.constant 6 : i32
      %get3A_91 = arith.index_cast %get3A_90 : i32 to index
      %get3A_92 = arith.index_cast %mul3A_16 : i32 to index
      %get3A_93 = tpu.vector_load %arg6[%get3A_91, %get3A_92] {strides = array<i32>} : memref<32x256xf32, #tpu.memory_space<vmem>>, vector<1x16xf32>,
      %get3A_94 = vector.shape_cast %get3A_93 : vector<1x16xf32> to vector<16xf32>
      %gt3A_95 = arith.cmpf ogt, %get3A_94, %get3A_19 : vector<16xf32>
      %jit3A_96 = arith.constant 1.000000e+00 : f32
      %jit3A_97 = arith.constant 0.000000e+00 : f32
      %broadcast_in_dim3A_98 = vector.broadcast %jit3A_96 : f32 to vector<16xf32>
      %broadcast_in_dim3A_99 = vector.broadcast %jit3A_97 : f32 to vector<16xf32>
      %select_n3A_100 = arith.select %gt3A_95, %broadcast_in_dim3A_98, %broadcast_in_dim3A_99 : vector<16xi1>, vector<16xf32>
      %add3A_101 = arith.addf %add3A_89, %select_n3A_100 : vector<16xf32>
      %get3A_102 = arith.constant 7 : i32
      %get3A_103 = arith.index_cast %get3A_102 : i32 to index
      %get3A_104 = arith.index_cast %mul3A_16 : i32 to index
      %get3A_105 = tpu.vector_load %arg6[%get3A_103, %get3A_104] {strides = array<i32>} : memref<32x256xf32, #tpu.memory_space<vmem>>, vector<1x16xf32>,
      %get3A_106 = vector.shape_cast %get3A_105 : vector<1x16xf32> to vector<16xf32>
      %gt3A_107 = arith.cmpf ogt, %get3A_106, %get3A_19 : vector<16xf32>
      %jit3A_108 = arith.constant 1.000000e+00 : f32
      %jit3A_109 = arith.constant 0.000000e+00 : f32
      %broadcast_in_dim3A_110 = vector.broadcast %jit3A_108 : f32 to vector<16xf32>
      %broadcast_in_dim3A_111 = vector.broadcast %jit3A_109 : f32 to vector<16xf32>
      %select_n3A_112 = arith.select %gt3A_107, %broadcast_in_dim3A_110, %broadcast_in_dim3A_111 : vector<16xi1>, vector<16xf32>
      %add3A_113 = arith.addf %add3A_101, %select_n3A_112 : vector<16xf32>
      %get3A_114 = arith.constant 8 : i32
      %get3A_115 = arith.index_cast %get3A_114 : i32 to index
      %get3A_116 = arith.index_cast %mul3A_16 : i32 to index
      %get3A_117 = tpu.vector_load %arg6[%get3A_115, %get3A_116] {strides = array<i32>} : memref<32x256xf32, #tpu.memory_space<vmem>>, vector<1x16xf32>,
      %get3A_118 = vector.shape_cast %get3A_117 : vector<1x16xf32> to vector<16xf32>
      %gt3A_119 = arith.cmpf ogt, %get3A_118, %get3A_19 : vector<16xf32>
      %jit3A_120 = arith.constant 1.000000e+00 : f32
      %jit3A_121 = arith.constant 0.000000e+00 : f32
      %broadcast_in_dim3A_122 = vector.broadcast %jit3A_120 : f32 to vector<16xf32>
      %broadcast_in_dim3A_123 = vector.broadcast %jit3A_121 : f32 to vector<16xf32>
      %select_n3A_124 = arith.select %gt3A_119, %broadcast_in_dim3A_122, %broadcast_in_dim3A_123 : vector<16xi1>, vector<16xf32>
      %add3A_125 = arith.addf %add3A_113, %select_n3A_124 : vector<16xf32>
      %get3A_126 = arith.constant 9 : i32
      %get3A_127 = arith.index_cast %get3A_126 : i32 to index
      %get3A_128 = arith.index_cast %mul3A_16 : i32 to index
      %get3A_129 = tpu.vector_load %arg6[%get3A_127, %get3A_128] {strides = array<i32>} : memref<32x256xf32, #tpu.memory_space<vmem>>, vector<1x16xf32>,
      %get3A_130 = vector.shape_cast %get3A_129 : vector<1x16xf32> to vector<16xf32>
      %gt3A_131 = arith.cmpf ogt, %get3A_130, %get3A_19 : vector<16xf32>
      %jit3A_132 = arith.constant 1.000000e+00 : f32
      %jit3A_133 = arith.constant 0.000000e+00 : f32
      %broadcast_in_dim3A_134 = vector.broadcast %jit3A_132 : f32 to vector<16xf32>
      %broadcast_in_dim3A_135 = vector.broadcast %jit3A_133 : f32 to vector<16xf32>
      %select_n3A_136 = arith.select %gt3A_131, %broadcast_in_dim3A_134, %broadcast_in_dim3A_135 : vector<16xi1>, vector<16xf32>
      %add3A_137 = arith.addf %add3A_125, %select_n3A_136 : vector<16xf32>
      %get3A_138 = arith.constant 10 : i32
      %get3A_139 = arith.index_cast %get3A_138 : i32 to index
      %get3A_140 = arith.index_cast %mul3A_16 : i32 to index
      %get3A_141 = tpu.vector_load %arg6[%get3A_139, %get3A_140] {strides = array<i32>} : memref<32x256xf32, #tpu.memory_space<vmem>>, vector<1x16xf32>,
      %get3A_142 = vector.shape_cast %get3A_141 : vector<1x16xf32> to vector<16xf32>
      %gt3A_143 = arith.cmpf ogt, %get3A_142, %get3A_19 : vector<16xf32>
      %jit3A_144 = arith.constant 1.000000e+00 : f32
      %jit3A_145 = arith.constant 0.000000e+00 : f32
      %broadcast_in_dim3A_146 = vector.broadcast %jit3A_144 : f32 to vector<16xf32>
      %broadcast_in_dim3A_147 = vector.broadcast %jit3A_145 : f32 to vector<16xf32>
      %select_n3A_148 = arith.select %gt3A_143, %broadcast_in_dim3A_146, %broadcast_in_dim3A_147 : vector<16xi1>, vector<16xf32>
      %add3A_149 = arith.addf %add3A_137, %select_n3A_148 : vector<16xf32>
      %get3A_150 = arith.constant 11 : i32
      %get3A_151 = arith.index_cast %get3A_150 : i32 to index
      %get3A_152 = arith.index_cast %mul3A_16 : i32 to index
      %get3A_153 = tpu.vector_load %arg6[%get3A_151, %get3A_152] {strides = array<i32>} : memref<32x256xf32, #tpu.memory_space<vmem>>, vector<1x16xf32>,
      %get3A_154 = vector.shape_cast %get3A_153 : vector<1x16xf32> to vector<16xf32>
      %gt3A_155 = arith.cmpf ogt, %get3A_154, %get3A_19 : vector<16xf32>
      %jit3A_156 = arith.constant 1.000000e+00 : f32
      %jit3A_157 = arith.constant 0.000000e+00 : f32
      %broadcast_in_dim3A_158 = vector.broadcast %jit3A_156 : f32 to vector<16xf32>
      %broadcast_in_dim3A_159 = vector.broadcast %jit3A_157 : f32 to vector<16xf32>
      %select_n3A_160 = arith.select %gt3A_155, %broadcast_in_dim3A_158, %broadcast_in_dim3A_159 : vector<16xi1>, vector<16xf32>
      %add3A_161 = arith.addf %add3A_149, %select_n3A_160 : vector<16xf32>
      %get3A_162 = arith.constant 12 : i32
      %get3A_163 = arith.index_cast %get3A_162 : i32 to index
      %get3A_164 = arith.index_cast %mul3A_16 : i32 to index
      %get3A_165 = tpu.vector_load %arg6[%get3A_163, %get3A_164] {strides = array<i32>} : memref<32x256xf32, #tpu.memory_space<vmem>>, vector<1x16xf32>,
      %get3A_166 = vector.shape_cast %get3A_165 : vector<1x16xf32> to vector<16xf32>
      %gt3A_167 = arith.cmpf ogt, %get3A_166, %get3A_19 : vector<16xf32>
      %jit3A_168 = arith.constant 1.000000e+00 : f32
      %jit3A_169 = arith.constant 0.000000e+00 : f32
      %broadcast_in_dim3A_170 = vector.broadcast %jit3A_168 : f32 to vector<16xf32>
      %broadcast_in_dim3A_171 = vector.broadcast %jit3A_169 : f32 to vector<16xf32>
      %select_n3A_172 = arith.select %gt3A_167, %broadcast_in_dim3A_170, %broadcast_in_dim3A_171 : vector<16xi1>, vector<16xf32>
      %add3A_173 = arith.addf %add3A_161, %select_n3A_172 : vector<16xf32>
      %get3A_174 = arith.constant 13 : i32
      %get3A_175 = arith.index_cast %get3A_174 : i32 to index
      %get3A_176 = arith.index_cast %mul3A_16 : i32 to index
      %get3A_177 = tpu.vector_load %arg6[%get3A_175, %get3A_176] {strides = array<i32>} : memref<32x256xf32, #tpu.memory_space<vmem>>, vector<1x16xf32>,
      %get3A_178 = vector.shape_cast %get3A_177 : vector<1x16xf32> to vector<16xf32>
      %gt3A_179 = arith.cmpf ogt, %get3A_178, %get3A_19 : vector<16xf32>
      %jit3A_180 = arith.constant 1.000000e+00 : f32
      %jit3A_181 = arith.constant 0.000000e+00 : f32
      %broadcast_in_dim3A_182 = vector.broadcast %jit3A_180 : f32 to vector<16xf32>
      %broadcast_in_dim3A_183 = vector.broadcast %jit3A_181 : f32 to vector<16xf32>
      %select_n3A_184 = arith.select %gt3A_179, %broadcast_in_dim3A_182, %broadcast_in_dim3A_183 : vector<16xi1>, vector<16xf32>
      %add3A_185 = arith.addf %add3A_173, %select_n3A_184 : vector<16xf32>
      %get3A_186 = arith.constant 14 : i32
      %get3A_187 = arith.index_cast %get3A_186 : i32 to index
      %get3A_188 = arith.index_cast %mul3A_16 : i32 to index
      %get3A_189 = tpu.vector_load %arg6[%get3A_187, %get3A_188] {strides = array<i32>} : memref<32x256xf32, #tpu.memory_space<vmem>>, vector<1x16xf32>,
      %get3A_190 = vector.shape_cast %get3A_189 : vector<1x16xf32> to vector<16xf32>
      %gt3A_191 = arith.cmpf ogt, %get3A_190, %get3A_19 : vector<16xf32>
      %jit3A_192 = arith.constant 1.000000e+00 : f32
      %jit3A_193 = arith.constant 0.000000e+00 : f32
      %broadcast_in_dim3A_194 = vector.broadcast %jit3A_192 : f32 to vector<16xf32>
      %broadcast_in_dim3A_195 = vector.broadcast %jit3A_193 : f32 to vector<16xf32>
      %select_n3A_196 = arith.select %gt3A_191, %broadcast_in_dim3A_194, %broadcast_in_dim3A_195 : vector<16xi1>, vector<16xf32>
      %add3A_197 = arith.addf %add3A_185, %select_n3A_196 : vector<16xf32>
      %get3A_198 = arith.constant 15 : i32
      %get3A_199 = arith.index_cast %get3A_198 : i32 to index
      %get3A_200 = arith.index_cast %mul3A_16 : i32 to index
      %get3A_201 = tpu.vector_load %arg6[%get3A_199, %get3A_200] {strides = array<i32>} : memref<32x256xf32, #tpu.memory_space<vmem>>, vector<1x16xf32>,
      %get3A_202 = vector.shape_cast %get3A_201 : vector<1x16xf32> to vector<16xf32>
      %gt3A_203 = arith.cmpf ogt, %get3A_202, %get3A_19 : vector<16xf32>
      %jit3A_204 = arith.constant 1.000000e+00 : f32
      %jit3A_205 = arith.constant 0.000000e+00 : f32
      %broadcast_in_dim3A_206 = vector.broadcast %jit3A_204 : f32 to vector<16xf32>
      %broadcast_in_dim3A_207 = vector.broadcast %jit3A_205 : f32 to vector<16xf32>
      %select_n3A_208 = arith.select %gt3A_203, %broadcast_in_dim3A_206, %broadcast_in_dim3A_207 : vector<16xi1>, vector<16xf32>
      %add3A_209 = arith.addf %add3A_197, %select_n3A_208 : vector<16xf32>
      %get3A_210 = arith.constant 16 : i32
      %get3A_211 = arith.index_cast %get3A_210 : i32 to index
      %get3A_212 = arith.index_cast %mul3A_16 : i32 to index
      %get3A_213 = tpu.vector_load %arg6[%get3A_211, %get3A_212] {strides = array<i32>} : memref<32x256xf32, #tpu.memory_space<vmem>>, vector<1x16xf32>,
      %get3A_214 = vector.shape_cast %get3A_213 : vector<1x16xf32> to vector<16xf32>
      %gt3A_215 = arith.cmpf ogt, %get3A_214, %get3A_19 : vector<16xf32>
      %jit3A_216 = arith.constant 1.000000e+00 : f32
      %jit3A_217 = arith.constant 0.000000e+00 : f32
      %broadcast_in_dim3A_218 = vector.broadcast %jit3A_216 : f32 to vector<16xf32>
      %broadcast_in_dim3A_219 = vector.broadcast %jit3A_217 : f32 to vector<16xf32>
      %select_n3A_220 = arith.select %gt3A_215, %broadcast_in_dim3A_218, %broadcast_in_dim3A_219 : vector<16xi1>, vector<16xf32>
      %add3A_221 = arith.addf %add3A_209, %select_n3A_220 : vector<16xf32>
      %get3A_222 = arith.constant 17 : i32
      %get3A_223 = arith.index_cast %get3A_222 : i32 to index
      %get3A_224 = arith.index_cast %mul3A_16 : i32 to index
      %get3A_225 = tpu.vector_load %arg6[%get3A_223, %get3A_224] {strides = array<i32>} : memref<32x256xf32, #tpu.memory_space<vmem>>, vector<1x16xf32>,
      %get3A_226 = vector.shape_cast %get3A_225 : vector<1x16xf32> to vector<16xf32>
      %gt3A_227 = arith.cmpf ogt, %get3A_226, %get3A_19 : vector<16xf32>
      %jit3A_228 = arith.constant 1.000000e+00 : f32
      %jit3A_229 = arith.constant 0.000000e+00 : f32
      %broadcast_in_dim3A_230 = vector.broadcast %jit3A_228 : f32 to vector<16xf32>
      %broadcast_in_dim3A_231 = vector.broadcast %jit3A_229 : f32 to vector<16xf32>
      %select_n3A_232 = arith.select %gt3A_227, %broadcast_in_dim3A_230, %broadcast_in_dim3A_231 : vector<16xi1>, vector<16xf32>
      %add3A_233 = arith.addf %add3A_221, %select_n3A_232 : vector<16xf32>
      %get3A_234 = arith.constant 18 : i32
      %get3A_235 = arith.index_cast %get3A_234 : i32 to index
      %get3A_236 = arith.index_cast %mul3A_16 : i32 to index
      %get3A_237 = tpu.vector_load %arg6[%get3A_235, %get3A_236] {strides = array<i32>} : memref<32x256xf32, #tpu.memory_space<vmem>>, vector<1x16xf32>,
      %get3A_238 = vector.shape_cast %get3A_237 : vector<1x16xf32> to vector<16xf32>
      %gt3A_239 = arith.cmpf ogt, %get3A_238, %get3A_19 : vector<16xf32>
      %jit3A_240 = arith.constant 1.000000e+00 : f32
      %jit3A_241 = arith.constant 0.000000e+00 : f32
      %broadcast_in_dim3A_242 = vector.broadcast %jit3A_240 : f32 to vector<16xf32>
      %broadcast_in_dim3A_243 = vector.broadcast %jit3A_241 : f32 to vector<16xf32>
      %select_n3A_244 = arith.select %gt3A_239, %broadcast_in_dim3A_242, %broadcast_in_dim3A_243 : vector<16xi1>, vector<16xf32>
      %add3A_245 = arith.addf %add3A_233, %select_n3A_244 : vector<16xf32>
      %get3A_246 = arith.constant 19 : i32
      %get3A_247 = arith.index_cast %get3A_246 : i32 to index
      %get3A_248 = arith.index_cast %mul3A_16 : i32 to index
      %get3A_249 = tpu.vector_load %arg6[%get3A_247, %get3A_248] {strides = array<i32>} : memref<32x256xf32, #tpu.memory_space<vmem>>, vector<1x16xf32>,
      %get3A_250 = vector.shape_cast %get3A_249 : vector<1x16xf32> to vector<16xf32>
      %gt3A_251 = arith.cmpf ogt, %get3A_250, %get3A_19 : vector<16xf32>
      %jit3A_252 = arith.constant 1.000000e+00 : f32
      %jit3A_253 = arith.constant 0.000000e+00 : f32
      %broadcast_in_dim3A_254 = vector.broadcast %jit3A_252 : f32 to vector<16xf32>
      %broadcast_in_dim3A_255 = vector.broadcast %jit3A_253 : f32 to vector<16xf32>
      %select_n3A_256 = arith.select %gt3A_251, %broadcast_in_dim3A_254, %broadcast_in_dim3A_255 : vector<16xi1>, vector<16xf32>
      %add3A_257 = arith.addf %add3A_245, %select_n3A_256 : vector<16xf32>
      %get3A_258 = arith.constant 20 : i32
      %get3A_259 = arith.index_cast %get3A_258 : i32 to index
      %get3A_260 = arith.index_cast %mul3A_16 : i32 to index
      %get3A_261 = tpu.vector_load %arg6[%get3A_259, %get3A_260] {strides = array<i32>} : memref<32x256xf32, #tpu.memory_space<vmem>>, vector<1x16xf32>,
      %get3A_262 = vector.shape_cast %get3A_261 : vector<1x16xf32> to vector<16xf32>
      %gt3A_263 = arith.cmpf ogt, %get3A_262, %get3A_19 : vector<16xf32>
      %jit3A_264 = arith.constant 1.000000e+00 : f32
      %jit3A_265 = arith.constant 0.000000e+00 : f32
      %broadcast_in_dim3A_266 = vector.broadcast %jit3A_264 : f32 to vector<16xf32>
      %broadcast_in_dim3A_267 = vector.broadcast %jit3A_265 : f32 to vector<16xf32>
      %select_n3A_268 = arith.select %gt3A_263, %broadcast_in_dim3A_266, %broadcast_in_dim3A_267 : vector<16xi1>, vector<16xf32>
      %add3A_269 = arith.addf %add3A_257, %select_n3A_268 : vector<16xf32>
      %get3A_270 = arith.constant 21 : i32
      %get3A_271 = arith.index_cast %get3A_270 : i32 to index
      %get3A_272 = arith.index_cast %mul3A_16 : i32 to index
      %get3A_273 = tpu.vector_load %arg6[%get3A_271, %get3A_272] {strides = array<i32>} : memref<32x256xf32, #tpu.memory_space<vmem>>, vector<1x16xf32>,
      %get3A_274 = vector.shape_cast %get3A_273 : vector<1x16xf32> to vector<16xf32>
      %gt3A_275 = arith.cmpf ogt, %get3A_274, %get3A_19 : vector<16xf32>
      %jit3A_276 = arith.constant 1.000000e+00 : f32
      %jit3A_277 = arith.constant 0.000000e+00 : f32
      %broadcast_in_dim3A_278 = vector.broadcast %jit3A_276 : f32 to vector<16xf32>
      %broadcast_in_dim3A_279 = vector.broadcast %jit3A_277 : f32 to vector<16xf32>
      %select_n3A_280 = arith.select %gt3A_275, %broadcast_in_dim3A_278, %broadcast_in_dim3A_279 : vector<16xi1>, vector<16xf32>
      %add3A_281 = arith.addf %add3A_269, %select_n3A_280 : vector<16xf32>
      %get3A_282 = arith.constant 22 : i32
      %get3A_283 = arith.index_cast %get3A_282 : i32 to index
      %get3A_284 = arith.index_cast %mul3A_16 : i32 to index
      %get3A_285 = tpu.vector_load %arg6[%get3A_283, %get3A_284] {strides = array<i32>} : memref<32x256xf32, #tpu.memory_space<vmem>>, vector<1x16xf32>,
      %get3A_286 = vector.shape_cast %get3A_285 : vector<1x16xf32> to vector<16xf32>
      %gt3A_287 = arith.cmpf ogt, %get3A_286, %get3A_19 : vector<16xf32>
      %jit3A_288 = arith.constant 1.000000e+00 : f32
      %jit3A_289 = arith.constant 0.000000e+00 : f32
      %broadcast_in_dim3A_290 = vector.broadcast %jit3A_288 : f32 to vector<16xf32>
      %broadcast_in_dim3A_291 = vector.broadcast %jit3A_289 : f32 to vector<16xf32>
      %select_n3A_292 = arith.select %gt3A_287, %broadcast_in_dim3A_290, %broadcast_in_dim3A_291 : vector<16xi1>, vector<16xf32>
      %add3A_293 = arith.addf %add3A_281, %select_n3A_292 : vector<16xf32>
      %get3A_294 = arith.constant 23 : i32
      %get3A_295 = arith.index_cast %get3A_294 : i32 to index
      %get3A_296 = arith.index_cast %mul3A_16 : i32 to index
      %get3A_297 = tpu.vector_load %arg6[%get3A_295, %get3A_296] {strides = array<i32>} : memref<32x256xf32, #tpu.memory_space<vmem>>, vector<1x16xf32>,
      %get3A_298 = vector.shape_cast %get3A_297 : vector<1x16xf32> to vector<16xf32>
      %gt3A_299 = arith.cmpf ogt, %get3A_298, %get3A_19 : vector<16xf32>
      %jit3A_300 = arith.constant 1.000000e+00 : f32
      %jit3A_301 = arith.constant 0.000000e+00 : f32
      %broadcast_in_dim3A_302 = vector.broadcast %jit3A_300 : f32 to vector<16xf32>
      %broadcast_in_dim3A_303 = vector.broadcast %jit3A_301 : f32 to vector<16xf32>
      %select_n3A_304 = arith.select %gt3A_299, %broadcast_in_dim3A_302, %broadcast_in_dim3A_303 : vector<16xi1>, vector<16xf32>
      %add3A_305 = arith.addf %add3A_293, %select_n3A_304 : vector<16xf32>
      %get3A_306 = arith.constant 24 : i32
      %get3A_307 = arith.index_cast %get3A_306 : i32 to index
      %get3A_308 = arith.index_cast %mul3A_16 : i32 to index
      %get3A_309 = tpu.vector_load %arg6[%get3A_307, %get3A_308] {strides = array<i32>} : memref<32x256xf32, #tpu.memory_space<vmem>>, vector<1x16xf32>,
      %get3A_310 = vector.shape_cast %get3A_309 : vector<1x16xf32> to vector<16xf32>
      %gt3A_311 = arith.cmpf ogt, %get3A_310, %get3A_19 : vector<16xf32>
      %jit3A_312 = arith.constant 1.000000e+00 : f32
      %jit3A_313 = arith.constant 0.000000e+00 : f32
      %broadcast_in_dim3A_314 = vector.broadcast %jit3A_312 : f32 to vector<16xf32>
      %broadcast_in_dim3A_315 = vector.broadcast %jit3A_313 : f32 to vector<16xf32>
      %select_n3A_316 = arith.select %gt3A_311, %broadcast_in_dim3A_314, %broadcast_in_dim3A_315 : vector<16xi1>, vector<16xf32>
      %add3A_317 = arith.addf %add3A_305, %select_n3A_316 : vector<16xf32>
      %get3A_318 = arith.constant 25 : i32
      %get3A_319 = arith.index_cast %get3A_318 : i32 to index
      %get3A_320 = arith.index_cast %mul3A_16 : i32 to index
      %get3A_321 = tpu.vector_load %arg6[%get3A_319, %get3A_320] {strides = array<i32>} : memref<32x256xf32, #tpu.memory_space<vmem>>, vector<1x16xf32>,
      %get3A_322 = vector.shape_cast %get3A_321 : vector<1x16xf32> to vector<16xf32>
      %gt3A_323 = arith.cmpf ogt, %get3A_322, %get3A_19 : vector<16xf32>
      %jit3A_324 = arith.constant 1.000000e+00 : f32
      %jit3A_325 = arith.constant 0.000000e+00 : f32
      %broadcast_in_dim3A_326 = vector.broadcast %jit3A_324 : f32 to vector<16xf32>
      %broadcast_in_dim3A_327 = vector.broadcast %jit3A_325 : f32 to vector<16xf32>
      %select_n3A_328 = arith.select %gt3A_323, %broadcast_in_dim3A_326, %broadcast_in_dim3A_327 : vector<16xi1>, vector<16xf32>
      %add3A_329 = arith.addf %add3A_317, %select_n3A_328 : vector<16xf32>
      %get3A_330 = arith.constant 26 : i32
      %get3A_331 = arith.index_cast %get3A_330 : i32 to index
      %get3A_332 = arith.index_cast %mul3A_16 : i32 to index
      %get3A_333 = tpu.vector_load %arg6[%get3A_331, %get3A_332] {strides = array<i32>} : memref<32x256xf32, #tpu.memory_space<vmem>>, vector<1x16xf32>,
      %get3A_334 = vector.shape_cast %get3A_333 : vector<1x16xf32> to vector<16xf32>
      %gt3A_335 = arith.cmpf ogt, %get3A_334, %get3A_19 : vector<16xf32>
      %jit3A_336 = arith.constant 1.000000e+00 : f32
      %jit3A_337 = arith.constant 0.000000e+00 : f32
      %broadcast_in_dim3A_338 = vector.broadcast %jit3A_336 : f32 to vector<16xf32>
      %broadcast_in_dim3A_339 = vector.broadcast %jit3A_337 : f32 to vector<16xf32>
      %select_n3A_340 = arith.select %gt3A_335, %broadcast_in_dim3A_338, %broadcast_in_dim3A_339 : vector<16xi1>, vector<16xf32>
      %add3A_341 = arith.addf %add3A_329, %select_n3A_340 : vector<16xf32>
      %get3A_342 = arith.constant 27 : i32
      %get3A_343 = arith.index_cast %get3A_342 : i32 to index
      %get3A_344 = arith.index_cast %mul3A_16 : i32 to index
      %get3A_345 = tpu.vector_load %arg6[%get3A_343, %get3A_344] {strides = array<i32>} : memref<32x256xf32, #tpu.memory_space<vmem>>, vector<1x16xf32>,
      %get3A_346 = vector.shape_cast %get3A_345 : vector<1x16xf32> to vector<16xf32>
      %gt3A_347 = arith.cmpf ogt, %get3A_346, %get3A_19 : vector<16xf32>
      %jit3A_348 = arith.constant 1.000000e+00 : f32
      %jit3A_349 = arith.constant 0.000000e+00 : f32
      %broadcast_in_dim3A_350 = vector.broadcast %jit3A_348 : f32 to vector<16xf32>
      %broadcast_in_dim3A_351 = vector.broadcast %jit3A_349 : f32 to vector<16xf32>
      %select_n3A_352 = arith.select %gt3A_347, %broadcast_in_dim3A_350, %broadcast_in_dim3A_351 : vector<16xi1>, vector<16xf32>
      %add3A_353 = arith.addf %add3A_341, %select_n3A_352 : vector<16xf32>
      %get3A_354 = arith.constant 28 : i32
      %get3A_355 = arith.index_cast %get3A_354 : i32 to index
      %get3A_356 = arith.index_cast %mul3A_16 : i32 to index
      %get3A_357 = tpu.vector_load %arg6[%get3A_355, %get3A_356] {strides = array<i32>} : memref<32x256xf32, #tpu.memory_space<vmem>>, vector<1x16xf32>,
      %get3A_358 = vector.shape_cast %get3A_357 : vector<1x16xf32> to vector<16xf32>
      %gt3A_359 = arith.cmpf ogt, %get3A_358, %get3A_19 : vector<16xf32>
      %jit3A_360 = arith.constant 1.000000e+00 : f32
      %jit3A_361 = arith.constant 0.000000e+00 : f32
      %broadcast_in_dim3A_362 = vector.broadcast %jit3A_360 : f32 to vector<16xf32>
      %broadcast_in_dim3A_363 = vector.broadcast %jit3A_361 : f32 to vector<16xf32>
      %select_n3A_364 = arith.select %gt3A_359, %broadcast_in_dim3A_362, %broadcast_in_dim3A_363 : vector<16xi1>, vector<16xf32>
      %add3A_365 = arith.addf %add3A_353, %select_n3A_364 : vector<16xf32>
      %get3A_366 = arith.constant 29 : i32
      %get3A_367 = arith.index_cast %get3A_366 : i32 to index
      %get3A_368 = arith.index_cast %mul3A_16 : i32 to index
      %get3A_369 = tpu.vector_load %arg6[%get3A_367, %get3A_368] {strides = array<i32>} : memref<32x256xf32, #tpu.memory_space<vmem>>, vector<1x16xf32>,
      %get3A_370 = vector.shape_cast %get3A_369 : vector<1x16xf32> to vector<16xf32>
      %gt3A_371 = arith.cmpf ogt, %get3A_370, %get3A_19 : vector<16xf32>
      %jit3A_372 = arith.constant 1.000000e+00 : f32
      %jit3A_373 = arith.constant 0.000000e+00 : f32
      %broadcast_in_dim3A_374 = vector.broadcast %jit3A_372 : f32 to vector<16xf32>
      %broadcast_in_dim3A_375 = vector.broadcast %jit3A_373 : f32 to vector<16xf32>
      %select_n3A_376 = arith.select %gt3A_371, %broadcast_in_dim3A_374, %broadcast_in_dim3A_375 : vector<16xi1>, vector<16xf32>
      %add3A_377 = arith.addf %add3A_365, %select_n3A_376 : vector<16xf32>
      %get3A_378 = arith.constant 30 : i32
      %get3A_379 = arith.index_cast %get3A_378 : i32 to index
      %get3A_380 = arith.index_cast %mul3A_16 : i32 to index
      %get3A_381 = tpu.vector_load %arg6[%get3A_379, %get3A_380] {strides = array<i32>} : memref<32x256xf32, #tpu.memory_space<vmem>>, vector<1x16xf32>,
      %get3A_382 = vector.shape_cast %get3A_381 : vector<1x16xf32> to vector<16xf32>
      %gt3A_383 = arith.cmpf ogt, %get3A_382, %get3A_19 : vector<16xf32>
      %jit3A_384 = arith.constant 1.000000e+00 : f32
      %jit3A_385 = arith.constant 0.000000e+00 : f32
      %broadcast_in_dim3A_386 = vector.broadcast %jit3A_384 : f32 to vector<16xf32>
      %broadcast_in_dim3A_387 = vector.broadcast %jit3A_385 : f32 to vector<16xf32>
      %select_n3A_388 = arith.select %gt3A_383, %broadcast_in_dim3A_386, %broadcast_in_dim3A_387 : vector<16xi1>, vector<16xf32>
      %add3A_389 = arith.addf %add3A_377, %select_n3A_388 : vector<16xf32>
      %get3A_390 = arith.constant 31 : i32
      %get3A_391 = arith.index_cast %get3A_390 : i32 to index
      %get3A_392 = arith.index_cast %mul3A_16 : i32 to index
      %get3A_393 = tpu.vector_load %arg6[%get3A_391, %get3A_392] {strides = array<i32>} : memref<32x256xf32, #tpu.memory_space<vmem>>, vector<1x16xf32>,
      %get3A_394 = vector.shape_cast %get3A_393 : vector<1x16xf32> to vector<16xf32>
      %gt3A_395 = arith.cmpf ogt, %get3A_394, %get3A_19 : vector<16xf32>
      %jit3A_396 = arith.constant 1.000000e+00 : f32
      %jit3A_397 = arith.constant 0.000000e+00 : f32
      %broadcast_in_dim3A_398 = vector.broadcast %jit3A_396 : f32 to vector<16xf32>
      %broadcast_in_dim3A_399 = vector.broadcast %jit3A_397 : f32 to vector<16xf32>
      %select_n3A_400 = arith.select %gt3A_395, %broadcast_in_dim3A_398, %broadcast_in_dim3A_399 : vector<16xi1>, vector<16xf32>
      %add3A_401 = arith.addf %add3A_389, %select_n3A_400 : vector<16xf32>
      %lt3A = arith.constant 1.600000e+01 : f32
      %lt3A_402 = vector.broadcast %lt3A : f32 to vector<16xf32>
      %lt3A_403 = arith.cmpf olt, %add3A_401, %lt3A_402 : vector<16xf32>
      %jit3A_404 = arith.constant 1.000000e+00 : f32
      %jit3A_405 = arith.constant 0.000000e+00 : f32
      %broadcast_in_dim3A_406 = vector.broadcast %jit3A_404 : f32 to vector<16xf32>
      %broadcast_in_dim3A_407 = vector.broadcast %jit3A_405 : f32 to vector<16xf32>
      %select_n3A_408 = arith.select %lt3A_403, %broadcast_in_dim3A_406, %broadcast_in_dim3A_407 : vector<16xi1>, vector<16xf32>
      %swap3A = arith.index_cast %and3A_14 : i32 to index
      %swap3A_409 = arith.index_cast %mul3A_16 : i32 to index
      %swap3A_410 = tpu.vector_load %arg5[%swap3A, %swap3A_409] {strides = array<i32>} : memref<32x256xf32, #tpu.memory_space<vmem>>, vector<1x16xf32>,
      %swap3A_411 = vector.shape_cast %swap3A_410 : vector<1x16xf32> to vector<16xf32>
      %swap3A_412 = vector.shape_cast %select_n3A_408 : vector<16xf32> to vector<1x16xf32>
      tpu.vector_store %arg5[%swap3A, %swap3A_409], %swap3A_412 {strides = array<i32>} : memref<32x256xf32, #tpu.memory_space<vmem>>, vector<1x16xf32>,
    }
    %scan3A_11 = arith.constant 512 : i32
    "tpu.region"() ({
      %run_scoped3A = tpu.sem_alloc : memref<!tpu.dma_semaphore, #tpu.memory_space<semaphore_mem>>
      %dma_start3A = arith.constant 0 : i32
      %dma_start3A_12 = arith.constant 0 : i32
      %dma_start3A_13 = tpu.memref_slice %arg3[%add3A, %dma_start3A, %dma_start3A_12] : memref<32x32x256xf32, #tpu.memory_space<hbm>> -> memref<1x32x256xf32, #tpu.memory_space<hbm>>
      %dma_start3A_14 = tpu.memref_squeeze %dma_start3A_13 : memref<1x32x256xf32, #tpu.memory_space<hbm>> -> memref<32x256xf32, #tpu.memory_space<hbm>>
      %dma_start3A_15 = arith.constant 0 : i32
      %dma_start3A_16 = arith.constant 0 : i32
      %dma_start3A_17 = tpu.memref_slice %arg3[%add3A, %dma_start3A_15, %dma_start3A_16] : memref<32x32x256xf32, #tpu.memory_space<hbm>> -> memref<1x32x256xf32, #tpu.memory_space<hbm>>
      %dma_start3A_18 = tpu.memref_squeeze %dma_start3A_17 : memref<1x32x256xf32, #tpu.memory_space<hbm>> -> memref<32x256xf32, #tpu.memory_space<hbm>>
      tpu.enqueue_dma source(%arg5 : memref<32x256xf32, #tpu.memory_space<vmem>>) target(%dma_start3A_18 : memref<32x256xf32, #tpu.memory_space<hbm>>) target_semaphore(%run_scoped3A : memref<!tpu.dma_semaphore, #tpu.memory_space<semaphore_mem>>)
      %dma_wait3A = arith.constant 0 : i32
      %dma_wait3A_19 = arith.constant 0 : i32
      %dma_wait3A_20 = tpu.memref_slice %arg3[%add3A, %dma_wait3A, %dma_wait3A_19] : memref<32x32x256xf32, #tpu.memory_space<hbm>> -> memref<1x32x256xf32, #tpu.memory_space<hbm>>
      %dma_wait3A_21 = tpu.memref_squeeze %dma_wait3A_20 : memref<1x32x256xf32, #tpu.memory_space<hbm>> -> memref<32x256xf32, #tpu.memory_space<hbm>>
      %dma_wait3A_22 = arith.constant 0 : i32
      %dma_wait3A_23 = arith.constant 0 : i32
      %dma_wait3A_24 = tpu.memref_slice %arg3[%add3A, %dma_wait3A_22, %dma_wait3A_23] : memref<32x32x256xf32, #tpu.memory_space<hbm>> -> memref<1x32x256xf32, #tpu.memory_space<hbm>>
      %dma_wait3A_25 = tpu.memref_squeeze %dma_wait3A_24 : memref<1x32x256xf32, #tpu.memory_space<hbm>> -> memref<32x256xf32, #tpu.memory_space<hbm>>
      tpu.wait_dma2 semaphore(%run_scoped3A : memref<!tpu.dma_semaphore, #tpu.memory_space<semaphore_mem>>) src(%arg5 : memref<32x256xf32, #tpu.memory_space<vmem>>) dst(%dma_wait3A_25 : memref<32x256xf32, #tpu.memory_space<hbm>>)
      tpu.yield
    }) : () -> ()
    return
  }
}

module attributes {stable_mosaic.version = 14 : i64} {
  func.func @_stage_a_body(%arg0: i32, %arg1: memref<1x128x2048xf32, #tpu.memory_space<vmem>>, %arg2: memref<1x128x2048xf32, #tpu.memory_space<vmem>>, %arg3: memref<2048x64xf32, #tpu.memory_space<vmem>>, %arg4: memref<2048x64xf32, #tpu.memory_space<vmem>>, %arg5: memref<3x2048x64xf32, #tpu.memory_space<vmem>>, %arg6: memref<128x32xf32, #tpu.memory_space<vmem>>, %arg7: memref<3x2048x64xf32, #tpu.memory_space<vmem>>, %arg8: memref<1x32x2048xf32, #tpu.memory_space<vmem>>) attributes {dimension_semantics = [#tpu.dimension_semantics<arbitrary>], iteration_bounds = array<i64: 4>, scalar_prefetch = 0 : i64, scratch_operands = 0 : i64, tpu.core_type = #tpu.core_type<tc>, window_params = [{transform_indices = @transform_0, window_bounds = array<i64: 1, 128, 2048>}, {transform_indices = @transform_1, window_bounds = array<i64: 1, 128, 2048>}, {pipeline_mode = #tpu.pipeline_mode<synchronous>, transform_indices = @transform_2, window_bounds = array<i64: 2048, 64>}, {pipeline_mode = #tpu.pipeline_mode<synchronous>, transform_indices = @transform_3, window_bounds = array<i64: 2048, 64>}, {transform_indices = @transform_4, window_bounds = array<i64: 3, 2048, 64>}, {pipeline_mode = #tpu.pipeline_mode<synchronous>, transform_indices = @transform_5, window_bounds = array<i64: 128, 32>}, {transform_indices = @transform_6, window_bounds = array<i64: 3, 2048, 64>}, {transform_indices = @transform_7, window_bounds = array<i64: 1, 32, 2048>}]} {
    %get3A = arith.constant 0 : index
    %get3A_0 = arith.constant 0 : index
    %get3A_1 = arith.constant 0 : index
    %get3A_2 = vector.load %arg1[%get3A, %get3A_0, %get3A_1] : memref<1x128x2048xf32, #tpu.memory_space<vmem>>, vector<1x128x2048xf32>
    %get3A_3 = vector.shape_cast %get3A_2 : vector<1x128x2048xf32> to vector<128x2048xf32>
    %convert_element_type3A = arith.truncf %get3A_3 : vector<128x2048xf32> to vector<128x2048xbf16>
    %get3A_4 = arith.constant 0 : index
    %get3A_5 = arith.constant 0 : index
    %get3A_6 = arith.constant 0 : index
    %get3A_7 = vector.load %arg2[%get3A_4, %get3A_5, %get3A_6] : memref<1x128x2048xf32, #tpu.memory_space<vmem>>, vector<1x128x2048xf32>
    %get3A_8 = vector.shape_cast %get3A_7 : vector<1x128x2048xf32> to vector<128x2048xf32>
    %convert_element_type3A_9 = arith.truncf %get3A_8 : vector<128x2048xf32> to vector<128x2048xbf16>
    %get3A_10 = arith.constant 0 : index
    %get3A_11 = arith.constant 0 : index
    %get3A_12 = vector.load %arg3[%get3A_10, %get3A_11] : memref<2048x64xf32, #tpu.memory_space<vmem>>, vector<2048x64xf32>
    %convert_element_type3A_13 = arith.truncf %get3A_12 : vector<2048x64xf32> to vector<2048x64xbf16>
    %dot_general3A = arith.constant dense<0.000000e+00> : vector<128x64xf32>
    %dot_general3A_14 = tpu.matmul %convert_element_type3A, %convert_element_type3A_13, %dot_general3A {dimension_numbers = #tpu.dot_dimension_numbers<[1], [0], [0], [1], [0, 0, 1, 1], [], []>, transpose_lhs_hint = false} : vector<128x2048xbf16>, vector<2048x64xbf16>, vector<128x64xf32> -> vector<128x64xf32>
    %get3A_15 = arith.constant 0 : index
    %get3A_16 = arith.constant 0 : index
    %get3A_17 = vector.load %arg4[%get3A_15, %get3A_16] : memref<2048x64xf32, #tpu.memory_space<vmem>>, vector<2048x64xf32>
    %convert_element_type3A_18 = arith.truncf %get3A_17 : vector<2048x64xf32> to vector<2048x64xbf16>
    %dot_general3A_19 = arith.constant dense<0.000000e+00> : vector<128x64xf32>
    %dot_general3A_20 = tpu.matmul %convert_element_type3A_9, %convert_element_type3A_18, %dot_general3A_19 {dimension_numbers = #tpu.dot_dimension_numbers<[1], [0], [0], [1], [0, 0, 1, 1], [], []>, transpose_lhs_hint = false} : vector<128x2048xbf16>, vector<2048x64xbf16>, vector<128x64xf32> -> vector<128x64xf32>
    %convert_element_type3A_21 = arith.truncf %dot_general3A_14 : vector<128x64xf32> to vector<128x64xbf16>
    %convert_element_type3A_22 = arith.truncf %dot_general3A_20 : vector<128x64xf32> to vector<128x64xbf16>
    %iota3A = tpu.iota {dimensions = array<i32: 0>} : vector<2048x128xi32>
    %iota3A_23 = tpu.iota {dimensions = array<i32: 1>} : vector<2048x128xi32>
    %mul3A = arith.constant 16 : i32
    %mul3A_24 = vector.broadcast %mul3A : i32 to vector<2048x128xi32>
    %mul3A_25 = arith.muli %iota3A_23, %mul3A_24 : vector<2048x128xi32>
    %add3A = arith.constant 32 : i32
    %add3A_26 = vector.broadcast %add3A : i32 to vector<2048x128xi32>
    %add3A_27 = arith.addi %mul3A_25, %add3A_26 : vector<2048x128xi32>
    %sub3A = arith.constant 1 : i32
    %sub3A_28 = vector.broadcast %sub3A : i32 to vector<2048x128xi32>
    %sub3A_29 = arith.subi %add3A_27, %sub3A_28 : vector<2048x128xi32>
    %le3A = arith.cmpi sle, %sub3A_29, %iota3A : vector<2048x128xi32>
    %broadcast_in_dim3A = arith.constant 0.000000e+00 : f32
    %broadcast_in_dim3A_30 = vector.broadcast %broadcast_in_dim3A : f32 to vector<2048x128xf32>
    %get3A_31 = arith.constant 0 : index
    %get3A_32 = arith.constant 0 : index
    %get3A_33 = arith.constant 0 : index
    %get3A_34 = vector.load %arg5[%get3A_31, %get3A_32, %get3A_33] : memref<3x2048x64xf32, #tpu.memory_space<vmem>>, vector<1x2048x64xf32>
    %get3A_35 = vector.shape_cast %get3A_34 : vector<1x2048x64xf32> to vector<2048x64xf32>
    %convert_element_type3A_36 = arith.truncf %get3A_35 : vector<2048x64xf32> to vector<2048x64xbf16>
    %dot_general3A_37 = arith.constant dense<0.000000e+00> : vector<2048x128xf32>
    %dot_general3A_38 = tpu.matmul %convert_element_type3A_36, %convert_element_type3A_21, %dot_general3A_37 {dimension_numbers = #tpu.dot_dimension_numbers<[1], [1], [0], [0], [0, 0, 1, 0], [], []>, transpose_lhs_hint = false} : vector<2048x64xbf16>, vector<128x64xbf16>, vector<2048x128xf32> -> vector<2048x128xf32>
    %exp3A = math.exp %dot_general3A_38 : vector<2048x128xf32>
    %jit3A = arith.constant 0.000000e+00 : f32
    %broadcast_in_dim3A_39 = vector.broadcast %jit3A : f32 to vector<2048x128xf32>
    %select_n3A = arith.select %le3A, %exp3A, %broadcast_in_dim3A_39 : vector<2048x128xi1>, vector<2048x128xf32>
    %reduce_sum3A = arith.constant dense<0.000000e+00> : vector<2048xf32>
    %reduce_sum3A_40 = vector.multi_reduction <add>, %select_n3A, %reduce_sum3A [1] : vector<2048x128xf32> to vector<2048xf32>
    %broadcast_in_dim3A_41 = vector.shape_cast %reduce_sum3A_40 : vector<2048xf32> to vector<2048x1xf32>
    %max3A = arith.constant 9.99999968E-21 : f32
    %max3A_42 = vector.broadcast %max3A : f32 to vector<2048x1xf32>
    %max3A_43 = arith.maximumf %broadcast_in_dim3A_41, %max3A_42 : vector<2048x1xf32>
    %div3A = vector.broadcast %max3A_43 : vector<2048x1xf32> to vector<2048x128xf32>
    %div3A_44 = arith.divf %select_n3A, %div3A : vector<2048x128xf32>
    %convert_element_type3A_45 = arith.truncf %div3A_44 : vector<2048x128xf32> to vector<2048x128xbf16>
    %dot_general3A_46 = arith.constant dense<0.000000e+00> : vector<2048x64xf32>
    %dot_general3A_47 = tpu.matmul %convert_element_type3A_45, %convert_element_type3A_22, %dot_general3A_46 {dimension_numbers = #tpu.dot_dimension_numbers<[1], [0], [0], [1], [0, 0, 1, 1], [], []>, transpose_lhs_hint = false} : vector<2048x128xbf16>, vector<128x64xbf16>, vector<2048x64xf32> -> vector<2048x64xf32>
    %swap3A = arith.constant 0 : index
    %swap3A_48 = arith.constant 0 : index
    %swap3A_49 = arith.constant 0 : index
    %swap3A_50 = vector.load %arg7[%swap3A, %swap3A_48, %swap3A_49] : memref<3x2048x64xf32, #tpu.memory_space<vmem>>, vector<1x2048x64xf32>
    %swap3A_51 = vector.shape_cast %swap3A_50 : vector<1x2048x64xf32> to vector<2048x64xf32>
    %swap3A_52 = vector.shape_cast %dot_general3A_47 : vector<2048x64xf32> to vector<1x2048x64xf32>
    tpu.vector_store %arg7[%swap3A, %swap3A_48, %swap3A_49], %swap3A_52 {strides = array<i32>} : memref<3x2048x64xf32, #tpu.memory_space<vmem>>, vector<1x2048x64xf32>,
    %add3A_53 = arith.addf %broadcast_in_dim3A_30, %div3A_44 : vector<2048x128xf32>
    %get3A_54 = arith.constant 1 : index
    %get3A_55 = arith.constant 0 : index
    %get3A_56 = arith.constant 0 : index
    %get3A_57 = vector.load %arg5[%get3A_54, %get3A_55, %get3A_56] : memref<3x2048x64xf32, #tpu.memory_space<vmem>>, vector<1x2048x64xf32>
    %get3A_58 = vector.shape_cast %get3A_57 : vector<1x2048x64xf32> to vector<2048x64xf32>
    %convert_element_type3A_59 = arith.truncf %get3A_58 : vector<2048x64xf32> to vector<2048x64xbf16>
    %dot_general3A_60 = arith.constant dense<0.000000e+00> : vector<2048x128xf32>
    %dot_general3A_61 = tpu.matmul %convert_element_type3A_59, %convert_element_type3A_21, %dot_general3A_60 {dimension_numbers = #tpu.dot_dimension_numbers<[1], [1], [0], [0], [0, 0, 1, 0], [], []>, transpose_lhs_hint = false} : vector<2048x64xbf16>, vector<128x64xbf16>, vector<2048x128xf32> -> vector<2048x128xf32>
    %exp3A_62 = math.exp %dot_general3A_61 : vector<2048x128xf32>
    %jit3A_63 = arith.constant 0.000000e+00 : f32
    %broadcast_in_dim3A_64 = vector.broadcast %jit3A_63 : f32 to vector<2048x128xf32>
    %select_n3A_65 = arith.select %le3A, %exp3A_62, %broadcast_in_dim3A_64 : vector<2048x128xi1>, vector<2048x128xf32>
    %reduce_sum3A_66 = arith.constant dense<0.000000e+00> : vector<2048xf32>
    %reduce_sum3A_67 = vector.multi_reduction <add>, %select_n3A_65, %reduce_sum3A_66 [1] : vector<2048x128xf32> to vector<2048xf32>
    %broadcast_in_dim3A_68 = vector.shape_cast %reduce_sum3A_67 : vector<2048xf32> to vector<2048x1xf32>
    %max3A_69 = arith.constant 9.99999968E-21 : f32
    %max3A_70 = vector.broadcast %max3A_69 : f32 to vector<2048x1xf32>
    %max3A_71 = arith.maximumf %broadcast_in_dim3A_68, %max3A_70 : vector<2048x1xf32>
    %div3A_72 = vector.broadcast %max3A_71 : vector<2048x1xf32> to vector<2048x128xf32>
    %div3A_73 = arith.divf %select_n3A_65, %div3A_72 : vector<2048x128xf32>
    %convert_element_type3A_74 = arith.truncf %div3A_73 : vector<2048x128xf32> to vector<2048x128xbf16>
    %dot_general3A_75 = arith.constant dense<0.000000e+00> : vector<2048x64xf32>
    %dot_general3A_76 = tpu.matmul %convert_element_type3A_74, %convert_element_type3A_22, %dot_general3A_75 {dimension_numbers = #tpu.dot_dimension_numbers<[1], [0], [0], [1], [0, 0, 1, 1], [], []>, transpose_lhs_hint = false} : vector<2048x128xbf16>, vector<128x64xbf16>, vector<2048x64xf32> -> vector<2048x64xf32>
    %swap3A_77 = arith.constant 1 : index
    %swap3A_78 = arith.constant 0 : index
    %swap3A_79 = arith.constant 0 : index
    %swap3A_80 = vector.load %arg7[%swap3A_77, %swap3A_78, %swap3A_79] : memref<3x2048x64xf32, #tpu.memory_space<vmem>>, vector<1x2048x64xf32>
    %swap3A_81 = vector.shape_cast %swap3A_80 : vector<1x2048x64xf32> to vector<2048x64xf32>
    %swap3A_82 = vector.shape_cast %dot_general3A_76 : vector<2048x64xf32> to vector<1x2048x64xf32>
    tpu.vector_store %arg7[%swap3A_77, %swap3A_78, %swap3A_79], %swap3A_82 {strides = array<i32>} : memref<3x2048x64xf32, #tpu.memory_space<vmem>>, vector<1x2048x64xf32>,
    %add3A_83 = arith.addf %add3A_53, %div3A_73 : vector<2048x128xf32>
    %get3A_84 = arith.constant 2 : index
    %get3A_85 = arith.constant 0 : index
    %get3A_86 = arith.constant 0 : index
    %get3A_87 = vector.load %arg5[%get3A_84, %get3A_85, %get3A_86] : memref<3x2048x64xf32, #tpu.memory_space<vmem>>, vector<1x2048x64xf32>
    %get3A_88 = vector.shape_cast %get3A_87 : vector<1x2048x64xf32> to vector<2048x64xf32>
    %convert_element_type3A_89 = arith.truncf %get3A_88 : vector<2048x64xf32> to vector<2048x64xbf16>
    %dot_general3A_90 = arith.constant dense<0.000000e+00> : vector<2048x128xf32>
    %dot_general3A_91 = tpu.matmul %convert_element_type3A_89, %convert_element_type3A_21, %dot_general3A_90 {dimension_numbers = #tpu.dot_dimension_numbers<[1], [1], [0], [0], [0, 0, 1, 0], [], []>, transpose_lhs_hint = false} : vector<2048x64xbf16>, vector<128x64xbf16>, vector<2048x128xf32> -> vector<2048x128xf32>
    %exp3A_92 = math.exp %dot_general3A_91 : vector<2048x128xf32>
    %jit3A_93 = arith.constant 0.000000e+00 : f32
    %broadcast_in_dim3A_94 = vector.broadcast %jit3A_93 : f32 to vector<2048x128xf32>
    %select_n3A_95 = arith.select %le3A, %exp3A_92, %broadcast_in_dim3A_94 : vector<2048x128xi1>, vector<2048x128xf32>
    %reduce_sum3A_96 = arith.constant dense<0.000000e+00> : vector<2048xf32>
    %reduce_sum3A_97 = vector.multi_reduction <add>, %select_n3A_95, %reduce_sum3A_96 [1] : vector<2048x128xf32> to vector<2048xf32>
    %broadcast_in_dim3A_98 = vector.shape_cast %reduce_sum3A_97 : vector<2048xf32> to vector<2048x1xf32>
    %max3A_99 = arith.constant 9.99999968E-21 : f32
    %max3A_100 = vector.broadcast %max3A_99 : f32 to vector<2048x1xf32>
    %max3A_101 = arith.maximumf %broadcast_in_dim3A_98, %max3A_100 : vector<2048x1xf32>
    %div3A_102 = vector.broadcast %max3A_101 : vector<2048x1xf32> to vector<2048x128xf32>
    %div3A_103 = arith.divf %select_n3A_95, %div3A_102 : vector<2048x128xf32>
    %convert_element_type3A_104 = arith.truncf %div3A_103 : vector<2048x128xf32> to vector<2048x128xbf16>
    %dot_general3A_105 = arith.constant dense<0.000000e+00> : vector<2048x64xf32>
    %dot_general3A_106 = tpu.matmul %convert_element_type3A_104, %convert_element_type3A_22, %dot_general3A_105 {dimension_numbers = #tpu.dot_dimension_numbers<[1], [0], [0], [1], [0, 0, 1, 1], [], []>, transpose_lhs_hint = false} : vector<2048x128xbf16>, vector<128x64xbf16>, vector<2048x64xf32> -> vector<2048x64xf32>
    %swap3A_107 = arith.constant 2 : index
    %swap3A_108 = arith.constant 0 : index
    %swap3A_109 = arith.constant 0 : index
    %swap3A_110 = vector.load %arg7[%swap3A_107, %swap3A_108, %swap3A_109] : memref<3x2048x64xf32, #tpu.memory_space<vmem>>, vector<1x2048x64xf32>
    %swap3A_111 = vector.shape_cast %swap3A_110 : vector<1x2048x64xf32> to vector<2048x64xf32>
    %swap3A_112 = vector.shape_cast %dot_general3A_106 : vector<2048x64xf32> to vector<1x2048x64xf32>
    tpu.vector_store %arg7[%swap3A_107, %swap3A_108, %swap3A_109], %swap3A_112 {strides = array<i32>} : memref<3x2048x64xf32, #tpu.memory_space<vmem>>, vector<1x2048x64xf32>,
    %add3A_113 = arith.addf %add3A_83, %div3A_103 : vector<2048x128xf32>
    %get3A_114 = arith.constant 0 : index
    %get3A_115 = arith.constant 0 : index
    %get3A_116 = vector.load %arg6[%get3A_114, %get3A_115] : memref<128x32xf32, #tpu.memory_space<vmem>>, vector<128x32xf32>
    %dot_general3A_117 = arith.constant dense<0.000000e+00> : vector<2048x32xf32>
    %dot_general3A_118 = tpu.matmul %add3A_113, %get3A_116, %dot_general3A_117 {dimension_numbers = #tpu.dot_dimension_numbers<[1], [0], [0], [1], [0, 0, 1, 1], [], []>, precision = #tpu.contract_precision<fp32>, transpose_lhs_hint = false} : vector<2048x128xf32>, vector<128x32xf32>, vector<2048x32xf32> -> vector<2048x32xf32>
    %transpose3A = tpu.transpose %dot_general3A_118, [1, 0] : vector<2048x32xf32> -> vector<32x2048xf32>
    %swap3A_119 = arith.constant 0 : index
    %swap3A_120 = arith.constant 0 : index
    %swap3A_121 = arith.constant 0 : index
    %swap3A_122 = vector.load %arg8[%swap3A_119, %swap3A_120, %swap3A_121] : memref<1x32x2048xf32, #tpu.memory_space<vmem>>, vector<1x32x2048xf32>
    %swap3A_123 = vector.shape_cast %swap3A_122 : vector<1x32x2048xf32> to vector<32x2048xf32>
    %swap3A_124 = vector.shape_cast %transpose3A : vector<32x2048xf32> to vector<1x32x2048xf32>
    tpu.vector_store %arg8[%swap3A_119, %swap3A_120, %swap3A_121], %swap3A_124 {strides = array<i32>} : memref<1x32x2048xf32, #tpu.memory_space<vmem>>, vector<1x32x2048xf32>,
    return
  }
  func.func @transform_0(%arg0: i32) -> (i32, i32, i32) {
    %c0_i32 = arith.constant 0 : i32
    %c0_i32_0 = arith.constant 0 : i32
    %c0_i32_1 = arith.constant 0 : i32
    return %arg0, %c0_i32, %c0_i32_0 : i32, i32, i32
  }
  func.func @transform_1(%arg0: i32) -> (i32, i32, i32) {
    %c0_i32 = arith.constant 0 : i32
    %c0_i32_0 = arith.constant 0 : i32
    %c0_i32_1 = arith.constant 0 : i32
    return %arg0, %c0_i32, %c0_i32_0 : i32, i32, i32
  }
  func.func @transform_2(%arg0: i32) -> (i32, i32) {
    %c0_i32 = arith.constant 0 : i32
    %c0_i32_0 = arith.constant 0 : i32
    %c0_i32_1 = arith.constant 0 : i32
    return %c0_i32, %c0_i32_0 : i32, i32
  }
  func.func @transform_3(%arg0: i32) -> (i32, i32) {
    %c0_i32 = arith.constant 0 : i32
    %c0_i32_0 = arith.constant 0 : i32
    %c0_i32_1 = arith.constant 0 : i32
    return %c0_i32, %c0_i32_0 : i32, i32
  }
  func.func @transform_4(%arg0: i32) -> (i32, i32, i32) {
    %c0_i32 = arith.constant 0 : i32
    %c0_i32_0 = arith.constant 0 : i32
    %c0_i32_1 = arith.constant 0 : i32
    return %arg0, %c0_i32, %c0_i32_0 : i32, i32, i32
  }
  func.func @transform_5(%arg0: i32) -> (i32, i32) {
    %c0_i32 = arith.constant 0 : i32
    %c0_i32_0 = arith.constant 0 : i32
    %c0_i32_1 = arith.constant 0 : i32
    return %c0_i32, %c0_i32_0 : i32, i32
  }
  func.func @transform_6(%arg0: i32) -> (i32, i32, i32) {
    %c0_i32 = arith.constant 0 : i32
    %c0_i32_0 = arith.constant 0 : i32
    %c0_i32_1 = arith.constant 0 : i32
    return %arg0, %c0_i32, %c0_i32_0 : i32, i32, i32
  }
  func.func @transform_7(%arg0: i32) -> (i32, i32, i32) {
    %c0_i32 = arith.constant 0 : i32
    %c0_i32_0 = arith.constant 0 : i32
    %c0_i32_1 = arith.constant 0 : i32
    return %arg0, %c0_i32, %c0_i32_0 : i32, i32, i32
  }
}

module attributes {stable_mosaic.version = 14 : i64} {
  func.func @_flash_body(%arg0: i32, %arg1: i32, %arg2: memref<3x512x64xf32, #tpu.memory_space<vmem>>, %arg3: memref<1x2048x64xf32, #tpu.memory_space<vmem>>, %arg4: memref<1x2048x64xf32, #tpu.memory_space<vmem>>, %arg5: memref<3x512x64xf32, #tpu.memory_space<vmem>>, %arg6: memref<1x32x512xf32, #tpu.memory_space<vmem>>, %arg7: memref<1536x512xbf16, #tpu.memory_space<vmem>>, %arg8: memref<1536x512xbf16, #tpu.memory_space<vmem>>, %arg9: memref<3x64xf32, #tpu.memory_space<vmem>>, %arg10: memref<3x512x64xf32, #tpu.memory_space<vmem>>, %arg11: memref<1536x72xf32, #tpu.memory_space<vmem>>, %arg12: memref<1536x72xf32, #tpu.memory_space<vmem>>) attributes {dimension_semantics = [#tpu.dimension_semantics<arbitrary>, #tpu.dimension_semantics<arbitrary>], iteration_bounds = array<i64: 4, 4>, scalar_prefetch = 0 : i64, scratch_operands = 2 : i64, tpu.core_type = #tpu.core_type<tc>, window_params = [{transform_indices = @transform_0, window_bounds = array<i64: 3, 512, 64>}, {transform_indices = @transform_1, window_bounds = array<i64: 1, 2048, 64>}, {transform_indices = @transform_2, window_bounds = array<i64: 1, 2048, 64>}, {transform_indices = @transform_3, window_bounds = array<i64: 3, 512, 64>}, {transform_indices = @transform_4, window_bounds = array<i64: 1, 32, 512>}, {pipeline_mode = #tpu.pipeline_mode<synchronous>, transform_indices = @transform_5, window_bounds = array<i64: 1536, 512>}, {pipeline_mode = #tpu.pipeline_mode<synchronous>, transform_indices = @transform_6, window_bounds = array<i64: 1536, 512>}, {pipeline_mode = #tpu.pipeline_mode<synchronous>, transform_indices = @transform_7, window_bounds = array<i64: 3, 64>}, {transform_indices = @transform_8, window_bounds = array<i64: 3, 512, 64>}]} {
    %broadcast_in_dim3A = arith.constant 0.000000e+00 : f32
    %broadcast_in_dim3A_0 = vector.broadcast %broadcast_in_dim3A : f32 to vector<1536x72xf32>
    %swap3A = arith.constant 0 : index
    %swap3A_1 = arith.constant 0 : index
    %swap3A_2 = vector.load %arg11[%swap3A, %swap3A_1] : memref<1536x72xf32, #tpu.memory_space<vmem>>, vector<1536x72xf32>
    tpu.vector_store %arg11[%swap3A, %swap3A_1], %broadcast_in_dim3A_0 {strides = array<i32>} : memref<1536x72xf32, #tpu.memory_space<vmem>>, vector<1536x72xf32>,
    %broadcast_in_dim3A_3 = arith.constant 0.000000e+00 : f32
    %broadcast_in_dim3A_4 = vector.broadcast %broadcast_in_dim3A_3 : f32 to vector<1536x72xf32>
    %swap3A_5 = arith.constant 0 : index
    %swap3A_6 = arith.constant 0 : index
    %swap3A_7 = vector.load %arg12[%swap3A_5, %swap3A_6] : memref<1536x72xf32, #tpu.memory_space<vmem>>, vector<1536x72xf32>
    tpu.vector_store %arg12[%swap3A_5, %swap3A_6], %broadcast_in_dim3A_4 {strides = array<i32>} : memref<1536x72xf32, #tpu.memory_space<vmem>>, vector<1536x72xf32>,
    %get3A = arith.constant 0 : index
    %get3A_8 = arith.constant 0 : index
    %get3A_9 = arith.constant 0 : index
    %get3A_10 = vector.load %arg2[%get3A, %get3A_8, %get3A_9] : memref<3x512x64xf32, #tpu.memory_space<vmem>>, vector<3x512x64xf32>
    %reshape3A = vector.shape_cast %get3A_10 : vector<3x512x64xf32> to vector<1536x64xf32>
    %convert_element_type3A = arith.truncf %reshape3A : vector<1536x64xf32> to vector<1536x64xbf16>
    %get3A_11 = arith.constant 0 : index
    %get3A_12 = arith.constant 0 : index
    %get3A_13 = arith.constant 0 : index
    %get3A_14 = vector.load %arg3[%get3A_11, %get3A_12, %get3A_13] : memref<1x2048x64xf32, #tpu.memory_space<vmem>>, vector<1x2048x64xf32>
    %get3A_15 = vector.shape_cast %get3A_14 : vector<1x2048x64xf32> to vector<2048x64xf32>
    %convert_element_type3A_16 = arith.truncf %get3A_15 : vector<2048x64xf32> to vector<2048x64xbf16>
    %get3A_17 = arith.constant 0 : index
    %get3A_18 = arith.constant 0 : index
    %get3A_19 = arith.constant 0 : index
    %get3A_20 = vector.load %arg4[%get3A_17, %get3A_18, %get3A_19] : memref<1x2048x64xf32, #tpu.memory_space<vmem>>, vector<1x2048x64xf32>
    %get3A_21 = vector.shape_cast %get3A_20 : vector<1x2048x64xf32> to vector<2048x64xf32>
    %convert_element_type3A_22 = arith.truncf %get3A_21 : vector<2048x64xf32> to vector<2048x64xbf16>
    %get3A_23 = arith.constant 0 : index
    %get3A_24 = arith.constant 0 : index
    %get3A_25 = arith.constant 0 : index
    %get3A_26 = vector.load %arg6[%get3A_23, %get3A_24, %get3A_25] : memref<1x32x512xf32, #tpu.memory_space<vmem>>, vector<1x32x512xf32>
    %get3A_27 = vector.shape_cast %get3A_26 : vector<1x32x512xf32> to vector<32x512xf32>
    %transpose3A = tpu.transpose %get3A_27, [1, 0] : vector<32x512xf32> -> vector<512x32xf32>
    %concatenate3A = tpu.concatenate %transpose3A, %transpose3A, %transpose3A in 0 : vector<512x32xf32>, vector<512x32xf32>, vector<512x32xf32> -> vector<1536x32xf32>
    %convert_element_type3A_28 = arith.truncf %concatenate3A : vector<1536x32xf32> to vector<1536x32xbf16>
    %ge3A = arith.constant 0 : i32
    %ge3A_29 = arith.cmpi sge, %arg1, %ge3A : i32
    %convert_element_type3A_30 = arith.extui %ge3A_29 : i1 to i32
    %cond3A = arith.constant 0 : i32
    %cond3A_31 = arith.cmpi ne, %convert_element_type3A_30, %cond3A : i32
    scf.if %cond3A_31 {
      %slice3A_114 = vector.extract_strided_slice %convert_element_type3A_16 {offsets = [0, 0], sizes = [512, 64], strides = [1, 1]} : vector<2048x64xbf16> to vector<512x64xbf16>
      %slice3A_115 = vector.extract_strided_slice %convert_element_type3A_22 {offsets = [0, 0], sizes = [512, 64], strides = [1, 1]} : vector<2048x64xbf16> to vector<512x64xbf16>
      %broadcast_in_dim3A_116 = arith.constant 1.000000e+00 : bf16
      %broadcast_in_dim3A_117 = vector.broadcast %broadcast_in_dim3A_116 : bf16 to vector<512x8xbf16>
      %concatenate3A_118 = tpu.concatenate %slice3A_115, %broadcast_in_dim3A_117 in 1 : vector<512x64xbf16>, vector<512x8xbf16> -> vector<512x72xbf16>
      %dot_general3A = arith.constant dense<0.000000e+00> : vector<1536x512xf32>
      %dot_general3A_119 = tpu.matmul %convert_element_type3A, %slice3A_114, %dot_general3A {dimension_numbers = #tpu.dot_dimension_numbers<[1], [1], [0], [0], [0, 0, 1, 0], [], []>, transpose_lhs_hint = false} : vector<1536x64xbf16>, vector<512x64xbf16>, vector<1536x512xf32> -> vector<1536x512xf32>
      %exp3A = math.exp %dot_general3A_119 : vector<1536x512xf32>
      %convert_element_type3A_120 = arith.truncf %exp3A : vector<1536x512xf32> to vector<1536x512xbf16>
      %iota3A = tpu.iota {dimensions = array<i32: 0>} : vector<32x1xi32>
      %iota3A_121 = tpu.iota {dimensions = array<i32: 1>} : vector<1x512xi32>
      %shift_right_arithmetic3A = arith.constant 6 : i32
      %shift_right_arithmetic3A_122 = vector.broadcast %shift_right_arithmetic3A : i32 to vector<1x512xi32>
      %shift_right_arithmetic3A_123 = arith.shrsi %iota3A_121, %shift_right_arithmetic3A_122 : vector<1x512xi32>
      %add3A_124 = arith.constant 0 : i32
      %add3A_125 = vector.broadcast %add3A_124 : i32 to vector<1x512xi32>
      %add3A_126 = arith.addi %shift_right_arithmetic3A_123, %add3A_125 : vector<1x512xi32>
      %eq3A = vector.broadcast %iota3A : vector<32x1xi32> to vector<32x512xi32>
      %eq3A_127 = vector.broadcast %add3A_126 : vector<1x512xi32> to vector<32x512xi32>
      %eq3A_128 = arith.cmpi eq, %eq3A, %eq3A_127 : vector<32x512xi32>
      %convert_element_type3A_129 = arith.extui %eq3A_128 : vector<32x512xi1> to vector<32x512xi32>
      %convert_element_type3A_130 = arith.sitofp %convert_element_type3A_129 : vector<32x512xi32> to vector<32x512xf32>
      %convert_element_type3A_131 = arith.truncf %convert_element_type3A_130 : vector<32x512xf32> to vector<32x512xbf16>
      %dot_general3A_132 = arith.constant dense<0.000000e+00> : vector<1536x512xf32>
      %dot_general3A_133 = tpu.matmul %convert_element_type3A_28, %convert_element_type3A_131, %dot_general3A_132 {dimension_numbers = #tpu.dot_dimension_numbers<[1], [0], [0], [1], [0, 0, 1, 1], [], []>, transpose_lhs_hint = false} : vector<1536x32xbf16>, vector<32x512xbf16>, vector<1536x512xf32> -> vector<1536x512xf32>
      %convert_element_type3A_134 = arith.truncf %dot_general3A_133 : vector<1536x512xf32> to vector<1536x512xbf16>
      %gt3A = arith.constant 0 : i32
      %gt3A_135 = arith.cmpi sgt, %arg1, %gt3A : i32
      %convert_element_type3A_136 = arith.extui %gt3A_135 : i1 to i32
      %cond3A_137 = arith.constant 0 : i32
      %cond3A_138 = arith.cmpi ne, %convert_element_type3A_136, %cond3A_137 : i32
      scf.if %cond3A_138 {
        %get3A_144 = arith.constant 0 : index
        %get3A_145 = arith.constant 0 : index
        %get3A_146 = vector.load %arg11[%get3A_144, %get3A_145] : memref<1536x72xf32, #tpu.memory_space<vmem>>, vector<1536x72xf32>
        %mul3A_147 = arith.mulf %convert_element_type3A_120, %convert_element_type3A_134 : vector<1536x512xbf16>
        %dot_general3A_148 = arith.constant dense<0.000000e+00> : vector<1536x72xf32>
        %dot_general3A_149 = tpu.matmul %mul3A_147, %concatenate3A_118, %dot_general3A_148 {dimension_numbers = #tpu.dot_dimension_numbers<[1], [0], [0], [1], [0, 0, 1, 1], [], []>, transpose_lhs_hint = false} : vector<1536x512xbf16>, vector<512x72xbf16>, vector<1536x72xf32> -> vector<1536x72xf32>
        %add3A_150 = arith.addf %get3A_146, %dot_general3A_149 : vector<1536x72xf32>
        %swap3A_151 = arith.constant 0 : index
        %swap3A_152 = arith.constant 0 : index
        %swap3A_153 = vector.load %arg11[%swap3A_151, %swap3A_152] : memref<1536x72xf32, #tpu.memory_space<vmem>>, vector<1536x72xf32>
        tpu.vector_store %arg11[%swap3A_151, %swap3A_152], %add3A_150 {strides = array<i32>} : memref<1536x72xf32, #tpu.memory_space<vmem>>, vector<1536x72xf32>,
        %eq3A_154 = arith.constant 1 : i32
        %eq3A_155 = arith.cmpi eq, %arg1, %eq3A_154 : i32
        %convert_element_type3A_156 = arith.extui %eq3A_155 : i1 to i32
        %cond3A_157 = arith.constant 0 : i32
        %cond3A_158 = arith.cmpi ne, %convert_element_type3A_156, %cond3A_157 : i32
        scf.if %cond3A_158 {
          %get3A_159 = arith.constant 0 : index
          %get3A_160 = arith.constant 0 : index
          %get3A_161 = vector.load %arg12[%get3A_159, %get3A_160] : memref<1536x72xf32, #tpu.memory_space<vmem>>, vector<1536x72xf32>
          %get3A_162 = arith.constant 0 : index
          %get3A_163 = arith.constant 0 : index
          %get3A_164 = vector.load %arg8[%get3A_162, %get3A_163] : memref<1536x512xbf16, #tpu.memory_space<vmem>>, vector<1536x512xbf16>
          %mul3A_165 = arith.mulf %convert_element_type3A_120, %get3A_164 : vector<1536x512xbf16>
          %dot_general3A_166 = arith.constant dense<0.000000e+00> : vector<1536x72xf32>
          %dot_general3A_167 = tpu.matmul %mul3A_165, %concatenate3A_118, %dot_general3A_166 {dimension_numbers = #tpu.dot_dimension_numbers<[1], [0], [0], [1], [0, 0, 1, 1], [], []>, transpose_lhs_hint = false} : vector<1536x512xbf16>, vector<512x72xbf16>, vector<1536x72xf32> -> vector<1536x72xf32>
          %add3A_168 = arith.addf %get3A_161, %dot_general3A_167 : vector<1536x72xf32>
          %swap3A_169 = arith.constant 0 : index
          %swap3A_170 = arith.constant 0 : index
          %swap3A_171 = vector.load %arg12[%swap3A_169, %swap3A_170] : memref<1536x72xf32, #tpu.memory_space<vmem>>, vector<1536x72xf32>
          tpu.vector_store %arg12[%swap3A_169, %swap3A_170], %add3A_168 {strides = array<i32>} : memref<1536x72xf32, #tpu.memory_space<vmem>>, vector<1536x72xf32>,
        } else {
        }
      } else {
      }
      %eq3A_139 = arith.constant 0 : i32
      %eq3A_140 = arith.cmpi eq, %arg1, %eq3A_139 : i32
      %convert_element_type3A_141 = arith.extui %eq3A_140 : i1 to i32
      %cond3A_142 = arith.constant 0 : i32
      %cond3A_143 = arith.cmpi ne, %convert_element_type3A_141, %cond3A_142 : i32
      scf.if %cond3A_143 {
        %get3A_144 = arith.constant 0 : index
        %get3A_145 = arith.constant 0 : index
        %get3A_146 = vector.load %arg7[%get3A_144, %get3A_145] : memref<1536x512xbf16, #tpu.memory_space<vmem>>, vector<1536x512xbf16>
        %mul3A_147 = arith.mulf %convert_element_type3A_120, %get3A_146 : vector<1536x512xbf16>
        %get3A_148 = arith.constant 0 : index
        %get3A_149 = arith.constant 0 : index
        %get3A_150 = vector.load %arg12[%get3A_148, %get3A_149] : memref<1536x72xf32, #tpu.memory_space<vmem>>, vector<1536x72xf32>
        %dot_general3A_151 = arith.constant dense<0.000000e+00> : vector<1536x72xf32>
        %dot_general3A_152 = tpu.matmul %mul3A_147, %concatenate3A_118, %dot_general3A_151 {dimension_numbers = #tpu.dot_dimension_numbers<[1], [0], [0], [1], [0, 0, 1, 1], [], []>, transpose_lhs_hint = false} : vector<1536x512xbf16>, vector<512x72xbf16>, vector<1536x72xf32> -> vector<1536x72xf32>
        %add3A_153 = arith.addf %get3A_150, %dot_general3A_152 : vector<1536x72xf32>
        %swap3A_154 = arith.constant 0 : index
        %swap3A_155 = arith.constant 0 : index
        %swap3A_156 = vector.load %arg12[%swap3A_154, %swap3A_155] : memref<1536x72xf32, #tpu.memory_space<vmem>>, vector<1536x72xf32>
        tpu.vector_store %arg12[%swap3A_154, %swap3A_155], %add3A_153 {strides = array<i32>} : memref<1536x72xf32, #tpu.memory_space<vmem>>, vector<1536x72xf32>,
        %get3A_157 = arith.constant 0 : index
        %get3A_158 = arith.constant 0 : index
        %get3A_159 = vector.load %arg11[%get3A_157, %get3A_158] : memref<1536x72xf32, #tpu.memory_space<vmem>>, vector<1536x72xf32>
        %mul3A_160 = arith.mulf %mul3A_147, %convert_element_type3A_134 : vector<1536x512xbf16>
        %dot_general3A_161 = arith.constant dense<0.000000e+00> : vector<1536x72xf32>
        %dot_general3A_162 = tpu.matmul %mul3A_160, %concatenate3A_118, %dot_general3A_161 {dimension_numbers = #tpu.dot_dimension_numbers<[1], [0], [0], [1], [0, 0, 1, 1], [], []>, transpose_lhs_hint = false} : vector<1536x512xbf16>, vector<512x72xbf16>, vector<1536x72xf32> -> vector<1536x72xf32>
        %add3A_163 = arith.addf %get3A_159, %dot_general3A_162 : vector<1536x72xf32>
        %swap3A_164 = arith.constant 0 : index
        %swap3A_165 = arith.constant 0 : index
        %swap3A_166 = vector.load %arg11[%swap3A_164, %swap3A_165] : memref<1536x72xf32, #tpu.memory_space<vmem>>, vector<1536x72xf32>
        tpu.vector_store %arg11[%swap3A_164, %swap3A_165], %add3A_163 {strides = array<i32>} : memref<1536x72xf32, #tpu.memory_space<vmem>>, vector<1536x72xf32>,
      } else {
      }
    } else {
    }
    %ge3A_32 = arith.constant 1 : i32
    %ge3A_33 = arith.cmpi sge, %arg1, %ge3A_32 : i32
    %convert_element_type3A_34 = arith.extui %ge3A_33 : i1 to i32
    %cond3A_35 = arith.constant 0 : i32
    %cond3A_36 = arith.cmpi ne, %convert_element_type3A_34, %cond3A_35 : i32
    scf.if %cond3A_36 {
      %slice3A_114 = vector.extract_strided_slice %convert_element_type3A_16 {offsets = [512, 0], sizes = [512, 64], strides = [1, 1]} : vector<2048x64xbf16> to vector<512x64xbf16>
      %slice3A_115 = vector.extract_strided_slice %convert_element_type3A_22 {offsets = [512, 0], sizes = [512, 64], strides = [1, 1]} : vector<2048x64xbf16> to vector<512x64xbf16>
      %broadcast_in_dim3A_116 = arith.constant 1.000000e+00 : bf16
      %broadcast_in_dim3A_117 = vector.broadcast %broadcast_in_dim3A_116 : bf16 to vector<512x8xbf16>
      %concatenate3A_118 = tpu.concatenate %slice3A_115, %broadcast_in_dim3A_117 in 1 : vector<512x64xbf16>, vector<512x8xbf16> -> vector<512x72xbf16>
      %dot_general3A = arith.constant dense<0.000000e+00> : vector<1536x512xf32>
      %dot_general3A_119 = tpu.matmul %convert_element_type3A, %slice3A_114, %dot_general3A {dimension_numbers = #tpu.dot_dimension_numbers<[1], [1], [0], [0], [0, 0, 1, 0], [], []>, transpose_lhs_hint = false} : vector<1536x64xbf16>, vector<512x64xbf16>, vector<1536x512xf32> -> vector<1536x512xf32>
      %exp3A = math.exp %dot_general3A_119 : vector<1536x512xf32>
      %convert_element_type3A_120 = arith.truncf %exp3A : vector<1536x512xf32> to vector<1536x512xbf16>
      %iota3A = tpu.iota {dimensions = array<i32: 0>} : vector<32x1xi32>
      %iota3A_121 = tpu.iota {dimensions = array<i32: 1>} : vector<1x512xi32>
      %shift_right_arithmetic3A = arith.constant 6 : i32
      %shift_right_arithmetic3A_122 = vector.broadcast %shift_right_arithmetic3A : i32 to vector<1x512xi32>
      %shift_right_arithmetic3A_123 = arith.shrsi %iota3A_121, %shift_right_arithmetic3A_122 : vector<1x512xi32>
      %add3A_124 = arith.constant 8 : i32
      %add3A_125 = vector.broadcast %add3A_124 : i32 to vector<1x512xi32>
      %add3A_126 = arith.addi %shift_right_arithmetic3A_123, %add3A_125 : vector<1x512xi32>
      %eq3A = vector.broadcast %iota3A : vector<32x1xi32> to vector<32x512xi32>
      %eq3A_127 = vector.broadcast %add3A_126 : vector<1x512xi32> to vector<32x512xi32>
      %eq3A_128 = arith.cmpi eq, %eq3A, %eq3A_127 : vector<32x512xi32>
      %convert_element_type3A_129 = arith.extui %eq3A_128 : vector<32x512xi1> to vector<32x512xi32>
      %convert_element_type3A_130 = arith.sitofp %convert_element_type3A_129 : vector<32x512xi32> to vector<32x512xf32>
      %convert_element_type3A_131 = arith.truncf %convert_element_type3A_130 : vector<32x512xf32> to vector<32x512xbf16>
      %dot_general3A_132 = arith.constant dense<0.000000e+00> : vector<1536x512xf32>
      %dot_general3A_133 = tpu.matmul %convert_element_type3A_28, %convert_element_type3A_131, %dot_general3A_132 {dimension_numbers = #tpu.dot_dimension_numbers<[1], [0], [0], [1], [0, 0, 1, 1], [], []>, transpose_lhs_hint = false} : vector<1536x32xbf16>, vector<32x512xbf16>, vector<1536x512xf32> -> vector<1536x512xf32>
      %convert_element_type3A_134 = arith.truncf %dot_general3A_133 : vector<1536x512xf32> to vector<1536x512xbf16>
      %gt3A = arith.constant 1 : i32
      %gt3A_135 = arith.cmpi sgt, %arg1, %gt3A : i32
      %convert_element_type3A_136 = arith.extui %gt3A_135 : i1 to i32
      %cond3A_137 = arith.constant 0 : i32
      %cond3A_138 = arith.cmpi ne, %convert_element_type3A_136, %cond3A_137 : i32
      scf.if %cond3A_138 {
        %get3A_144 = arith.constant 0 : index
        %get3A_145 = arith.constant 0 : index
        %get3A_146 = vector.load %arg11[%get3A_144, %get3A_145] : memref<1536x72xf32, #tpu.memory_space<vmem>>, vector<1536x72xf32>
        %mul3A_147 = arith.mulf %convert_element_type3A_120, %convert_element_type3A_134 : vector<1536x512xbf16>
        %dot_general3A_148 = arith.constant dense<0.000000e+00> : vector<1536x72xf32>
        %dot_general3A_149 = tpu.matmul %mul3A_147, %concatenate3A_118, %dot_general3A_148 {dimension_numbers = #tpu.dot_dimension_numbers<[1], [0], [0], [1], [0, 0, 1, 1], [], []>, transpose_lhs_hint = false} : vector<1536x512xbf16>, vector<512x72xbf16>, vector<1536x72xf32> -> vector<1536x72xf32>
        %add3A_150 = arith.addf %get3A_146, %dot_general3A_149 : vector<1536x72xf32>
        %swap3A_151 = arith.constant 0 : index
        %swap3A_152 = arith.constant 0 : index
        %swap3A_153 = vector.load %arg11[%swap3A_151, %swap3A_152] : memref<1536x72xf32, #tpu.memory_space<vmem>>, vector<1536x72xf32>
        tpu.vector_store %arg11[%swap3A_151, %swap3A_152], %add3A_150 {strides = array<i32>} : memref<1536x72xf32, #tpu.memory_space<vmem>>, vector<1536x72xf32>,
        %eq3A_154 = arith.constant 2 : i32
        %eq3A_155 = arith.cmpi eq, %arg1, %eq3A_154 : i32
        %convert_element_type3A_156 = arith.extui %eq3A_155 : i1 to i32
        %cond3A_157 = arith.constant 0 : i32
        %cond3A_158 = arith.cmpi ne, %convert_element_type3A_156, %cond3A_157 : i32
        scf.if %cond3A_158 {
          %get3A_159 = arith.constant 0 : index
          %get3A_160 = arith.constant 0 : index
          %get3A_161 = vector.load %arg12[%get3A_159, %get3A_160] : memref<1536x72xf32, #tpu.memory_space<vmem>>, vector<1536x72xf32>
          %get3A_162 = arith.constant 0 : index
          %get3A_163 = arith.constant 0 : index
          %get3A_164 = vector.load %arg8[%get3A_162, %get3A_163] : memref<1536x512xbf16, #tpu.memory_space<vmem>>, vector<1536x512xbf16>
          %mul3A_165 = arith.mulf %convert_element_type3A_120, %get3A_164 : vector<1536x512xbf16>
          %dot_general3A_166 = arith.constant dense<0.000000e+00> : vector<1536x72xf32>
          %dot_general3A_167 = tpu.matmul %mul3A_165, %concatenate3A_118, %dot_general3A_166 {dimension_numbers = #tpu.dot_dimension_numbers<[1], [0], [0], [1], [0, 0, 1, 1], [], []>, transpose_lhs_hint = false} : vector<1536x512xbf16>, vector<512x72xbf16>, vector<1536x72xf32> -> vector<1536x72xf32>
          %add3A_168 = arith.addf %get3A_161, %dot_general3A_167 : vector<1536x72xf32>
          %swap3A_169 = arith.constant 0 : index
          %swap3A_170 = arith.constant 0 : index
          %swap3A_171 = vector.load %arg12[%swap3A_169, %swap3A_170] : memref<1536x72xf32, #tpu.memory_space<vmem>>, vector<1536x72xf32>
          tpu.vector_store %arg12[%swap3A_169, %swap3A_170], %add3A_168 {strides = array<i32>} : memref<1536x72xf32, #tpu.memory_space<vmem>>, vector<1536x72xf32>,
        } else {
        }
      } else {
      }
      %eq3A_139 = arith.constant 1 : i32
      %eq3A_140 = arith.cmpi eq, %arg1, %eq3A_139 : i32
      %convert_element_type3A_141 = arith.extui %eq3A_140 : i1 to i32
      %cond3A_142 = arith.constant 0 : i32
      %cond3A_143 = arith.cmpi ne, %convert_element_type3A_141, %cond3A_142 : i32
      scf.if %cond3A_143 {
        %get3A_144 = arith.constant 0 : index
        %get3A_145 = arith.constant 0 : index
        %get3A_146 = vector.load %arg7[%get3A_144, %get3A_145] : memref<1536x512xbf16, #tpu.memory_space<vmem>>, vector<1536x512xbf16>
        %mul3A_147 = arith.mulf %convert_element_type3A_120, %get3A_146 : vector<1536x512xbf16>
        %get3A_148 = arith.constant 0 : index
        %get3A_149 = arith.constant 0 : index
        %get3A_150 = vector.load %arg12[%get3A_148, %get3A_149] : memref<1536x72xf32, #tpu.memory_space<vmem>>, vector<1536x72xf32>
        %dot_general3A_151 = arith.constant dense<0.000000e+00> : vector<1536x72xf32>
        %dot_general3A_152 = tpu.matmul %mul3A_147, %concatenate3A_118, %dot_general3A_151 {dimension_numbers = #tpu.dot_dimension_numbers<[1], [0], [0], [1], [0, 0, 1, 1], [], []>, transpose_lhs_hint = false} : vector<1536x512xbf16>, vector<512x72xbf16>, vector<1536x72xf32> -> vector<1536x72xf32>
        %add3A_153 = arith.addf %get3A_150, %dot_general3A_152 : vector<1536x72xf32>
        %swap3A_154 = arith.constant 0 : index
        %swap3A_155 = arith.constant 0 : index
        %swap3A_156 = vector.load %arg12[%swap3A_154, %swap3A_155] : memref<1536x72xf32, #tpu.memory_space<vmem>>, vector<1536x72xf32>
        tpu.vector_store %arg12[%swap3A_154, %swap3A_155], %add3A_153 {strides = array<i32>} : memref<1536x72xf32, #tpu.memory_space<vmem>>, vector<1536x72xf32>,
        %get3A_157 = arith.constant 0 : index
        %get3A_158 = arith.constant 0 : index
        %get3A_159 = vector.load %arg11[%get3A_157, %get3A_158] : memref<1536x72xf32, #tpu.memory_space<vmem>>, vector<1536x72xf32>
        %mul3A_160 = arith.mulf %mul3A_147, %convert_element_type3A_134 : vector<1536x512xbf16>
        %dot_general3A_161 = arith.constant dense<0.000000e+00> : vector<1536x72xf32>
        %dot_general3A_162 = tpu.matmul %mul3A_160, %concatenate3A_118, %dot_general3A_161 {dimension_numbers = #tpu.dot_dimension_numbers<[1], [0], [0], [1], [0, 0, 1, 1], [], []>, transpose_lhs_hint = false} : vector<1536x512xbf16>, vector<512x72xbf16>, vector<1536x72xf32> -> vector<1536x72xf32>
        %add3A_163 = arith.addf %get3A_159, %dot_general3A_162 : vector<1536x72xf32>
        %swap3A_164 = arith.constant 0 : index
        %swap3A_165 = arith.constant 0 : index
        %swap3A_166 = vector.load %arg11[%swap3A_164, %swap3A_165] : memref<1536x72xf32, #tpu.memory_space<vmem>>, vector<1536x72xf32>
        tpu.vector_store %arg11[%swap3A_164, %swap3A_165], %add3A_163 {strides = array<i32>} : memref<1536x72xf32, #tpu.memory_space<vmem>>, vector<1536x72xf32>,
      } else {
      }
    } else {
    }
    %ge3A_37 = arith.constant 2 : i32
    %ge3A_38 = arith.cmpi sge, %arg1, %ge3A_37 : i32
    %convert_element_type3A_39 = arith.extui %ge3A_38 : i1 to i32
    %cond3A_40 = arith.constant 0 : i32
    %cond3A_41 = arith.cmpi ne, %convert_element_type3A_39, %cond3A_40 : i32
    scf.if %cond3A_41 {
      %slice3A_114 = vector.extract_strided_slice %convert_element_type3A_16 {offsets = [1024, 0], sizes = [512, 64], strides = [1, 1]} : vector<2048x64xbf16> to vector<512x64xbf16>
      %slice3A_115 = vector.extract_strided_slice %convert_element_type3A_22 {offsets = [1024, 0], sizes = [512, 64], strides = [1, 1]} : vector<2048x64xbf16> to vector<512x64xbf16>
      %broadcast_in_dim3A_116 = arith.constant 1.000000e+00 : bf16
      %broadcast_in_dim3A_117 = vector.broadcast %broadcast_in_dim3A_116 : bf16 to vector<512x8xbf16>
      %concatenate3A_118 = tpu.concatenate %slice3A_115, %broadcast_in_dim3A_117 in 1 : vector<512x64xbf16>, vector<512x8xbf16> -> vector<512x72xbf16>
      %dot_general3A = arith.constant dense<0.000000e+00> : vector<1536x512xf32>
      %dot_general3A_119 = tpu.matmul %convert_element_type3A, %slice3A_114, %dot_general3A {dimension_numbers = #tpu.dot_dimension_numbers<[1], [1], [0], [0], [0, 0, 1, 0], [], []>, transpose_lhs_hint = false} : vector<1536x64xbf16>, vector<512x64xbf16>, vector<1536x512xf32> -> vector<1536x512xf32>
      %exp3A = math.exp %dot_general3A_119 : vector<1536x512xf32>
      %convert_element_type3A_120 = arith.truncf %exp3A : vector<1536x512xf32> to vector<1536x512xbf16>
      %iota3A = tpu.iota {dimensions = array<i32: 0>} : vector<32x1xi32>
      %iota3A_121 = tpu.iota {dimensions = array<i32: 1>} : vector<1x512xi32>
      %shift_right_arithmetic3A = arith.constant 6 : i32
      %shift_right_arithmetic3A_122 = vector.broadcast %shift_right_arithmetic3A : i32 to vector<1x512xi32>
      %shift_right_arithmetic3A_123 = arith.shrsi %iota3A_121, %shift_right_arithmetic3A_122 : vector<1x512xi32>
      %add3A_124 = arith.constant 16 : i32
      %add3A_125 = vector.broadcast %add3A_124 : i32 to vector<1x512xi32>
      %add3A_126 = arith.addi %shift_right_arithmetic3A_123, %add3A_125 : vector<1x512xi32>
      %eq3A = vector.broadcast %iota3A : vector<32x1xi32> to vector<32x512xi32>
      %eq3A_127 = vector.broadcast %add3A_126 : vector<1x512xi32> to vector<32x512xi32>
      %eq3A_128 = arith.cmpi eq, %eq3A, %eq3A_127 : vector<32x512xi32>
      %convert_element_type3A_129 = arith.extui %eq3A_128 : vector<32x512xi1> to vector<32x512xi32>
      %convert_element_type3A_130 = arith.sitofp %convert_element_type3A_129 : vector<32x512xi32> to vector<32x512xf32>
      %convert_element_type3A_131 = arith.truncf %convert_element_type3A_130 : vector<32x512xf32> to vector<32x512xbf16>
      %dot_general3A_132 = arith.constant dense<0.000000e+00> : vector<1536x512xf32>
      %dot_general3A_133 = tpu.matmul %convert_element_type3A_28, %convert_element_type3A_131, %dot_general3A_132 {dimension_numbers = #tpu.dot_dimension_numbers<[1], [0], [0], [1], [0, 0, 1, 1], [], []>, transpose_lhs_hint = false} : vector<1536x32xbf16>, vector<32x512xbf16>, vector<1536x512xf32> -> vector<1536x512xf32>
      %convert_element_type3A_134 = arith.truncf %dot_general3A_133 : vector<1536x512xf32> to vector<1536x512xbf16>
      %gt3A = arith.constant 2 : i32
      %gt3A_135 = arith.cmpi sgt, %arg1, %gt3A : i32
      %convert_element_type3A_136 = arith.extui %gt3A_135 : i1 to i32
      %cond3A_137 = arith.constant 0 : i32
      %cond3A_138 = arith.cmpi ne, %convert_element_type3A_136, %cond3A_137 : i32
      scf.if %cond3A_138 {
        %get3A_144 = arith.constant 0 : index
        %get3A_145 = arith.constant 0 : index
        %get3A_146 = vector.load %arg11[%get3A_144, %get3A_145] : memref<1536x72xf32, #tpu.memory_space<vmem>>, vector<1536x72xf32>
        %mul3A_147 = arith.mulf %convert_element_type3A_120, %convert_element_type3A_134 : vector<1536x512xbf16>
        %dot_general3A_148 = arith.constant dense<0.000000e+00> : vector<1536x72xf32>
        %dot_general3A_149 = tpu.matmul %mul3A_147, %concatenate3A_118, %dot_general3A_148 {dimension_numbers = #tpu.dot_dimension_numbers<[1], [0], [0], [1], [0, 0, 1, 1], [], []>, transpose_lhs_hint = false} : vector<1536x512xbf16>, vector<512x72xbf16>, vector<1536x72xf32> -> vector<1536x72xf32>
        %add3A_150 = arith.addf %get3A_146, %dot_general3A_149 : vector<1536x72xf32>
        %swap3A_151 = arith.constant 0 : index
        %swap3A_152 = arith.constant 0 : index
        %swap3A_153 = vector.load %arg11[%swap3A_151, %swap3A_152] : memref<1536x72xf32, #tpu.memory_space<vmem>>, vector<1536x72xf32>
        tpu.vector_store %arg11[%swap3A_151, %swap3A_152], %add3A_150 {strides = array<i32>} : memref<1536x72xf32, #tpu.memory_space<vmem>>, vector<1536x72xf32>,
        %eq3A_154 = arith.constant 3 : i32
        %eq3A_155 = arith.cmpi eq, %arg1, %eq3A_154 : i32
        %convert_element_type3A_156 = arith.extui %eq3A_155 : i1 to i32
        %cond3A_157 = arith.constant 0 : i32
        %cond3A_158 = arith.cmpi ne, %convert_element_type3A_156, %cond3A_157 : i32
        scf.if %cond3A_158 {
          %get3A_159 = arith.constant 0 : index
          %get3A_160 = arith.constant 0 : index
          %get3A_161 = vector.load %arg12[%get3A_159, %get3A_160] : memref<1536x72xf32, #tpu.memory_space<vmem>>, vector<1536x72xf32>
          %get3A_162 = arith.constant 0 : index
          %get3A_163 = arith.constant 0 : index
          %get3A_164 = vector.load %arg8[%get3A_162, %get3A_163] : memref<1536x512xbf16, #tpu.memory_space<vmem>>, vector<1536x512xbf16>
          %mul3A_165 = arith.mulf %convert_element_type3A_120, %get3A_164 : vector<1536x512xbf16>
          %dot_general3A_166 = arith.constant dense<0.000000e+00> : vector<1536x72xf32>
          %dot_general3A_167 = tpu.matmul %mul3A_165, %concatenate3A_118, %dot_general3A_166 {dimension_numbers = #tpu.dot_dimension_numbers<[1], [0], [0], [1], [0, 0, 1, 1], [], []>, transpose_lhs_hint = false} : vector<1536x512xbf16>, vector<512x72xbf16>, vector<1536x72xf32> -> vector<1536x72xf32>
          %add3A_168 = arith.addf %get3A_161, %dot_general3A_167 : vector<1536x72xf32>
          %swap3A_169 = arith.constant 0 : index
          %swap3A_170 = arith.constant 0 : index
          %swap3A_171 = vector.load %arg12[%swap3A_169, %swap3A_170] : memref<1536x72xf32, #tpu.memory_space<vmem>>, vector<1536x72xf32>
          tpu.vector_store %arg12[%swap3A_169, %swap3A_170], %add3A_168 {strides = array<i32>} : memref<1536x72xf32, #tpu.memory_space<vmem>>, vector<1536x72xf32>,
        } else {
        }
      } else {
      }
      %eq3A_139 = arith.constant 2 : i32
      %eq3A_140 = arith.cmpi eq, %arg1, %eq3A_139 : i32
      %convert_element_type3A_141 = arith.extui %eq3A_140 : i1 to i32
      %cond3A_142 = arith.constant 0 : i32
      %cond3A_143 = arith.cmpi ne, %convert_element_type3A_141, %cond3A_142 : i32
      scf.if %cond3A_143 {
        %get3A_144 = arith.constant 0 : index
        %get3A_145 = arith.constant 0 : index
        %get3A_146 = vector.load %arg7[%get3A_144, %get3A_145] : memref<1536x512xbf16, #tpu.memory_space<vmem>>, vector<1536x512xbf16>
        %mul3A_147 = arith.mulf %convert_element_type3A_120, %get3A_146 : vector<1536x512xbf16>
        %get3A_148 = arith.constant 0 : index
        %get3A_149 = arith.constant 0 : index
        %get3A_150 = vector.load %arg12[%get3A_148, %get3A_149] : memref<1536x72xf32, #tpu.memory_space<vmem>>, vector<1536x72xf32>
        %dot_general3A_151 = arith.constant dense<0.000000e+00> : vector<1536x72xf32>
        %dot_general3A_152 = tpu.matmul %mul3A_147, %concatenate3A_118, %dot_general3A_151 {dimension_numbers = #tpu.dot_dimension_numbers<[1], [0], [0], [1], [0, 0, 1, 1], [], []>, transpose_lhs_hint = false} : vector<1536x512xbf16>, vector<512x72xbf16>, vector<1536x72xf32> -> vector<1536x72xf32>
        %add3A_153 = arith.addf %get3A_150, %dot_general3A_152 : vector<1536x72xf32>
        %swap3A_154 = arith.constant 0 : index
        %swap3A_155 = arith.constant 0 : index
        %swap3A_156 = vector.load %arg12[%swap3A_154, %swap3A_155] : memref<1536x72xf32, #tpu.memory_space<vmem>>, vector<1536x72xf32>
        tpu.vector_store %arg12[%swap3A_154, %swap3A_155], %add3A_153 {strides = array<i32>} : memref<1536x72xf32, #tpu.memory_space<vmem>>, vector<1536x72xf32>,
        %get3A_157 = arith.constant 0 : index
        %get3A_158 = arith.constant 0 : index
        %get3A_159 = vector.load %arg11[%get3A_157, %get3A_158] : memref<1536x72xf32, #tpu.memory_space<vmem>>, vector<1536x72xf32>
        %mul3A_160 = arith.mulf %mul3A_147, %convert_element_type3A_134 : vector<1536x512xbf16>
        %dot_general3A_161 = arith.constant dense<0.000000e+00> : vector<1536x72xf32>
        %dot_general3A_162 = tpu.matmul %mul3A_160, %concatenate3A_118, %dot_general3A_161 {dimension_numbers = #tpu.dot_dimension_numbers<[1], [0], [0], [1], [0, 0, 1, 1], [], []>, transpose_lhs_hint = false} : vector<1536x512xbf16>, vector<512x72xbf16>, vector<1536x72xf32> -> vector<1536x72xf32>
        %add3A_163 = arith.addf %get3A_159, %dot_general3A_162 : vector<1536x72xf32>
        %swap3A_164 = arith.constant 0 : index
        %swap3A_165 = arith.constant 0 : index
        %swap3A_166 = vector.load %arg11[%swap3A_164, %swap3A_165] : memref<1536x72xf32, #tpu.memory_space<vmem>>, vector<1536x72xf32>
        tpu.vector_store %arg11[%swap3A_164, %swap3A_165], %add3A_163 {strides = array<i32>} : memref<1536x72xf32, #tpu.memory_space<vmem>>, vector<1536x72xf32>,
      } else {
      }
    } else {
    }
    %ge3A_42 = arith.constant 3 : i32
    %ge3A_43 = arith.cmpi sge, %arg1, %ge3A_42 : i32
    %convert_element_type3A_44 = arith.extui %ge3A_43 : i1 to i32
    %cond3A_45 = arith.constant 0 : i32
    %cond3A_46 = arith.cmpi ne, %convert_element_type3A_44, %cond3A_45 : i32
    scf.if %cond3A_46 {
      %slice3A_114 = vector.extract_strided_slice %convert_element_type3A_16 {offsets = [1536, 0], sizes = [512, 64], strides = [1, 1]} : vector<2048x64xbf16> to vector<512x64xbf16>
      %slice3A_115 = vector.extract_strided_slice %convert_element_type3A_22 {offsets = [1536, 0], sizes = [512, 64], strides = [1, 1]} : vector<2048x64xbf16> to vector<512x64xbf16>
      %broadcast_in_dim3A_116 = arith.constant 1.000000e+00 : bf16
      %broadcast_in_dim3A_117 = vector.broadcast %broadcast_in_dim3A_116 : bf16 to vector<512x8xbf16>
      %concatenate3A_118 = tpu.concatenate %slice3A_115, %broadcast_in_dim3A_117 in 1 : vector<512x64xbf16>, vector<512x8xbf16> -> vector<512x72xbf16>
      %dot_general3A = arith.constant dense<0.000000e+00> : vector<1536x512xf32>
      %dot_general3A_119 = tpu.matmul %convert_element_type3A, %slice3A_114, %dot_general3A {dimension_numbers = #tpu.dot_dimension_numbers<[1], [1], [0], [0], [0, 0, 1, 0], [], []>, transpose_lhs_hint = false} : vector<1536x64xbf16>, vector<512x64xbf16>, vector<1536x512xf32> -> vector<1536x512xf32>
      %exp3A = math.exp %dot_general3A_119 : vector<1536x512xf32>
      %convert_element_type3A_120 = arith.truncf %exp3A : vector<1536x512xf32> to vector<1536x512xbf16>
      %iota3A = tpu.iota {dimensions = array<i32: 0>} : vector<32x1xi32>
      %iota3A_121 = tpu.iota {dimensions = array<i32: 1>} : vector<1x512xi32>
      %shift_right_arithmetic3A = arith.constant 6 : i32
      %shift_right_arithmetic3A_122 = vector.broadcast %shift_right_arithmetic3A : i32 to vector<1x512xi32>
      %shift_right_arithmetic3A_123 = arith.shrsi %iota3A_121, %shift_right_arithmetic3A_122 : vector<1x512xi32>
      %add3A_124 = arith.constant 24 : i32
      %add3A_125 = vector.broadcast %add3A_124 : i32 to vector<1x512xi32>
      %add3A_126 = arith.addi %shift_right_arithmetic3A_123, %add3A_125 : vector<1x512xi32>
      %eq3A = vector.broadcast %iota3A : vector<32x1xi32> to vector<32x512xi32>
      %eq3A_127 = vector.broadcast %add3A_126 : vector<1x512xi32> to vector<32x512xi32>
      %eq3A_128 = arith.cmpi eq, %eq3A, %eq3A_127 : vector<32x512xi32>
      %convert_element_type3A_129 = arith.extui %eq3A_128 : vector<32x512xi1> to vector<32x512xi32>
      %convert_element_type3A_130 = arith.sitofp %convert_element_type3A_129 : vector<32x512xi32> to vector<32x512xf32>
      %convert_element_type3A_131 = arith.truncf %convert_element_type3A_130 : vector<32x512xf32> to vector<32x512xbf16>
      %dot_general3A_132 = arith.constant dense<0.000000e+00> : vector<1536x512xf32>
      %dot_general3A_133 = tpu.matmul %convert_element_type3A_28, %convert_element_type3A_131, %dot_general3A_132 {dimension_numbers = #tpu.dot_dimension_numbers<[1], [0], [0], [1], [0, 0, 1, 1], [], []>, transpose_lhs_hint = false} : vector<1536x32xbf16>, vector<32x512xbf16>, vector<1536x512xf32> -> vector<1536x512xf32>
      %convert_element_type3A_134 = arith.truncf %dot_general3A_133 : vector<1536x512xf32> to vector<1536x512xbf16>
      %gt3A = arith.constant 3 : i32
      %gt3A_135 = arith.cmpi sgt, %arg1, %gt3A : i32
      %convert_element_type3A_136 = arith.extui %gt3A_135 : i1 to i32
      %cond3A_137 = arith.constant 0 : i32
      %cond3A_138 = arith.cmpi ne, %convert_element_type3A_136, %cond3A_137 : i32
      scf.if %cond3A_138 {
        %get3A_144 = arith.constant 0 : index
        %get3A_145 = arith.constant 0 : index
        %get3A_146 = vector.load %arg11[%get3A_144, %get3A_145] : memref<1536x72xf32, #tpu.memory_space<vmem>>, vector<1536x72xf32>
        %mul3A_147 = arith.mulf %convert_element_type3A_120, %convert_element_type3A_134 : vector<1536x512xbf16>
        %dot_general3A_148 = arith.constant dense<0.000000e+00> : vector<1536x72xf32>
        %dot_general3A_149 = tpu.matmul %mul3A_147, %concatenate3A_118, %dot_general3A_148 {dimension_numbers = #tpu.dot_dimension_numbers<[1], [0], [0], [1], [0, 0, 1, 1], [], []>, transpose_lhs_hint = false} : vector<1536x512xbf16>, vector<512x72xbf16>, vector<1536x72xf32> -> vector<1536x72xf32>
        %add3A_150 = arith.addf %get3A_146, %dot_general3A_149 : vector<1536x72xf32>
        %swap3A_151 = arith.constant 0 : index
        %swap3A_152 = arith.constant 0 : index
        %swap3A_153 = vector.load %arg11[%swap3A_151, %swap3A_152] : memref<1536x72xf32, #tpu.memory_space<vmem>>, vector<1536x72xf32>
        tpu.vector_store %arg11[%swap3A_151, %swap3A_152], %add3A_150 {strides = array<i32>} : memref<1536x72xf32, #tpu.memory_space<vmem>>, vector<1536x72xf32>,
        %eq3A_154 = arith.constant 4 : i32
        %eq3A_155 = arith.cmpi eq, %arg1, %eq3A_154 : i32
        %convert_element_type3A_156 = arith.extui %eq3A_155 : i1 to i32
        %cond3A_157 = arith.constant 0 : i32
        %cond3A_158 = arith.cmpi ne, %convert_element_type3A_156, %cond3A_157 : i32
        scf.if %cond3A_158 {
          %get3A_159 = arith.constant 0 : index
          %get3A_160 = arith.constant 0 : index
          %get3A_161 = vector.load %arg12[%get3A_159, %get3A_160] : memref<1536x72xf32, #tpu.memory_space<vmem>>, vector<1536x72xf32>
          %get3A_162 = arith.constant 0 : index
          %get3A_163 = arith.constant 0 : index
          %get3A_164 = vector.load %arg8[%get3A_162, %get3A_163] : memref<1536x512xbf16, #tpu.memory_space<vmem>>, vector<1536x512xbf16>
          %mul3A_165 = arith.mulf %convert_element_type3A_120, %get3A_164 : vector<1536x512xbf16>
          %dot_general3A_166 = arith.constant dense<0.000000e+00> : vector<1536x72xf32>
          %dot_general3A_167 = tpu.matmul %mul3A_165, %concatenate3A_118, %dot_general3A_166 {dimension_numbers = #tpu.dot_dimension_numbers<[1], [0], [0], [1], [0, 0, 1, 1], [], []>, transpose_lhs_hint = false} : vector<1536x512xbf16>, vector<512x72xbf16>, vector<1536x72xf32> -> vector<1536x72xf32>
          %add3A_168 = arith.addf %get3A_161, %dot_general3A_167 : vector<1536x72xf32>
          %swap3A_169 = arith.constant 0 : index
          %swap3A_170 = arith.constant 0 : index
          %swap3A_171 = vector.load %arg12[%swap3A_169, %swap3A_170] : memref<1536x72xf32, #tpu.memory_space<vmem>>, vector<1536x72xf32>
          tpu.vector_store %arg12[%swap3A_169, %swap3A_170], %add3A_168 {strides = array<i32>} : memref<1536x72xf32, #tpu.memory_space<vmem>>, vector<1536x72xf32>,
        } else {
        }
      } else {
      }
      %eq3A_139 = arith.constant 3 : i32
      %eq3A_140 = arith.cmpi eq, %arg1, %eq3A_139 : i32
      %convert_element_type3A_141 = arith.extui %eq3A_140 : i1 to i32
      %cond3A_142 = arith.constant 0 : i32
      %cond3A_143 = arith.cmpi ne, %convert_element_type3A_141, %cond3A_142 : i32
      scf.if %cond3A_143 {
        %get3A_144 = arith.constant 0 : index
        %get3A_145 = arith.constant 0 : index
        %get3A_146 = vector.load %arg7[%get3A_144, %get3A_145] : memref<1536x512xbf16, #tpu.memory_space<vmem>>, vector<1536x512xbf16>
        %mul3A_147 = arith.mulf %convert_element_type3A_120, %get3A_146 : vector<1536x512xbf16>
        %get3A_148 = arith.constant 0 : index
        %get3A_149 = arith.constant 0 : index
        %get3A_150 = vector.load %arg12[%get3A_148, %get3A_149] : memref<1536x72xf32, #tpu.memory_space<vmem>>, vector<1536x72xf32>
        %dot_general3A_151 = arith.constant dense<0.000000e+00> : vector<1536x72xf32>
        %dot_general3A_152 = tpu.matmul %mul3A_147, %concatenate3A_118, %dot_general3A_151 {dimension_numbers = #tpu.dot_dimension_numbers<[1], [0], [0], [1], [0, 0, 1, 1], [], []>, transpose_lhs_hint = false} : vector<1536x512xbf16>, vector<512x72xbf16>, vector<1536x72xf32> -> vector<1536x72xf32>
        %add3A_153 = arith.addf %get3A_150, %dot_general3A_152 : vector<1536x72xf32>
        %swap3A_154 = arith.constant 0 : index
        %swap3A_155 = arith.constant 0 : index
        %swap3A_156 = vector.load %arg12[%swap3A_154, %swap3A_155] : memref<1536x72xf32, #tpu.memory_space<vmem>>, vector<1536x72xf32>
        tpu.vector_store %arg12[%swap3A_154, %swap3A_155], %add3A_153 {strides = array<i32>} : memref<1536x72xf32, #tpu.memory_space<vmem>>, vector<1536x72xf32>,
        %get3A_157 = arith.constant 0 : index
        %get3A_158 = arith.constant 0 : index
        %get3A_159 = vector.load %arg11[%get3A_157, %get3A_158] : memref<1536x72xf32, #tpu.memory_space<vmem>>, vector<1536x72xf32>
        %mul3A_160 = arith.mulf %mul3A_147, %convert_element_type3A_134 : vector<1536x512xbf16>
        %dot_general3A_161 = arith.constant dense<0.000000e+00> : vector<1536x72xf32>
        %dot_general3A_162 = tpu.matmul %mul3A_160, %concatenate3A_118, %dot_general3A_161 {dimension_numbers = #tpu.dot_dimension_numbers<[1], [0], [0], [1], [0, 0, 1, 1], [], []>, transpose_lhs_hint = false} : vector<1536x512xbf16>, vector<512x72xbf16>, vector<1536x72xf32> -> vector<1536x72xf32>
        %add3A_163 = arith.addf %get3A_159, %dot_general3A_162 : vector<1536x72xf32>
        %swap3A_164 = arith.constant 0 : index
        %swap3A_165 = arith.constant 0 : index
        %swap3A_166 = vector.load %arg11[%swap3A_164, %swap3A_165] : memref<1536x72xf32, #tpu.memory_space<vmem>>, vector<1536x72xf32>
        tpu.vector_store %arg11[%swap3A_164, %swap3A_165], %add3A_163 {strides = array<i32>} : memref<1536x72xf32, #tpu.memory_space<vmem>>, vector<1536x72xf32>,
      } else {
      }
    } else {
    }
    %get3A_47 = arith.constant 0 : index
    %get3A_48 = arith.constant 0 : index
    %get3A_49 = vector.load %arg11[%get3A_47, %get3A_48] : memref<1536x72xf32, #tpu.memory_space<vmem>>, vector<1536x64xf32>
    %get3A_50 = arith.constant 0 : index
    %get3A_51 = arith.constant 64 : index
    %get3A_52 = vector.load %arg11[%get3A_50, %get3A_51] : memref<1536x72xf32, #tpu.memory_space<vmem>>, vector<1536x1xf32>
    %max3A = arith.constant 9.99999968E-21 : f32
    %max3A_53 = vector.broadcast %max3A : f32 to vector<1536x1xf32>
    %max3A_54 = arith.maximumf %get3A_52, %max3A_53 : vector<1536x1xf32>
    %div3A = vector.broadcast %max3A_54 : vector<1536x1xf32> to vector<1536x64xf32>
    %div3A_55 = arith.divf %get3A_49, %div3A : vector<1536x64xf32>
    %get3A_56 = arith.constant 0 : index
    %get3A_57 = arith.constant 0 : index
    %get3A_58 = vector.load %arg12[%get3A_56, %get3A_57] : memref<1536x72xf32, #tpu.memory_space<vmem>>, vector<1536x64xf32>
    %get3A_59 = arith.constant 0 : index
    %get3A_60 = arith.constant 64 : index
    %get3A_61 = vector.load %arg12[%get3A_59, %get3A_60] : memref<1536x72xf32, #tpu.memory_space<vmem>>, vector<1536x1xf32>
    %max3A_62 = arith.constant 9.99999968E-21 : f32
    %max3A_63 = vector.broadcast %max3A_62 : f32 to vector<1536x1xf32>
    %max3A_64 = arith.maximumf %get3A_61, %max3A_63 : vector<1536x1xf32>
    %div3A_65 = vector.broadcast %max3A_64 : vector<1536x1xf32> to vector<1536x64xf32>
    %div3A_66 = arith.divf %get3A_58, %div3A_65 : vector<1536x64xf32>
    %convert_element_type3A_67 = arith.extf %convert_element_type3A : vector<1536x64xbf16> to vector<1536x64xf32>
    %get3A_68 = arith.constant 0 : index
    %get3A_69 = arith.constant 0 : index
    %get3A_70 = vector.load %arg9[%get3A_68, %get3A_69] : memref<3x64xf32, #tpu.memory_space<vmem>>, vector<3x64xf32>
    %convert_element_type3A_71 = arith.truncf %get3A_70 : vector<3x64xf32> to vector<3x64xbf16>
    %convert_element_type3A_72 = arith.extf %convert_element_type3A_71 : vector<3x64xbf16> to vector<3x64xf32>
    %slice3A = vector.extract_strided_slice %convert_element_type3A_72 {offsets = [0, 0], sizes = [1, 64], strides = [1, 1]} : vector<3x64xf32> to vector<1x64xf32>
    %mul3A = vector.broadcast %slice3A : vector<1x64xf32> to vector<1536x64xf32>
    %mul3A_73 = arith.mulf %convert_element_type3A_67, %mul3A : vector<1536x64xf32>
    %reduce_sum3A = arith.constant dense<0.000000e+00> : vector<1536xf32>
    %reduce_sum3A_74 = vector.multi_reduction <add>, %mul3A_73, %reduce_sum3A [1] : vector<1536x64xf32> to vector<1536xf32>
    %broadcast_in_dim3A_75 = vector.shape_cast %reduce_sum3A_74 : vector<1536xf32> to vector<1536x1xf32>
    %mul3A_76 = arith.constant 8.000000e+00 : f32
    %mul3A_77 = vector.broadcast %mul3A_76 : f32 to vector<1536x1xf32>
    %mul3A_78 = arith.mulf %broadcast_in_dim3A_75, %mul3A_77 : vector<1536x1xf32>
    %slice3A_79 = vector.extract_strided_slice %convert_element_type3A_72 {offsets = [1, 0], sizes = [1, 64], strides = [1, 1]} : vector<3x64xf32> to vector<1x64xf32>
    %mul3A_80 = vector.broadcast %slice3A_79 : vector<1x64xf32> to vector<1536x64xf32>
    %mul3A_81 = arith.mulf %convert_element_type3A_67, %mul3A_80 : vector<1536x64xf32>
    %reduce_sum3A_82 = arith.constant dense<0.000000e+00> : vector<1536xf32>
    %reduce_sum3A_83 = vector.multi_reduction <add>, %mul3A_81, %reduce_sum3A_82 [1] : vector<1536x64xf32> to vector<1536xf32>
    %broadcast_in_dim3A_84 = vector.shape_cast %reduce_sum3A_83 : vector<1536xf32> to vector<1536x1xf32>
    %mul3A_85 = arith.constant 8.000000e+00 : f32
    %mul3A_86 = vector.broadcast %mul3A_85 : f32 to vector<1536x1xf32>
    %mul3A_87 = arith.mulf %broadcast_in_dim3A_84, %mul3A_86 : vector<1536x1xf32>
    %slice3A_88 = vector.extract_strided_slice %convert_element_type3A_72 {offsets = [2, 0], sizes = [1, 64], strides = [1, 1]} : vector<3x64xf32> to vector<1x64xf32>
    %mul3A_89 = vector.broadcast %slice3A_88 : vector<1x64xf32> to vector<1536x64xf32>
    %mul3A_90 = arith.mulf %convert_element_type3A_67, %mul3A_89 : vector<1536x64xf32>
    %reduce_sum3A_91 = arith.constant dense<0.000000e+00> : vector<1536xf32>
    %reduce_sum3A_92 = vector.multi_reduction <add>, %mul3A_90, %reduce_sum3A_91 [1] : vector<1536x64xf32> to vector<1536xf32>
    %broadcast_in_dim3A_93 = vector.shape_cast %reduce_sum3A_92 : vector<1536xf32> to vector<1536x1xf32>
    %mul3A_94 = arith.constant 8.000000e+00 : f32
    %mul3A_95 = vector.broadcast %mul3A_94 : f32 to vector<1536x1xf32>
    %mul3A_96 = arith.mulf %broadcast_in_dim3A_93, %mul3A_95 : vector<1536x1xf32>
    %mul3A_97 = vector.broadcast %mul3A_78 : vector<1536x1xf32> to vector<1536x64xf32>
    %mul3A_98 = arith.mulf %mul3A_97, %div3A_55 : vector<1536x64xf32>
    %mul3A_99 = vector.broadcast %mul3A_87 : vector<1536x1xf32> to vector<1536x64xf32>
    %mul3A_100 = arith.mulf %mul3A_99, %div3A_66 : vector<1536x64xf32>
    %add3A = arith.addf %mul3A_98, %mul3A_100 : vector<1536x64xf32>
    %get3A_101 = arith.constant 0 : index
    %get3A_102 = arith.constant 0 : index
    %get3A_103 = arith.constant 0 : index
    %get3A_104 = vector.load %arg5[%get3A_101, %get3A_102, %get3A_103] : memref<3x512x64xf32, #tpu.memory_space<vmem>>, vector<3x512x64xf32>
    %reshape3A_105 = vector.shape_cast %get3A_104 : vector<3x512x64xf32> to vector<1536x64xf32>
    %mul3A_106 = vector.broadcast %mul3A_96 : vector<1536x1xf32> to vector<1536x64xf32>
    %mul3A_107 = arith.mulf %mul3A_106, %reshape3A_105 : vector<1536x64xf32>
    %add3A_108 = arith.addf %add3A, %mul3A_107 : vector<1536x64xf32>
    %reshape3A_109 = vector.shape_cast %add3A_108 : vector<1536x64xf32> to vector<3x512x64xf32>
    %swap3A_110 = arith.constant 0 : index
    %swap3A_111 = arith.constant 0 : index
    %swap3A_112 = arith.constant 0 : index
    %swap3A_113 = vector.load %arg10[%swap3A_110, %swap3A_111, %swap3A_112] : memref<3x512x64xf32, #tpu.memory_space<vmem>>, vector<3x512x64xf32>
    tpu.vector_store %arg10[%swap3A_110, %swap3A_111, %swap3A_112], %reshape3A_109 {strides = array<i32>} : memref<3x512x64xf32, #tpu.memory_space<vmem>>, vector<3x512x64xf32>,
    return
  }
  func.func @transform_0(%arg0: i32, %arg1: i32) -> (i32, i32, i32) {
    %c0_i32 = arith.constant 0 : i32
    %c0_i32_0 = arith.constant 0 : i32
    return %arg0, %arg1, %c0_i32 : i32, i32, i32
  }
  func.func @transform_1(%arg0: i32, %arg1: i32) -> (i32, i32, i32) {
    %c0_i32 = arith.constant 0 : i32
    %c0_i32_0 = arith.constant 0 : i32
    %c0_i32_1 = arith.constant 0 : i32
    return %arg0, %c0_i32, %c0_i32_0 : i32, i32, i32
  }
  func.func @transform_2(%arg0: i32, %arg1: i32) -> (i32, i32, i32) {
    %c0_i32 = arith.constant 0 : i32
    %c0_i32_0 = arith.constant 0 : i32
    %c0_i32_1 = arith.constant 0 : i32
    return %arg0, %c0_i32, %c0_i32_0 : i32, i32, i32
  }
  func.func @transform_3(%arg0: i32, %arg1: i32) -> (i32, i32, i32) {
    %c0_i32 = arith.constant 0 : i32
    %c0_i32_0 = arith.constant 0 : i32
    return %arg0, %arg1, %c0_i32 : i32, i32, i32
  }
  func.func @transform_4(%arg0: i32, %arg1: i32) -> (i32, i32, i32) {
    %c0_i32 = arith.constant 0 : i32
    %c0_i32_0 = arith.constant 0 : i32
    return %arg0, %c0_i32, %arg1 : i32, i32, i32
  }
  func.func @transform_5(%arg0: i32, %arg1: i32) -> (i32, i32) {
    %c0_i32 = arith.constant 0 : i32
    %c0_i32_0 = arith.constant 0 : i32
    %c0_i32_1 = arith.constant 0 : i32
    return %c0_i32, %c0_i32_0 : i32, i32
  }
  func.func @transform_6(%arg0: i32, %arg1: i32) -> (i32, i32) {
    %c0_i32 = arith.constant 0 : i32
    %c0_i32_0 = arith.constant 0 : i32
    %c0_i32_1 = arith.constant 0 : i32
    return %c0_i32, %c0_i32_0 : i32, i32
  }
  func.func @transform_7(%arg0: i32, %arg1: i32) -> (i32, i32) {
    %c0_i32 = arith.constant 0 : i32
    %c0_i32_0 = arith.constant 0 : i32
    %c0_i32_1 = arith.constant 0 : i32
    return %c0_i32, %c0_i32_0 : i32, i32
  }
  func.func @transform_8(%arg0: i32, %arg1: i32) -> (i32, i32, i32) {
    %c0_i32 = arith.constant 0 : i32
    %c0_i32_0 = arith.constant 0 : i32
    return %arg0, %arg1, %c0_i32 : i32, i32, i32
  }
}

</mosaic_0001>

<sc_bundles>
// kernel: kernel.5.cloned.1.call-start
scs
__scs_entry_jumppad:
0x0: {  	(pc) =	sbr.rel $0x88, $3  }
0x1: {  	(tag) =	ssettag $0x0;
	lr =	simm.s32 $0x1  }
0x2: {  	[smem:$0x3F9B] =	sst lr;
	_ =	strace $0xD0000000  }
0x3: {  	_ = 	snop  }
0x4: {  	_ = 	snop  }
0x5: {  	_ = 	snop  }
0x6: {  	_ = 	snop  }
0x7: {  	_ = 	snop  }
__scs_overlays_trampoline_lowered:
0x8: {  	[smem:$0x3FAA] =	sst s0  }
0x9: {  	[smem:$0x3FAB] =	sst s1  }
0xa: {  	[smem:$0x3FAC] =	sst s2  }
0xb: {  	[smem:$0x3FAD] =	sst s3  }
0xc: {  	[smem:$0x3FAE] =	sst s4  }
0xd: {  	[smem:$0x3FAF] =	sst s5  }
0xe: {  	[smem:$0x3FB0] =	sst s6  }
0xf: {  	[smem:$0x3FB1] =	sst s7  }
0x10: {  	[smem:$0x3FB2] =	sst s8  }
0x11: {  	[smem:$0x3FB3] =	sst s9;
	s0 =	simm.s32 @!p0 $0x0  }
0x12: {  	s1 =	sld [smem:$0x3F99];
	s0 =	simm.s32 @p0 $0x1  }
0x13: {  	[smem:$0x3FB4] =	sst s0;
	s0 =	simm.s32 @!p1 $0x0  }
0x14: {  	s2 =	sld [smem:$0x3F98];
	s0 =	simm.s32 @p1 $0x1  }
0x15: {  	[smem:$0x3FB5] =	sst s0;
	s0 =	simm.s32 @!p2 $0x0  }
0x16: {  	s3 =	sld [smem:$0x3FDB];
	s0 =	simm.s32 @p2 $0x1  }
0x17: {  	s4 =	simm.s32 $0x1BF5;
	[smem:$0x3FB7] =	sst s0  }
0x18: {  	s0 =	sld [smem:$0x3F9A];
	_ =	swait.ge [sflag:s4], $0x0  }
0x19: {  	s7 =	sld [smem:$0x3F9B]  }
0x1a: {  	s8 =	sadd.s32 $0xFFFFE003, lr  }
0x1b: {  	s9 =	sadd.s32 $0xFFFFFEF7, lr;
	s5 =	simm.s32 $0xFFFFFFFF;
	p2 =	slt.u32 s8, $0xFFFFF086  }
0x1c: {  	p1 =	slt.u32 s9, $0xF7A;
	s5 =	simm.s32 @!p2 $0x0  }
0x1d: {  	s5 =	simm.s32 @p1 $0x1;
	p0 =	seq.s32 s7, s2  }
0x1e: {  	s7 =	smul.u32 @!p0 $0xF7A, s2;
	p2 =	seq.s32 @!p0 s5, $0x0  }
0x1f: {  	s9 =	smul.u32 $0xF7A, s1;
	s8 =	simm.s32 @!p0 $0x1BF5;
	p2 =	por !p2, p0  }
0x20: {  	[sflag:s8] =	ssyncset.s32 @!p0 $0xFFFFF086;
	s6 =	sadd.s32 @!p0 s3, s7;
	s7 =	simm.s32 @!p0 $0x108  }
0x21: {  	s3 =	sadd.s32 s3, s9;
	s6 =	sadd.s32 @!p0 $0x88, s6;
	s7 =	simm.s32 @p2 $0x1082  }
0x22: {  	[simem:s7], [sflag:s8] =	dma.local @!p0 [hbm:s6], $0xF7A  }
0x23: {  	s9 =	sor.u32 $0xD0000000, s2;
	s6 =	simm.s32 $0x108;
	_ =	swait.ge @!p0 [sflag:s8], $0x0  }
0x24: {  	s3 =	sadd.s32 $0x88, s3;
	s6 =	simm.s32 @!p1 $0x1082;
	[sflag:s4] =	ssyncset.s32 $0xFFFFF086  }
0x25: {  	[simem:s6], [sflag:s4] =	dma.local [hbm:s3], $0xF7A  }
0x26: {  	[smem:$0x3F9B] =	sst s1;
	(tag) =	ssettag s2;
	_ =	strace s9  }
0x27: {  	s1 =	sld [smem:$0x3FAB]  }
0x28: {  	s2 =	sld [smem:$0x3FAC]  }
0x29: {  	s4 =	sld [smem:$0x3FAE]  }
0x2a: {  	p0 =	seq.s32 s5, $0x0;
	s5 =	sld [smem:$0x3FAF]  }
0x2b: {  	s6 =	sld [smem:$0x3FB0]  }
0x2c: {  	s7 =	sld [smem:$0x3FB1]  }
0x2d: {  	s3 =	simm.s32 $0x108;
	s8 =	sld [smem:$0x3FB2]  }
0x2e: {  	s3 =	simm.s32 @!p0 $0x1082;
	s9 =	sld [smem:$0x3FB3]  }
0x2f: {  	lr =	sadd.s32 s0, s3;
	s0 =	sld [smem:$0x3FAA]  }
0x30: {  	s3 =	sld [smem:$0x3FAD]  }
0x31: {  	[smem:$0x3FB6] =	sst s10  }
0x32: {  	s10 =	sld [smem:$0x3FB4];
	_ =	sdelay $0x3  }
0x33: {  	p0 =	seq.s32 s10, $0x1;
	s10 =	sld [smem:$0x3FB6];
	_ =	sdelay $0x3  }
0x34: {  	[smem:$0x3FB6] =	sst s10  }
0x35: {  	s10 =	sld [smem:$0x3FB5];
	_ =	sdelay $0x3  }
0x36: {  	p1 =	seq.s32 s10, $0x1;
	s10 =	sld [smem:$0x3FB6];
	_ =	sdelay $0x3  }
0x37: {  	[smem:$0x3FB6] =	sst s10  }
0x38: {  	s10 =	sld [smem:$0x3FB7]  }
0x39: {  	_ = 	snop;
	(pc) =	sbr.ind lr, $3  }
0x3a: {  	_ = 	snop  }
0x3b: {  	_ = 	snop  }
0x3c: {  	p2 =	seq.s32 s10, $0x1;
	s10 =	sld [smem:$0x3FB6]  }
0x3d: {  	_ =	shalt  }
0x3e: {  	_ =	shalt  }
0x3f: {  	_ =	shalt  }
0x40: {  	_ =	shalt  }
0x41: {  	_ =	shalt  }
0x42: {  	_ =	shalt  }
0x43: {  	_ =	shalt  }
0x44: {  	_ =	shalt  }
0x45: {  	_ =	shalt  }
0x46: {  	_ =	shalt  }
0x47: {  	_ =	shalt  }
0x48: {  	_ =	shalt  }
0x49: {  	_ =	shalt  }
0x4a: {  	_ =	shalt  }
0x4b: {  	_ =	shalt  }
0x4c: {  	_ =	shalt  }
0x4d: {  	_ =	shalt  }
0x4e: {  	_ =	shalt  }
0x4f: {  	_ =	shalt  }
0x50: {  	_ =	shalt  }
0x51: {  	_ =	shalt  }
0x52: {  	_ =	shalt  }
0x53: {  	_ =	shalt  }
0x54: {  	_ =	shalt  }
0x55: {  	_ =	shalt  }
0x56: {  	_ =	shalt  }
0x57: {  	_ =	shalt  }
0x58: {  	_ =	shalt  }
0x59: {  	_ =	shalt  }
0x5a: {  	_ =	shalt  }
0x5b: {  	_ =	shalt  }
0x5c: {  	_ =	shalt  }
0x5d: {  	_ =	shalt  }
0x5e: {  	_ =	shalt  }
0x5f: {  	_ =	shalt  }
0x60: {  	_ =	shalt  }
0x61: {  	_ =	shalt  }
0x62: {  	_ =	shalt  }
0x63: {  	_ =	shalt  }
0x64: {  	_ =	shalt  }
0x65: {  	_ =	shalt  }
0x66: {  	_ =	shalt  }
0x67: {  	_ =	shalt  }
0x68: {  	_ =	shalt  }
0x69: {  	_ =	shalt  }
0x6a: {  	_ =	shalt  }
0x6b: {  	_ =	shalt  }
0x6c: {  	_ =	shalt  }
0x6d: {  	_ =	shalt  }
0x6e: {  	_ =	shalt  }
0x6f: {  	_ =	shalt  }
0x70: {  	_ =	shalt  }
0x71: {  	_ =	shalt  }
0x72: {  	_ =	shalt  }
0x73: {  	_ =	shalt  }
0x74: {  	_ =	shalt  }
0x75: {  	_ =	shalt  }
0x76: {  	_ =	shalt  }
0x77: {  	_ =	shalt  }
0x78: {  	_ =	shalt  }
0x79: {  	_ =	shalt  }
0x7a: {  	_ =	shalt  }
0x7b: {  	_ =	shalt  }
0x7c: {  	_ =	shalt  }
0x7d: {  	_ =	shalt  }
0x7e: {  	_ =	shalt  }
0x7f: {  	_ =	shalt  }
0x80: {  	_ =	shalt  }
0x81: {  	_ =	shalt  }
0x82: {  	_ =	shalt  }
0x83: {  	_ =	shalt  }
0x84: {  	_ =	shalt  }
0x85: {  	_ =	shalt  }
0x86: {  	_ =	shalt  }
0x87: {  	_ =	shalt  }
.Lfunc_end0:
.L_simem_size_0:
called_computation_lowered:
.L_overlay_start_0:
0x88: {  	s2 =	sld [smem:$0x3FD9]  }
0x89: {  	s3 =	sld [smem:$0x3FFE];
	_ =	sdelay $0x1  }
0x8a: {  	s1 =	srdreg.scid  }
0x8b: {  	s0 =	sand.u32 $0x1, s1  }
0x8c: {  	s17 =	sshll.u32 s0, $0xA;
	s2 =	sadd.s32 s3, s2  }
0x8d: {  	s2 =	sadd.s32 s2, s17  }
0x8e: {  	[smem:$0x3FC2] =	sst s2  }
0x8f: {  	_ = 	snop  }
0x90: {  	s2 =	sld [smem:$0x3FD0];
	(tm) =	ssettm $0x1  }
0x91: {  	s18 =	sld [smem:$0x3FFB];
	_ =	sdelay $0x3  }
0x92: {  	_ =	strace s18  }
0x93: {  	s3 =	sld [smem:$0x3FFC];
	_ =	sdelay $0x3  }
0x94: {  	_ =	strace s3  }
0x95: {  	s3 =	sld [smem:$0x3FFD];
	_ =	sdelay $0x3  }
0x96: {  	_ =	strace s3  }
0x97: {  	_ =	strace $0x8FFFFFFF  }
0x98: {  	s19 =	sld [smem:$0x3FDB];
	_ =	sdelay $0x1  }
0x99: {  	s4 =	simm.s32 $_scs_section_size  }
0x9a: {  	s5 =	simm.s32 $_size__tile_overlayer_lowered;
	s6 =	simm.s32 $_tile_overlayer_lowered  }
0x9b: {  	s22 =	simm.s32 $0x1BFF;
	s21 =	sshll.u32 s6, $0x1;
	s3 =	sadd.s32 s4, s19  }
0x9c: {  	s7 =	simm.s32 $0x0;
	s20 =	sshll.u32 s5, $0x1;
	s5 =	sadd.s32 s21, s3  }
0x9d: {  	[timem:s7], [sflag:s22] =	dma.local [hbm:s5], s20  }
0x9e: {  	_ =	swait.ge [sflag:s22], s20  }
0x9f: {  	s4 =	ssub.s32 $0x0, s20;
	[sflag:s22] =	ssyncset.done $0x0  }
0xa0: {  	[sflag:s22] =	ssyncadd.s32 s4;
	_ =	sdelay $0x1  }
0xa1: {  	s23 =	simm.s32 $0x1B8B  }
0xa2: {  	_ =	swait.ge [sflag:s23], $0x1  }
0xa3: {  	[sflag:s23] =	ssyncset.done $0x0  }
0xa4: {  	s25 =	simm.s32 $0x1B8E;
	s24 =	sld [smem:$0x3FFE];
	[sflag:s23] =	ssyncadd.s32 $0xFFFFFFFF  }
0xa5: {  	s26 =	simm.s32 $execute0_lowered;
	[smem:$0x3FD2] =	sst s25  }
0xa6: {  	s5 =	sshll.u32 s26, $0x1;
	_ =	strace $0x80000046;
	[dreg:$0x1] =	wrdreg $0xFFFFFFFF  }
0xa7: {  	s28 =	simm.s32 $_size_execute0_lowered;
	s3 =	sadd.s32 s3, s5;
	[dreg:$0x0] =	wrdreg $0x0  }
0xa8: {  	s5 =	sshll.u32 s28, $0x1;
	[dreg:$0x2] =	wrdreg s3  }
0xa9: {  	[dreg:$0x3] =	wrdreg s5  }
0xaa: {  	[dreg:$0x4] =	wrdreg $0xC0  }
0xab: {  	_ =	task [dreg:s7], $0x5FFFF  }
0xac: {  	[dreg:$0x1] =	wrdreg $0xFFFFFFFF  }
0xad: {  	[dreg:$0x0] =	wrdreg $0x60  }
0xae: {  	[dreg:$0x2] =	wrdreg s2  }
0xaf: {  	[dreg:$0x3] =	wrdreg s24  }
0xb0: {  	[dreg:$0x4] =	wrdreg $0x9  }
0xb1: {  	_ =	task.clear_ibuf [dreg:s7], $0x5FFFF;
	_ =	strace $0x90000046  }
0xb2: {  	s29 =	simm.s32 $0x9;
	_ =	strace $0x80000048  }
0xb3: {  	_ =	swait.ge [sflag:s29], $0x1  }
0xb4: {  	[sflag:s29] =	ssyncadd.s32 $0xFFFFFFFF  }
0xb5: {  	_ =	strace $0x90000048  }
0xb6: {  	_ =	sfence  }
0xb7: {  	s30 =	sld [smem:$0x0];
	_ =	sdelay $0x2  }
0xb8: {  	s31 =	sshll.u32 s1, $0xD;
	s1 =	sshrl.u32 s1, $0x2  }
0xb9: {  	s3 =	sand.u32 $0x4000, s31;
	s1 =	sadd.s32 s1, s30  }
0xba: {  	s0 =	sor.u32 s3, s0;
	s1 =	sshll.u32 s1, $0x11  }
0xbb: {  	s0 =	sor.u32 s1, s0  }
0xbc: {  	s0 =	sadd.s32 $0x8F2B, s0  }
0xbd: {  	[sflag:s0] =	ssyncadd.remote.s32 $0x1  }
0xbe: {  	_ =	sfence.sel $0xFFFF  }
0xbf: {  	[dreg:$0x0] =	wrdreg $0xFFFFFFFF;
	(pc) =	sbr.abs _section_cstart, $3  }
0xc0: {  	[dreg:$0x1] =	wrdreg $0xFFFFFFFF  }
0xc1: {  	_ =	task.clear_ibuf [dreg:s7], $0x2FFFF;
	_ =	strace $0x9FFFFFFF  }
0xc2: {  	(tm) =	ssettm $0x7FFFFFFF  }
0xc3: {  	_ =	shalt  }
tec
execute0_lowered:
.L_overlay_start_1:
0x0: {  	(tag) =	ssettag $0x1  }
0x1: {  	s3 =	rddreg [dreg:$0x0]  }
0x2: {  	s4 =	rddreg [dreg:$0x1]  }
0x3: {  	s0 =	rddreg [dreg:$0x2];
	s5 =	srdreg.scid  }
0x4: {  	s2 =	simm.s32 $0x0;
	s1 =	stileid.u32;
	s8 =	simm.s32 $0x0  }
0x5: {  	s5 =	sand.u32 $0x1, s5;
	s6 =	sshll.u32 s1, $0xB;
	[smem:$0x7FF] =	sst s2  }
0x6: {  	s7 =	sshll.u32 s5, $0xA;
	s5 =	ssub.s32 $0x2, s5;
	_ =	strace $0x80000047  }
0x7: {  	s6 =	sor.u32 s7, s6;
	s31 =	sshrl.u32 s5, $0x1;
	s7 =	simm.s32 $0x2000  }
0x8: {  	s4 =	sadd.s32 s6, s4;
	s5 =	ssub.s32 s5, s31;
	s3 =	sadd.s32 s3, s6  }
0x9: {  	v0 =	vimm.f32 $0.0e+00;
	s6 =	simm.s32 $0x1;
	s4 =	sadd.s32 $0xC1800, s4;
	s5 =	smax.u32 s5, $0x1  }
.LBB2_1:
0xa: {  	[tilespmem:s2], [sflag:$0x1] =	stream.linear.gather [hbm4b:s3+s2], $0x2000, $0x38;
	[tilespmem:$0x6000] =	vst v63  }
0xb: {  	_ =	swait.ge [sflag:s6], $0x2000  }
0xc: {  	s9 =	sand.u32 $0x70, s2;
	s10 =	sand.u32 $0x400, s2;
	[sflag:s6] =	ssyncset.done $0x0  }
0xd: {  	s9 =	sor.u32 s9, s10;
	[sflag:s6] =	ssyncadd.s32 $0xFFFFE000  }
0xe: {  	v1 =	vld [tilespmem:s9+$0x0];
	_ =	sdelay $0x4  }
0xf: {  	s17 =	sand.u32 $0xFFFFFC00, s2;
	vm0 =	veq.f32 v1, $0.0e+00  }
0x10: {  	s10 =	sadd.s32 $0x0, s17;
	v1 =	vsel vm0, $0x8DA24260, v1  }
0x11: {  	s11 =	sor.u32 $0x80, s10;
	[tilespmem:s9+$0x4000] =	vst v1  }
0x12: {  	v1 =	vld [tilespmem:s11+$0x0];
	_ =	sdelay $0x4  }
0x13: {  	vm9 =	veq.f32 v1, $0.0e+00  }
0x14: {  	v1 =	vsel vm9, $0x8E224260, v1  }
0x15: {  	[tilespmem:s11+$0x4000] =	vst v1  }
0x16: {  	v1 =	vld [tilespmem:s9+$0x100];
	_ =	sdelay $0x4  }
0x17: {  	vm10 =	veq.f32 v1, $0.0e+00  }
0x18: {  	v1 =	vsel vm10, $0x8E736390, v1  }
0x19: {  	s18 =	sor.u32 $0x180, s10;
	[tilespmem:s9+$0x4100] =	vst v1  }
0x1a: {  	v1 =	vld [tilespmem:s18+$0x0];
	_ =	sdelay $0x4  }
0x1b: {  	vm11 =	veq.f32 v1, $0.0e+00  }
0x1c: {  	v1 =	vsel vm11, $0x8EA24260, v1  }
0x1d: {  	[tilespmem:s18+$0x4000] =	vst v1  }
0x1e: {  	v1 =	vld [tilespmem:s9+$0x200];
	_ =	sdelay $0x4  }
0x1f: {  	vm12 =	veq.f32 v1, $0.0e+00  }
0x20: {  	v1 =	vsel vm12, $0x8ECAD2F8, v1  }
0x21: {  	s19 =	sor.u32 $0x280, s10;
	[tilespmem:s9+$0x4200] =	vst v1  }
0x22: {  	v1 =	vld [tilespmem:s19+$0x0];
	_ =	sdelay $0x4  }
0x23: {  	vm13 =	veq.f32 v1, $0.0e+00  }
0x24: {  	v1 =	vsel vm13, $0x8EF36390, v1  }
0x25: {  	[tilespmem:s19+$0x4000] =	vst v1  }
0x26: {  	v1 =	vld [tilespmem:s9+$0x300];
	_ =	sdelay $0x4  }
0x27: {  	vm14 =	veq.f32 v1, $0.0e+00  }
0x28: {  	s20 =	sor.u32 s2, s2;
	v1 =	vsel vm14, $0x8F0DFA14, v1  }
0x29: {  	s12 =	sor.u32 $0x380, s20;
	[tilespmem:s9+$0x4300] =	vst v1  }
0x2a: {  	v1 =	vld [tilespmem:s12+$0x0];
	_ =	sdelay $0x4  }
0x2b: {  	vm15 =	veq.f32 v1, $0.0e+00  }
0x2c: {  	v1 =	vsel vm15, $0x8F224260, v1  }
0x2d: {  	[tilespmem:s12+$0x4000] =	vst v1  }
0x2e: {  	v1 =	vld [tilespmem:s9+$0x800];
	_ =	sdelay $0x4  }
0x2f: {  	vm4 =	veq.f32 v1, $0.0e+00  }
0x30: {  	v1 =	vsel vm4, $0x8F368AAC, v1  }
0x31: {  	s21 =	sor.u32 $0x880, s10;
	[tilespmem:s9+$0x4800] =	vst v1  }
0x32: {  	v1 =	vld [tilespmem:s21+$0x0];
	_ =	sdelay $0x4  }
0x33: {  	vm5 =	veq.f32 v1, $0.0e+00  }
0x34: {  	v1 =	vsel vm5, $0x8F4AD2F8, v1  }
0x35: {  	[tilespmem:s21+$0x4000] =	vst v1  }
0x36: {  	v1 =	vld [tilespmem:s9+$0x900];
	_ =	sdelay $0x4  }
0x37: {  	vm6 =	veq.f32 v1, $0.0e+00  }
0x38: {  	v1 =	vsel vm6, $0x8F5F1B44, v1  }
0x39: {  	s22 =	sor.u32 $0x980, s10;
	[tilespmem:s9+$0x4900] =	vst v1  }
0x3a: {  	v1 =	vld [tilespmem:s22+$0x0];
	_ =	sdelay $0x4  }
0x3b: {  	vm7 =	veq.f32 v1, $0.0e+00  }
0x3c: {  	v1 =	vsel vm7, $0x8F736390, v1  }
0x3d: {  	[tilespmem:s22+$0x4000] =	vst v1  }
0x3e: {  	v1 =	vld [tilespmem:s9+$0xA00];
	_ =	sdelay $0x4  }
0x3f: {  	vm8 =	veq.f32 v1, $0.0e+00  }
0x40: {  	v1 =	vsel vm8, $0x8F83D5EE, v1  }
0x41: {  	s23 =	sor.u32 $0xA80, s10;
	[tilespmem:s9+$0x4A00] =	vst v1  }
0x42: {  	v1 =	vld [tilespmem:s23+$0x0];
	_ =	sdelay $0x4  }
0x43: {  	vm9 =	veq.f32 v1, $0.0e+00  }
0x44: {  	v1 =	vsel vm9, $0x8F8DFA14, v1  }
0x45: {  	[tilespmem:s23+$0x4000] =	vst v1  }
0x46: {  	v1 =	vld [tilespmem:s9+$0xB00];
	_ =	sdelay $0x4  }
0x47: {  	vm10 =	veq.f32 v1, $0.0e+00  }
0x48: {  	v1 =	vsel vm10, $0x8F981E3A, v1  }
0x49: {  	s24 =	sor.u32 $0xB80, s20;
	[tilespmem:s9+$0x4B00] =	vst v1  }
0x4a: {  	v1 =	vld [tilespmem:s24+$0x0];
	_ =	sdelay $0x4  }
0x4b: {  	vm11 =	veq.f32 v1, $0.0e+00  }
0x4c: {  	v1 =	vsel vm11, $0x8FA24260, v1  }
0x4d: {  	[tilespmem:s24+$0x4000] =	vst v1  }
0x4e: {  	v1 =	vld [tilespmem:s9+$0x1000];
	_ =	sdelay $0x4  }
0x4f: {  	vm12 =	veq.f32 v1, $0.0e+00  }
0x50: {  	v1 =	vsel vm12, $0x8FAC6686, v1  }
0x51: {  	s25 =	sor.u32 $0x1080, s10;
	[tilespmem:s9+$0x5000] =	vst v1  }
0x52: {  	v1 =	vld [tilespmem:s25+$0x0];
	_ =	sdelay $0x4  }
0x53: {  	vm13 =	veq.f32 v1, $0.0e+00  }
0x54: {  	v1 =	vsel vm13, $0x8FB68AAC, v1  }
0x55: {  	[tilespmem:s25+$0x4000] =	vst v1  }
0x56: {  	v1 =	vld [tilespmem:s9+$0x1100];
	_ =	sdelay $0x4  }
0x57: {  	vm14 =	veq.f32 v1, $0.0e+00  }
0x58: {  	v1 =	vsel vm14, $0x8FC0AED2, v1  }
0x59: {  	s26 =	sor.u32 $0x1180, s10;
	[tilespmem:s9+$0x5100] =	vst v1  }
0x5a: {  	v1 =	vld [tilespmem:s26+$0x0];
	_ =	sdelay $0x4  }
0x5b: {  	vm15 =	veq.f32 v1, $0.0e+00  }
0x5c: {  	v1 =	vsel vm15, $0x8FCAD2F8, v1  }
0x5d: {  	[tilespmem:s26+$0x4000] =	vst v1  }
0x5e: {  	v1 =	vld [tilespmem:s9+$0x1200];
	_ =	sdelay $0x4  }
0x5f: {  	vm4 =	veq.f32 v1, $0.0e+00  }
0x60: {  	v1 =	vsel vm4, $0x8FD4F71E, v1  }
0x61: {  	s28 =	sor.u32 $0x1280, s10;
	[tilespmem:s9+$0x5200] =	vst v1  }
0x62: {  	v1 =	vld [tilespmem:s28+$0x0];
	_ =	sdelay $0x4  }
0x63: {  	vm5 =	veq.f32 v1, $0.0e+00  }
0x64: {  	v1 =	vsel vm5, $0x8FDF1B44, v1  }
0x65: {  	[tilespmem:s28+$0x4000] =	vst v1  }
0x66: {  	v1 =	vld [tilespmem:s9+$0x1300];
	_ =	sdelay $0x4  }
0x67: {  	vm6 =	veq.f32 v1, $0.0e+00  }
0x68: {  	v1 =	vsel vm6, $0x8FE93F6A, v1  }
0x69: {  	s29 =	sor.u32 $0x1380, s20;
	[tilespmem:s9+$0x5300] =	vst v1  }
0x6a: {  	v1 =	vld [tilespmem:s29+$0x0];
	_ =	sdelay $0x4  }
0x6b: {  	vm7 =	veq.f32 v1, $0.0e+00  }
0x6c: {  	v1 =	vsel vm7, $0x8FF36390, v1  }
0x6d: {  	[tilespmem:s29+$0x4000] =	vst v1  }
0x6e: {  	v1 =	vld [tilespmem:s9+$0x1800];
	_ =	sdelay $0x4  }
0x6f: {  	vm8 =	veq.f32 v1, $0.0e+00  }
0x70: {  	v1 =	vsel vm8, $0x8FFD87B6, v1  }
0x71: {  	s30 =	sor.u32 $0x1880, s10;
	[tilespmem:s9+$0x5800] =	vst v1  }
0x72: {  	v1 =	vld [tilespmem:s30+$0x0];
	_ =	sdelay $0x4  }
0x73: {  	vm9 =	veq.f32 v1, $0.0e+00  }
0x74: {  	v1 =	vsel vm9, $0x9003D5EE, v1  }
0x75: {  	[tilespmem:s30+$0x4000] =	vst v1  }
0x76: {  	v1 =	vld [tilespmem:s9+$0x1900];
	_ =	sdelay $0x4  }
0x77: {  	vm10 =	veq.f32 v1, $0.0e+00  }
0x78: {  	v1 =	vsel vm10, $0x9008E801, v1  }
0x79: {  	s31 =	sor.u32 $0x1980, s10;
	[tilespmem:s9+$0x5900] =	vst v1  }
0x7a: {  	v1 =	vld [tilespmem:s31+$0x0];
	_ =	sdelay $0x4  }
0x7b: {  	vm11 =	veq.f32 v1, $0.0e+00  }
0x7c: {  	v1 =	vsel vm11, $0x900DFA14, v1  }
0x7d: {  	[tilespmem:s31+$0x4000] =	vst v1  }
0x7e: {  	v1 =	vld [tilespmem:s9+$0x1A00];
	_ =	sdelay $0x4  }
0x7f: {  	vm12 =	veq.f32 v1, $0.0e+00  }
0x80: {  	v1 =	vsel vm12, $0x90130C27, v1  }
0x81: {  	s10 =	sor.u32 $0x1A80, s10;
	[tilespmem:s9+$0x5A00] =	vst v1  }
0x82: {  	v1 =	vld [tilespmem:s10+$0x0];
	_ =	sdelay $0x4  }
0x83: {  	vm13 =	veq.f32 v1, $0.0e+00  }
0x84: {  	v1 =	vsel vm13, $0x90181E3A, v1  }
0x85: {  	[tilespmem:s10+$0x4000] =	vst v1  }
0x86: {  	v1 =	vld [tilespmem:s9+$0x1B00];
	_ =	sdelay $0x4  }
0x87: {  	vm14 =	veq.f32 v1, $0.0e+00  }
0x88: {  	v1 =	vsel vm14, $0x901D304D, v1  }
0x89: {  	s13 =	sor.u32 $0x1B80, s20;
	[tilespmem:s9+$0x5B00] =	vst v1  }
0x8a: {  	v1 =	vld [tilespmem:s13+$0x0];
	_ =	sdelay $0x4  }
0x8b: {  	s10 =	simm.s32 $0x80;
	s9 =	simm.s32 $0x10;
	vm15 =	veq.f32 v1, $0.0e+00  }
0x8c: {  	s11 =	simm.s32 $0x20;
	s14 =	sand.u32 $0x400, s10;
	s12 =	sand.u32 $0x70, s9;
	v1 =	vsel vm15, $0x90224260, v1  }
.LBB2_2:
0x8d: {  	p0 =	sne.s32 s11, $0xF0  }
0x8e: {  	s12 =	sor.u32 s12, s14;
	[tilespmem:s13+$0x4000] =	vst v1;
	s15 =	smov.u32 s11;
	s11 =	sadd.s32 $0x10, s11  }
0x8f: {  	v1 =	vld [tilespmem:s12+$0x0];
	_ =	sdelay $0x4  }
0x90: {  	s13 =	sand.u32 $0xFFFFFC00, s10;
	vm0 =	veq.f32 v1, $0.0e+00  }
0x91: {  	s13 =	sadd.s32 s13, s9;
	v1 =	vsel vm0, $0x8DA24260, v1  }
0x92: {  	s14 =	sor.u32 $0x80, s13;
	[tilespmem:s12+$0x4000] =	vst v1  }
0x93: {  	v1 =	vld [tilespmem:s14+$0x0];
	_ =	sdelay $0x4  }
0x94: {  	vm0 =	veq.f32 v1, $0.0e+00  }
0x95: {  	v1 =	vsel vm0, $0x8E224260, v1  }
0x96: {  	[tilespmem:s14+$0x4000] =	vst v1  }
0x97: {  	v1 =	vld [tilespmem:s12+$0x100];
	_ =	sdelay $0x4  }
0x98: {  	vm0 =	veq.f32 v1, $0.0e+00  }
0x99: {  	v1 =	vsel vm0, $0x8E736390, v1  }
0x9a: {  	s14 =	sor.u32 $0x180, s13;
	[tilespmem:s12+$0x4100] =	vst v1  }
0x9b: {  	v1 =	vld [tilespmem:s14+$0x0];
	_ =	sdelay $0x4  }
0x9c: {  	vm0 =	veq.f32 v1, $0.0e+00  }
0x9d: {  	v1 =	vsel vm0, $0x8EA24260, v1  }
0x9e: {  	[tilespmem:s14+$0x4000] =	vst v1  }
0x9f: {  	v1 =	vld [tilespmem:s12+$0x200];
	_ =	sdelay $0x4  }
0xa0: {  	vm0 =	veq.f32 v1, $0.0e+00  }
0xa1: {  	v1 =	vsel vm0, $0x8ECAD2F8, v1  }
0xa2: {  	s14 =	sor.u32 $0x280, s13;
	[tilespmem:s12+$0x4200] =	vst v1  }
0xa3: {  	v1 =	vld [tilespmem:s14+$0x0];
	_ =	sdelay $0x4  }
0xa4: {  	vm0 =	veq.f32 v1, $0.0e+00  }
0xa5: {  	v1 =	vsel vm0, $0x8EF36390, v1  }
0xa6: {  	[tilespmem:s14+$0x4000] =	vst v1  }
0xa7: {  	v1 =	vld [tilespmem:s12+$0x300];
	_ =	sdelay $0x4  }
0xa8: {  	vm0 =	veq.f32 v1, $0.0e+00  }
0xa9: {  	s14 =	sor.u32 s9, s10;
	s9 =	smov.u32 s15;
	v1 =	vsel vm0, $0x8F0DFA14, v1  }
0xaa: {  	s15 =	sor.u32 $0x380, s14;
	[tilespmem:s12+$0x4300] =	vst v1  }
0xab: {  	v1 =	vld [tilespmem:s15+$0x0];
	_ =	sdelay $0x4  }
0xac: {  	vm0 =	veq.f32 v1, $0.0e+00  }
0xad: {  	v1 =	vsel vm0, $0x8F224260, v1  }
0xae: {  	[tilespmem:s15+$0x4000] =	vst v1  }
0xaf: {  	v1 =	vld [tilespmem:s12+$0x800];
	_ =	sdelay $0x4  }
0xb0: {  	vm0 =	veq.f32 v1, $0.0e+00  }
0xb1: {  	v1 =	vsel vm0, $0x8F368AAC, v1  }
0xb2: {  	s15 =	sor.u32 $0x880, s13;
	[tilespmem:s12+$0x4800] =	vst v1  }
0xb3: {  	v1 =	vld [tilespmem:s15+$0x0];
	_ =	sdelay $0x4  }
0xb4: {  	vm0 =	veq.f32 v1, $0.0e+00  }
0xb5: {  	v1 =	vsel vm0, $0x8F4AD2F8, v1  }
0xb6: {  	[tilespmem:s15+$0x4000] =	vst v1  }
0xb7: {  	v1 =	vld [tilespmem:s12+$0x900];
	_ =	sdelay $0x4  }
0xb8: {  	vm0 =	veq.f32 v1, $0.0e+00  }
0xb9: {  	v1 =	vsel vm0, $0x8F5F1B44, v1  }
0xba: {  	s15 =	sor.u32 $0x980, s13;
	[tilespmem:s12+$0x4900] =	vst v1  }
0xbb: {  	v1 =	vld [tilespmem:s15+$0x0];
	_ =	sdelay $0x4  }
0xbc: {  	vm0 =	veq.f32 v1, $0.0e+00  }
0xbd: {  	v1 =	vsel vm0, $0x8F736390, v1  }
0xbe: {  	[tilespmem:s15+$0x4000] =	vst v1  }
0xbf: {  	v1 =	vld [tilespmem:s12+$0xA00];
	_ =	sdelay $0x4  }
0xc0: {  	vm0 =	veq.f32 v1, $0.0e+00  }
0xc1: {  	v1 =	vsel vm0, $0x8F83D5EE, v1  }
0xc2: {  	s15 =	sor.u32 $0xA80, s13;
	[tilespmem:s12+$0x4A00] =	vst v1  }
0xc3: {  	v1 =	vld [tilespmem:s15+$0x0];
	_ =	sdelay $0x4  }
0xc4: {  	vm0 =	veq.f32 v1, $0.0e+00  }
0xc5: {  	v1 =	vsel vm0, $0x8F8DFA14, v1  }
0xc6: {  	[tilespmem:s15+$0x4000] =	vst v1  }
0xc7: {  	v1 =	vld [tilespmem:s12+$0xB00];
	_ =	sdelay $0x4  }
0xc8: {  	vm0 =	veq.f32 v1, $0.0e+00  }
0xc9: {  	v1 =	vsel vm0, $0x8F981E3A, v1  }
0xca: {  	s15 =	sor.u32 $0xB80, s14;
	[tilespmem:s12+$0x4B00] =	vst v1  }
0xcb: {  	v1 =	vld [tilespmem:s15+$0x0];
	_ =	sdelay $0x4  }
0xcc: {  	vm0 =	veq.f32 v1, $0.0e+00  }
0xcd: {  	v1 =	vsel vm0, $0x8FA24260, v1  }
0xce: {  	[tilespmem:s15+$0x4000] =	vst v1  }
0xcf: {  	v1 =	vld [tilespmem:s12+$0x1000];
	_ =	sdelay $0x4  }
0xd0: {  	vm0 =	veq.f32 v1, $0.0e+00  }
0xd1: {  	v1 =	vsel vm0, $0x8FAC6686, v1  }
0xd2: {  	s15 =	sor.u32 $0x1080, s13;
	[tilespmem:s12+$0x5000] =	vst v1  }
0xd3: {  	v1 =	vld [tilespmem:s15+$0x0];
	_ =	sdelay $0x4  }
0xd4: {  	vm0 =	veq.f32 v1, $0.0e+00  }
0xd5: {  	v1 =	vsel vm0, $0x8FB68AAC, v1  }
0xd6: {  	[tilespmem:s15+$0x4000] =	vst v1  }
0xd7: {  	v1 =	vld [tilespmem:s12+$0x1100];
	_ =	sdelay $0x4  }
0xd8: {  	vm0 =	veq.f32 v1, $0.0e+00  }
0xd9: {  	v1 =	vsel vm0, $0x8FC0AED2, v1  }
0xda: {  	s15 =	sor.u32 $0x1180, s13;
	[tilespmem:s12+$0x5100] =	vst v1  }
0xdb: {  	v1 =	vld [tilespmem:s15+$0x0];
	_ =	sdelay $0x4  }
0xdc: {  	vm0 =	veq.f32 v1, $0.0e+00  }
0xdd: {  	v1 =	vsel vm0, $0x8FCAD2F8, v1  }
0xde: {  	[tilespmem:s15+$0x4000] =	vst v1  }
0xdf: {  	v1 =	vld [tilespmem:s12+$0x1200];
	_ =	sdelay $0x4  }
0xe0: {  	vm0 =	veq.f32 v1, $0.0e+00  }
0xe1: {  	v1 =	vsel vm0, $0x8FD4F71E, v1  }
0xe2: {  	s15 =	sor.u32 $0x1280, s13;
	[tilespmem:s12+$0x5200] =	vst v1  }
0xe3: {  	v1 =	vld [tilespmem:s15+$0x0];
	_ =	sdelay $0x4  }
0xe4: {  	vm0 =	veq.f32 v1, $0.0e+00  }
0xe5: {  	v1 =	vsel vm0, $0x8FDF1B44, v1  }
0xe6: {  	[tilespmem:s15+$0x4000] =	vst v1  }
0xe7: {  	v1 =	vld [tilespmem:s12+$0x1300];
	_ =	sdelay $0x4  }
0xe8: {  	vm0 =	veq.f32 v1, $0.0e+00  }
0xe9: {  	v1 =	vsel vm0, $0x8FE93F6A, v1  }
0xea: {  	s15 =	sor.u32 $0x1380, s14;
	[tilespmem:s12+$0x5300] =	vst v1  }
0xeb: {  	v1 =	vld [tilespmem:s15+$0x0];
	_ =	sdelay $0x4  }
0xec: {  	vm0 =	veq.f32 v1, $0.0e+00  }
0xed: {  	v1 =	vsel vm0, $0x8FF36390, v1  }
0xee: {  	[tilespmem:s15+$0x4000] =	vst v1  }
0xef: {  	v1 =	vld [tilespmem:s12+$0x1800];
	_ =	sdelay $0x4  }
0xf0: {  	vm0 =	veq.f32 v1, $0.0e+00  }
0xf1: {  	v1 =	vsel vm0, $0x8FFD87B6, v1  }
0xf2: {  	s15 =	sor.u32 $0x1880, s13;
	[tilespmem:s12+$0x5800] =	vst v1  }
0xf3: {  	v1 =	vld [tilespmem:s15+$0x0];
	_ =	sdelay $0x4  }
0xf4: {  	vm0 =	veq.f32 v1, $0.0e+00  }
0xf5: {  	v1 =	vsel vm0, $0x9003D5EE, v1  }
0xf6: {  	[tilespmem:s15+$0x4000] =	vst v1  }
0xf7: {  	v1 =	vld [tilespmem:s12+$0x1900];
	_ =	sdelay $0x4  }
0xf8: {  	vm0 =	veq.f32 v1, $0.0e+00  }
0xf9: {  	v1 =	vsel vm0, $0x9008E801, v1  }
0xfa: {  	s15 =	sor.u32 $0x1980, s13;
	[tilespmem:s12+$0x5900] =	vst v1  }
0xfb: {  	v1 =	vld [tilespmem:s15+$0x0];
	_ =	sdelay $0x4  }
0xfc: {  	vm0 =	veq.f32 v1, $0.0e+00  }
0xfd: {  	v1 =	vsel vm0, $0x900DFA14, v1  }
0xfe: {  	[tilespmem:s15+$0x4000] =	vst v1  }
0xff: {  	v1 =	vld [tilespmem:s12+$0x1A00];
	_ =	sdelay $0x4  }
0x100: {  	vm0 =	veq.f32 v1, $0.0e+00  }
0x101: {  	v1 =	vsel vm0, $0x90130C27, v1  }
0x102: {  	s13 =	sor.u32 $0x1A80, s13;
	[tilespmem:s12+$0x5A00] =	vst v1  }
0x103: {  	v1 =	vld [tilespmem:s13+$0x0];
	_ =	sdelay $0x4  }
0x104: {  	vm0 =	veq.f32 v1, $0.0e+00  }
0x105: {  	v1 =	vsel vm0, $0x90181E3A, v1  }
0x106: {  	[tilespmem:s13+$0x4000] =	vst v1  }
0x107: {  	v1 =	vld [tilespmem:s12+$0x1B00];
	_ =	sdelay $0x4  }
0x108: {  	vm0 =	veq.f32 v1, $0.0e+00  }
0x109: {  	v1 =	vsel vm0, $0x901D304D, v1  }
0x10a: {  	s13 =	sor.u32 $0x1B80, s14;
	[tilespmem:s12+$0x5B00] =	vst v1  }
0x10b: {  	v1 =	vld [tilespmem:s13+$0x0];
	_ =	sdelay $0x1  }
.Ltmp0:
0x10c: {  	(pc) =	sbr.rel @p0 .LBB2_2-.Ltmp0, $3  }
0x10d: {  	_ =	sdelay $0x1  }
0x10e: {  	s10 =	sadd.s32 $0x80, s10;
	vm0 =	veq.f32 v1, $0.0e+00  }
0x10f: {  	s14 =	sand.u32 $0x400, s10;
	s12 =	sand.u32 $0x70, s9;
	v1 =	vsel vm0, $0x90224260, v1  }
0x110: {  	s11 =	sor.u32 s12, s14;
	[tilespmem:s13+$0x4000] =	vst v1  }
0x111: {  	v1 =	vld [tilespmem:s11+$0x0];
	_ =	sdelay $0x4  }
0x112: {  	s24 =	sand.u32 $0xFFFFFC00, s10;
	vm0 =	veq.f32 v1, $0.0e+00  }
0x113: {  	s12 =	sadd.s32 s24, s9;
	v1 =	vsel vm0, $0x8DA24260, v1  }
0x114: {  	s25 =	sor.u32 $0x80, s12;
	[tilespmem:s11+$0x4000] =	vst v1  }
0x115: {  	v1 =	vld [tilespmem:s25+$0x0];
	_ =	sdelay $0x4  }
0x116: {  	vm0 =	veq.f32 v1, $0.0e+00  }
0x117: {  	v1 =	vsel vm0, $0x8E224260, v1  }
0x118: {  	[tilespmem:s25+$0x4000] =	vst v1  }
0x119: {  	v1 =	vld [tilespmem:s11+$0x100];
	_ =	sdelay $0x4  }
0x11a: {  	vm0 =	veq.f32 v1, $0.0e+00  }
0x11b: {  	v1 =	vsel vm0, $0x8E736390, v1  }
0x11c: {  	s26 =	sor.u32 $0x180, s12;
	[tilespmem:s11+$0x4100] =	vst v1  }
0x11d: {  	v1 =	vld [tilespmem:s26+$0x0];
	_ =	sdelay $0x4  }
0x11e: {  	vm0 =	veq.f32 v1, $0.0e+00  }
0x11f: {  	v1 =	vsel vm0, $0x8EA24260, v1  }
0x120: {  	[tilespmem:s26+$0x4000] =	vst v1  }
0x121: {  	v1 =	vld [tilespmem:s11+$0x200];
	_ =	sdelay $0x4  }
0x122: {  	vm0 =	veq.f32 v1, $0.0e+00  }
0x123: {  	v1 =	vsel vm0, $0x8ECAD2F8, v1  }
0x124: {  	s28 =	sor.u32 $0x280, s12;
	[tilespmem:s11+$0x4200] =	vst v1  }
0x125: {  	v1 =	vld [tilespmem:s28+$0x0];
	_ =	sdelay $0x4  }
0x126: {  	vm0 =	veq.f32 v1, $0.0e+00  }
0x127: {  	v1 =	vsel vm0, $0x8EF36390, v1  }
0x128: {  	[tilespmem:s28+$0x4000] =	vst v1  }
0x129: {  	v1 =	vld [tilespmem:s11+$0x300];
	_ =	sdelay $0x4  }
0x12a: {  	vm0 =	veq.f32 v1, $0.0e+00  }
0x12b: {  	s29 =	sor.u32 s9, s10;
	v1 =	vsel vm0, $0x8F0DFA14, v1  }
0x12c: {  	s10 =	sor.u32 $0x380, s29;
	[tilespmem:s11+$0x4300] =	vst v1  }
0x12d: {  	v1 =	vld [tilespmem:s10+$0x0];
	_ =	sdelay $0x4  }
0x12e: {  	vm0 =	veq.f32 v1, $0.0e+00  }
0x12f: {  	v1 =	vsel vm0, $0x8F224260, v1  }
0x130: {  	[tilespmem:s10+$0x4000] =	vst v1  }
0x131: {  	v1 =	vld [tilespmem:s11+$0x800];
	_ =	sdelay $0x4  }
0x132: {  	vm0 =	veq.f32 v1, $0.0e+00  }
0x133: {  	v1 =	vsel vm0, $0x8F368AAC, v1  }
0x134: {  	s30 =	sor.u32 $0x880, s12;
	[tilespmem:s11+$0x4800] =	vst v1  }
0x135: {  	v1 =	vld [tilespmem:s30+$0x0];
	_ =	sdelay $0x4  }
0x136: {  	vm0 =	veq.f32 v1, $0.0e+00  }
0x137: {  	v1 =	vsel vm0, $0x8F4AD2F8, v1  }
0x138: {  	[tilespmem:s30+$0x4000] =	vst v1  }
0x139: {  	v1 =	vld [tilespmem:s11+$0x900];
	_ =	sdelay $0x4  }
0x13a: {  	vm0 =	veq.f32 v1, $0.0e+00  }
0x13b: {  	v1 =	vsel vm0, $0x8F5F1B44, v1  }
0x13c: {  	s31 =	sor.u32 $0x980, s12;
	[tilespmem:s11+$0x4900] =	vst v1  }
0x13d: {  	v1 =	vld [tilespmem:s31+$0x0];
	_ =	sdelay $0x4  }
0x13e: {  	vm0 =	veq.f32 v1, $0.0e+00  }
0x13f: {  	v1 =	vsel vm0, $0x8F736390, v1  }
0x140: {  	[tilespmem:s31+$0x4000] =	vst v1  }
0x141: {  	v1 =	vld [tilespmem:s11+$0xA00];
	_ =	sdelay $0x4  }
0x142: {  	vm0 =	veq.f32 v1, $0.0e+00  }
0x143: {  	v1 =	vsel vm0, $0x8F83D5EE, v1  }
0x144: {  	s13 =	sor.u32 $0xA80, s12;
	[tilespmem:s11+$0x4A00] =	vst v1  }
0x145: {  	v1 =	vld [tilespmem:s13+$0x0];
	_ =	sdelay $0x4  }
0x146: {  	vm0 =	veq.f32 v1, $0.0e+00  }
0x147: {  	v1 =	vsel vm0, $0x8F8DFA14, v1  }
0x148: {  	[tilespmem:s13+$0x4000] =	vst v1  }
0x149: {  	v1 =	vld [tilespmem:s11+$0xB00];
	_ =	sdelay $0x4  }
0x14a: {  	vm0 =	veq.f32 v1, $0.0e+00  }
0x14b: {  	v1 =	vsel vm0, $0x8F981E3A, v1  }
0x14c: {  	s14 =	sor.u32 $0xB80, s29;
	[tilespmem:s11+$0x4B00] =	vst v1  }
0x14d: {  	v1 =	vld [tilespmem:s14+$0x0];
	_ =	sdelay $0x4  }
0x14e: {  	vm0 =	veq.f32 v1, $0.0e+00  }
0x14f: {  	v1 =	vsel vm0, $0x8FA24260, v1  }
0x150: {  	[tilespmem:s14+$0x4000] =	vst v1  }
0x151: {  	v1 =	vld [tilespmem:s11+$0x1000];
	_ =	sdelay $0x4  }
0x152: {  	vm0 =	veq.f32 v1, $0.0e+00  }
0x153: {  	v1 =	vsel vm0, $0x8FAC6686, v1  }
0x154: {  	s15 =	sor.u32 $0x1080, s12;
	[tilespmem:s11+$0x5000] =	vst v1  }
0x155: {  	v1 =	vld [tilespmem:s15+$0x0];
	_ =	sdelay $0x4  }
0x156: {  	vm0 =	veq.f32 v1, $0.0e+00  }
0x157: {  	v1 =	vsel vm0, $0x8FB68AAC, v1  }
0x158: {  	[tilespmem:s15+$0x4000] =	vst v1  }
0x159: {  	v1 =	vld [tilespmem:s11+$0x1100];
	_ =	sdelay $0x4  }
0x15a: {  	vm0 =	veq.f32 v1, $0.0e+00  }
0x15b: {  	v1 =	vsel vm0, $0x8FC0AED2, v1  }
0x15c: {  	s16 =	sor.u32 $0x1180, s12;
	[tilespmem:s11+$0x5100] =	vst v1  }
0x15d: {  	v1 =	vld [tilespmem:s16+$0x0];
	_ =	sdelay $0x4  }
0x15e: {  	vm0 =	veq.f32 v1, $0.0e+00  }
0x15f: {  	v1 =	vsel vm0, $0x8FCAD2F8, v1  }
0x160: {  	[tilespmem:s16+$0x4000] =	vst v1  }
0x161: {  	v1 =	vld [tilespmem:s11+$0x1200];
	_ =	sdelay $0x4  }
0x162: {  	vm0 =	veq.f32 v1, $0.0e+00  }
0x163: {  	v1 =	vsel vm0, $0x8FD4F71E, v1  }
0x164: {  	s17 =	sor.u32 $0x1280, s12;
	[tilespmem:s11+$0x5200] =	vst v1  }
0x165: {  	v1 =	vld [tilespmem:s17+$0x0];
	_ =	sdelay $0x4  }
0x166: {  	vm0 =	veq.f32 v1, $0.0e+00  }
0x167: {  	v1 =	vsel vm0, $0x8FDF1B44, v1  }
0x168: {  	[tilespmem:s17+$0x4000] =	vst v1  }
0x169: {  	v1 =	vld [tilespmem:s11+$0x1300];
	_ =	sdelay $0x4  }
0x16a: {  	vm0 =	veq.f32 v1, $0.0e+00  }
0x16b: {  	v1 =	vsel vm0, $0x8FE93F6A, v1  }
0x16c: {  	s18 =	sor.u32 $0x1380, s29;
	[tilespmem:s11+$0x5300] =	vst v1  }
0x16d: {  	v1 =	vld [tilespmem:s18+$0x0];
	_ =	sdelay $0x4  }
0x16e: {  	vm0 =	veq.f32 v1, $0.0e+00  }
0x16f: {  	v1 =	vsel vm0, $0x8FF36390, v1  }
0x170: {  	[tilespmem:s18+$0x4000] =	vst v1  }
0x171: {  	v1 =	vld [tilespmem:s11+$0x1800];
	_ =	sdelay $0x4  }
0x172: {  	vm0 =	veq.f32 v1, $0.0e+00  }
0x173: {  	v1 =	vsel vm0, $0x8FFD87B6, v1  }
0x174: {  	s19 =	sor.u32 $0x1880, s12;
	[tilespmem:s11+$0x5800] =	vst v1  }
0x175: {  	v1 =	vld [tilespmem:s19+$0x0];
	_ =	sdelay $0x4  }
0x176: {  	vm0 =	veq.f32 v1, $0.0e+00  }
0x177: {  	v1 =	vsel vm0, $0x9003D5EE, v1  }
0x178: {  	[tilespmem:s19+$0x4000] =	vst v1  }
0x179: {  	v1 =	vld [tilespmem:s11+$0x1900];
	_ =	sdelay $0x4  }
0x17a: {  	vm0 =	veq.f32 v1, $0.0e+00  }
0x17b: {  	v1 =	vsel vm0, $0x9008E801, v1  }
0x17c: {  	s20 =	sor.u32 $0x1980, s12;
	[tilespmem:s11+$0x5900] =	vst v1  }
0x17d: {  	v1 =	vld [tilespmem:s20+$0x0];
	_ =	sdelay $0x4  }
0x17e: {  	vm0 =	veq.f32 v1, $0.0e+00  }
0x17f: {  	v1 =	vsel vm0, $0x900DFA14, v1  }
0x180: {  	[tilespmem:s20+$0x4000] =	vst v1  }
0x181: {  	v1 =	vld [tilespmem:s11+$0x1A00];
	_ =	sdelay $0x4  }
0x182: {  	vm0 =	veq.f32 v1, $0.0e+00  }
0x183: {  	v1 =	vsel vm0, $0x90130C27, v1  }
0x184: {  	s21 =	sor.u32 $0x1A80, s12;
	[tilespmem:s11+$0x5A00] =	vst v1  }
0x185: {  	v1 =	vld [tilespmem:s21+$0x0];
	_ =	sdelay $0x4  }
0x186: {  	vm0 =	veq.f32 v1, $0.0e+00  }
0x187: {  	v1 =	vsel vm0, $0x90181E3A, v1  }
0x188: {  	[tilespmem:s21+$0x4000] =	vst v1  }
0x189: {  	v1 =	vld [tilespmem:s11+$0x1B00];
	_ =	sdelay $0x4  }
0x18a: {  	vm0 =	veq.f32 v1, $0.0e+00  }
0x18b: {  	v1 =	vsel vm0, $0x901D304D, v1  }
0x18c: {  	s9 =	sor.u32 $0x1B80, s29;
	[tilespmem:s11+$0x5B00] =	vst v1  }
0x18d: {  	v1 =	vld [tilespmem:s9+$0x0];
	_ =	sdelay $0x1  }
0x18e: {  	s22 =	simm.s32 $0x0  }
0x18f: {  	s23 =	simm.s32 $0x0;
	s24 =	sand.u32 $0x1800, s22;
	s25 =	simm.s32 $0x0  }
0x190: {  	s26 =	sand.u32 $0x400, s25;
	s10 =	sand.u32 $0x380, s22;
	s11 =	sand.u32 $0x70, s23  }
0x191: {  	s10 =	sor.u32 s10, s24;
	s28 =	sor.u32 s11, s26;
	vm0 =	veq.f32 v1, $0.0e+00  }
0x192: {  	s10 =	sor.u32 s11, s10;
	v2 =	vld [tilespmem:s28+$0x4000];
	v1 =	vsel vm0, $0x90224260, v1  }
0x193: {  	v3 =	vld [tilespmem:s28+$0x4080];
	[tilespmem:s9+$0x4000] =	vst v1;
	s9 =	sor.u32 s26, s10  }
0x194: {  	v1 =	vld [tilespmem:s9+$0x4000];
	_ =	sdelay $0x1  }
0x195: {  	v4 =	vld [tilespmem:s28+$0x4100];
	_ =	sdelay $0x1  }
0x196: {  	v5 =	vld [tilespmem:s28+$0x4180]  }
0x197: {  	vm0 =	vgt.f32 v2, v1;
	vm1 =	vgt.f32 v3, v1  }
0x198: {  	v6 =	vld [tilespmem:s28+$0x4200];
	v2 =	vsel vm0, $0x3F800000, v0;
	v3 =	vsel vm1, $0x3F800000, v0  }
0x199: {  	vm0 =	vgt.f32 v4, v1;
	v2 =	vadd.f32 v3, v2  }
0x19a: {  	v37 =	vld [tilespmem:s28+$0x4280];
	v3 =	vsel vm0, $0x3F800000, v0  }
0x19b: {  	vm0 =	vgt.f32 v5, v1;
	v2 =	vadd.f32 v3, v2  }
0x19c: {  	v38 =	vld [tilespmem:s28+$0x4300];
	v3 =	vsel vm0, $0x3F800000, v0  }
0x19d: {  	vm0 =	vgt.f32 v6, v1;
	v2 =	vadd.f32 v3, v2  }
0x19e: {  	v39 =	vld [tilespmem:s28+$0x4380];
	v3 =	vsel vm0, $0x3F800000, v0  }
0x19f: {  	vm0 =	vgt.f32 v37, v1;
	v2 =	vadd.f32 v3, v2  }
0x1a0: {  	v40 =	vld [tilespmem:s28+$0x4800];
	v3 =	vsel vm0, $0x3F800000, v0  }
0x1a1: {  	vm0 =	vgt.f32 v38, v1;
	v2 =	vadd.f32 v3, v2  }
0x1a2: {  	v41 =	vld [tilespmem:s28+$0x4880];
	v3 =	vsel vm0, $0x3F800000, v0  }
0x1a3: {  	vm0 =	vgt.f32 v39, v1;
	v2 =	vadd.f32 v3, v2  }
0x1a4: {  	v42 =	vld [tilespmem:s28+$0x4900];
	v3 =	vsel vm0, $0x3F800000, v0  }
0x1a5: {  	vm0 =	vgt.f32 v40, v1;
	v2 =	vadd.f32 v3, v2  }
0x1a6: {  	v43 =	vld [tilespmem:s28+$0x4980];
	v3 =	vsel vm0, $0x3F800000, v0  }
0x1a7: {  	vm0 =	vgt.f32 v41, v1;
	v2 =	vadd.f32 v3, v2  }
0x1a8: {  	v44 =	vld [tilespmem:s28+$0x4A00];
	v3 =	vsel vm0, $0x3F800000, v0  }
0x1a9: {  	vm0 =	vgt.f32 v42, v1;
	v2 =	vadd.f32 v3, v2  }
0x1aa: {  	v45 =	vld [tilespmem:s28+$0x4A80];
	v3 =	vsel vm0, $0x3F800000, v0  }
0x1ab: {  	vm0 =	vgt.f32 v43, v1;
	v2 =	vadd.f32 v3, v2  }
0x1ac: {  	v46 =	vld [tilespmem:s28+$0x4B00];
	v3 =	vsel vm0, $0x3F800000, v0  }
0x1ad: {  	vm0 =	vgt.f32 v44, v1;
	v2 =	vadd.f32 v3, v2  }
0x1ae: {  	v47 =	vld [tilespmem:s28+$0x4B80];
	v3 =	vsel vm0, $0x3F800000, v0  }
0x1af: {  	vm0 =	vgt.f32 v45, v1;
	v2 =	vadd.f32 v3, v2  }
0x1b0: {  	v48 =	vld [tilespmem:s28+$0x5000];
	v3 =	vsel vm0, $0x3F800000, v0  }
0x1b1: {  	vm0 =	vgt.f32 v46, v1;
	v2 =	vadd.f32 v3, v2  }
0x1b2: {  	v49 =	vld [tilespmem:s28+$0x5080];
	v3 =	vsel vm0, $0x3F800000, v0  }
0x1b3: {  	vm0 =	vgt.f32 v47, v1;
	v2 =	vadd.f32 v3, v2  }
0x1b4: {  	v50 =	vld [tilespmem:s28+$0x5100];
	v3 =	vsel vm0, $0x3F800000, v0  }
0x1b5: {  	vm0 =	vgt.f32 v48, v1;
	v2 =	vadd.f32 v3, v2  }
0x1b6: {  	v51 =	vld [tilespmem:s28+$0x5180];
	v3 =	vsel vm0, $0x3F800000, v0  }
0x1b7: {  	vm0 =	vgt.f32 v49, v1;
	v2 =	vadd.f32 v3, v2  }
0x1b8: {  	v52 =	vld [tilespmem:s28+$0x5200];
	v3 =	vsel vm0, $0x3F800000, v0  }
0x1b9: {  	vm0 =	vgt.f32 v50, v1;
	v2 =	vadd.f32 v3, v2  }
0x1ba: {  	v53 =	vld [tilespmem:s28+$0x5280];
	v3 =	vsel vm0, $0x3F800000, v0  }
0x1bb: {  	vm0 =	vgt.f32 v51, v1;
	v2 =	vadd.f32 v3, v2  }
0x1bc: {  	v54 =	vld [tilespmem:s28+$0x5300];
	v3 =	vsel vm0, $0x3F800000, v0  }
0x1bd: {  	vm0 =	vgt.f32 v52, v1;
	v2 =	vadd.f32 v3, v2  }
0x1be: {  	v55 =	vld [tilespmem:s28+$0x5380];
	v3 =	vsel vm0, $0x3F800000, v0  }
0x1bf: {  	vm0 =	vgt.f32 v53, v1;
	v2 =	vadd.f32 v3, v2  }
0x1c0: {  	v56 =	vld [tilespmem:s28+$0x5800];
	v3 =	vsel vm0, $0x3F800000, v0  }
0x1c1: {  	vm0 =	vgt.f32 v54, v1;
	v2 =	vadd.f32 v3, v2  }
0x1c2: {  	v57 =	vld [tilespmem:s28+$0x5880];
	v3 =	vsel vm0, $0x3F800000, v0  }
0x1c3: {  	vm0 =	vgt.f32 v55, v1;
	v2 =	vadd.f32 v3, v2  }
0x1c4: {  	v58 =	vld [tilespmem:s28+$0x5900];
	v3 =	vsel vm0, $0x3F800000, v0  }
0x1c5: {  	vm0 =	vgt.f32 v56, v1;
	v2 =	vadd.f32 v3, v2  }
0x1c6: {  	v59 =	vld [tilespmem:s28+$0x5980];
	v3 =	vsel vm0, $0x3F800000, v0  }
0x1c7: {  	vm0 =	vgt.f32 v57, v1;
	v2 =	vadd.f32 v3, v2  }
0x1c8: {  	v60 =	vld [tilespmem:s28+$0x5A00];
	v3 =	vsel vm0, $0x3F800000, v0  }
0x1c9: {  	vm0 =	vgt.f32 v58, v1;
	v2 =	vadd.f32 v3, v2  }
0x1ca: {  	v61 =	vld [tilespmem:s28+$0x5A80];
	v3 =	vsel vm0, $0x3F800000, v0  }
0x1cb: {  	vm0 =	vgt.f32 v59, v1;
	v2 =	vadd.f32 v3, v2  }
0x1cc: {  	v62 =	vld [tilespmem:s28+$0x5B00];
	v3 =	vsel vm0, $0x3F800000, v0  }
0x1cd: {  	vm0 =	vgt.f32 v60, v1;
	v2 =	vadd.f32 v3, v2  }
0x1ce: {  	v63 =	vld [tilespmem:s28+$0x5B80];
	v3 =	vsel vm0, $0x3F800000, v0  }
0x1cf: {  	vm0 =	vgt.f32 v61, v1;
	v2 =	vadd.f32 v3, v2  }
0x1d0: {  	v3 =	vsel vm0, $0x3F800000, v0  }
0x1d1: {  	vm0 =	vgt.f32 v62, v1;
	v2 =	vadd.f32 v3, v2  }
0x1d2: {  	v3 =	vsel vm0, $0x3F800000, v0  }
0x1d3: {  	vm0 =	vgt.f32 v63, v1;
	v2 =	vadd.f32 v3, v2  }
0x1d4: {  	s11 =	simm.s32 $0x100;
	s10 =	simm.s32 $0x80;
	v1 =	vsel vm0, $0x3F800000, v0  }
0x1d5: {  	s29 =	simm.s32 $0x0;
	s30 =	sand.u32 $0x1800, s11;
	s15 =	sand.u32 $0x380, s10;
	v1 =	vadd.f32 v1, v2  }
0x1d6: {  	s31 =	simm.s32 $0x4;
	s13 =	sand.u32 $0x70, s29;
	s15 =	sor.u32 s15, s30  }
0x1d7: {  	s12 =	simm.s32 $0x2;
	s14 =	sand.u32 $0x400, s31;
	s15 =	sor.u32 s13, s15;
	vm0 =	vlt.f32 v1, $1.600000000e+01  }
.LBB2_4:
0x1d8: {  	p0 =	sne.s32 s12, $0x1FF;
	s15 =	sor.u32 s14, s15;
	v2 =	vsel vm0, $0x3F800000, v0  }
0x1d9: {  	s13 =	sor.u32 s13, s14;
	v1 =	vld [tilespmem:s15+$0x4000];
	[tilespmem:s9+$0x2000] =	vst v2;
	s9 =	smov.u32 s15  }
0x1da: {  	v2 =	vld [tilespmem:s13+$0x4000]  }
0x1db: {  	v3 =	vld [tilespmem:s13+$0x4080];
	_ =	sdelay $0x1  }
0x1dc: {  	v4 =	vld [tilespmem:s13+$0x4100];
	_ =	sdelay $0x1  }
0x1dd: {  	v5 =	vld [tilespmem:s13+$0x4180]  }
0x1de: {  	vm0 =	vgt.f32 v2, v1;
	vm1 =	vgt.f32 v3, v1  }
0x1df: {  	v2 =	vsel vm0, $0x3F800000, v0;
	v3 =	vsel vm1, $0x3F800000, v0;
	v6 =	vld [tilespmem:s13+$0x4200]  }
0x1e0: {  	v2 =	vadd.f32 v3, v2;
	vm0 =	vgt.f32 v4, v1  }
0x1e1: {  	v3 =	vsel vm0, $0x3F800000, v0;
	v4 =	vld [tilespmem:s13+$0x4280]  }
0x1e2: {  	v2 =	vadd.f32 v3, v2;
	vm0 =	vgt.f32 v5, v1  }
0x1e3: {  	v3 =	vsel vm0, $0x3F800000, v0;
	v5 =	vld [tilespmem:s13+$0x4300]  }
0x1e4: {  	v2 =	vadd.f32 v3, v2;
	vm0 =	vgt.f32 v6, v1  }
0x1e5: {  	v3 =	vsel vm0, $0x3F800000, v0;
	v6 =	vld [tilespmem:s13+$0x4380]  }
0x1e6: {  	v2 =	vadd.f32 v3, v2;
	vm0 =	vgt.f32 v4, v1  }
0x1e7: {  	v3 =	vsel vm0, $0x3F800000, v0;
	v4 =	vld [tilespmem:s13+$0x4800]  }
0x1e8: {  	v2 =	vadd.f32 v3, v2;
	vm0 =	vgt.f32 v5, v1  }
0x1e9: {  	v3 =	vsel vm0, $0x3F800000, v0;
	v5 =	vld [tilespmem:s13+$0x4880]  }
0x1ea: {  	v2 =	vadd.f32 v3, v2;
	vm0 =	vgt.f32 v6, v1  }
0x1eb: {  	v3 =	vsel vm0, $0x3F800000, v0;
	v6 =	vld [tilespmem:s13+$0x4900]  }
0x1ec: {  	v2 =	vadd.f32 v3, v2;
	vm0 =	vgt.f32 v4, v1  }
0x1ed: {  	v3 =	vsel vm0, $0x3F800000, v0;
	v4 =	vld [tilespmem:s13+$0x4980]  }
0x1ee: {  	v2 =	vadd.f32 v3, v2;
	vm0 =	vgt.f32 v5, v1  }
0x1ef: {  	v3 =	vsel vm0, $0x3F800000, v0;
	v5 =	vld [tilespmem:s13+$0x4A00]  }
0x1f0: {  	v2 =	vadd.f32 v3, v2;
	vm0 =	vgt.f32 v6, v1  }
0x1f1: {  	v3 =	vsel vm0, $0x3F800000, v0;
	v6 =	vld [tilespmem:s13+$0x4A80]  }
0x1f2: {  	v2 =	vadd.f32 v3, v2;
	vm0 =	vgt.f32 v4, v1  }
0x1f3: {  	v3 =	vsel vm0, $0x3F800000, v0;
	v4 =	vld [tilespmem:s13+$0x4B00]  }
0x1f4: {  	v2 =	vadd.f32 v3, v2;
	vm0 =	vgt.f32 v5, v1  }
0x1f5: {  	v3 =	vsel vm0, $0x3F800000, v0;
	v5 =	vld [tilespmem:s13+$0x4B80]  }
0x1f6: {  	v2 =	vadd.f32 v3, v2;
	vm0 =	vgt.f32 v6, v1  }
0x1f7: {  	v3 =	vsel vm0, $0x3F800000, v0;
	v6 =	vld [tilespmem:s13+$0x5000]  }
0x1f8: {  	v2 =	vadd.f32 v3, v2;
	vm0 =	vgt.f32 v4, v1  }
0x1f9: {  	v3 =	vsel vm0, $0x3F800000, v0;
	v4 =	vld [tilespmem:s13+$0x5080]  }
0x1fa: {  	v2 =	vadd.f32 v3, v2;
	vm0 =	vgt.f32 v5, v1  }
0x1fb: {  	v3 =	vsel vm0, $0x3F800000, v0;
	v5 =	vld [tilespmem:s13+$0x5100]  }
0x1fc: {  	v2 =	vadd.f32 v3, v2;
	vm0 =	vgt.f32 v6, v1  }
0x1fd: {  	v3 =	vsel vm0, $0x3F800000, v0;
	v6 =	vld [tilespmem:s13+$0x5180]  }
0x1fe: {  	v2 =	vadd.f32 v3, v2;
	vm0 =	vgt.f32 v4, v1  }
0x1ff: {  	v3 =	vsel vm0, $0x3F800000, v0;
	v4 =	vld [tilespmem:s13+$0x5200]  }
0x200: {  	v2 =	vadd.f32 v3, v2;
	vm0 =	vgt.f32 v5, v1  }
0x201: {  	v3 =	vsel vm0, $0x3F800000, v0;
	v5 =	vld [tilespmem:s13+$0x5280]  }
0x202: {  	v2 =	vadd.f32 v3, v2;
	vm0 =	vgt.f32 v6, v1  }
0x203: {  	v3 =	vsel vm0, $0x3F800000, v0;
	v6 =	vld [tilespmem:s13+$0x5300]  }
0x204: {  	v2 =	vadd.f32 v3, v2;
	vm0 =	vgt.f32 v4, v1  }
0x205: {  	v3 =	vsel vm0, $0x3F800000, v0;
	v4 =	vld [tilespmem:s13+$0x5380]  }
0x206: {  	v2 =	vadd.f32 v3, v2;
	vm0 =	vgt.f32 v5, v1  }
0x207: {  	v3 =	vsel vm0, $0x3F800000, v0;
	v5 =	vld [tilespmem:s13+$0x5800]  }
0x208: {  	v2 =	vadd.f32 v3, v2;
	vm0 =	vgt.f32 v6, v1  }
0x209: {  	v3 =	vsel vm0, $0x3F800000, v0;
	v6 =	vld [tilespmem:s13+$0x5880]  }
0x20a: {  	v2 =	vadd.f32 v3, v2;
	vm0 =	vgt.f32 v4, v1  }
0x20b: {  	v3 =	vsel vm0, $0x3F800000, v0;
	v4 =	vld [tilespmem:s13+$0x5900]  }
0x20c: {  	v2 =	vadd.f32 v3, v2;
	vm0 =	vgt.f32 v5, v1  }
0x20d: {  	v3 =	vsel vm0, $0x3F800000, v0;
	v5 =	vld [tilespmem:s13+$0x5980]  }
0x20e: {  	v2 =	vadd.f32 v3, v2;
	vm0 =	vgt.f32 v6, v1  }
0x20f: {  	v3 =	vsel vm0, $0x3F800000, v0;
	v6 =	vld [tilespmem:s13+$0x5A00]  }
0x210: {  	v2 =	vadd.f32 v3, v2;
	vm0 =	vgt.f32 v4, v1  }
0x211: {  	v3 =	vsel vm0, $0x3F800000, v0;
	v4 =	vld [tilespmem:s13+$0x5A80]  }
0x212: {  	v2 =	vadd.f32 v3, v2;
	vm0 =	vgt.f32 v5, v1  }
0x213: {  	v3 =	vsel vm0, $0x3F800000, v0;
	v5 =	vld [tilespmem:s13+$0x5B00]  }
0x214: {  	v2 =	vadd.f32 v3, v2;
	vm0 =	vgt.f32 v6, v1  }
0x215: {  	v3 =	vsel vm0, $0x3F800000, v0;
	v6 =	vld [tilespmem:s13+$0x5B80]  }
0x216: {  	v2 =	vadd.f32 v3, v2;
	vm0 =	vgt.f32 v4, v1  }
0x217: {  	v3 =	vsel vm0, $0x3F800000, v0  }
0x218: {  	v2 =	vadd.f32 v3, v2;
	vm0 =	vgt.f32 v5, v1  }
0x219: {  	v3 =	vsel vm0, $0x3F800000, v0  }
.Ltmp1:
0x21a: {  	v2 =	vadd.f32 v3, v2;
	vm0 =	vgt.f32 v6, v1;
	(pc) =	sbr.rel @p0 .LBB2_4-.Ltmp1, $4  }
0x21b: {  	s10 =	sadd.s32 $0x80, s10;
	s11 =	sadd.s32 $0x100, s11;
	v1 =	vsel vm0, $0x3F800000, v0  }
0x21c: {  	s14 =	sand.u32 $0x1800, s11;
	s15 =	sand.u32 $0x380, s10;
	s13 =	sshrl.u32 s12, $0x1;
	v1 =	vadd.f32 v1, v2  }
0x21d: {  	s16 =	sshll.u32 s12, $0x2;
	s15 =	sor.u32 s15, s14;
	s13 =	sand.u32 $0x70, s13  }
0x21e: {  	s14 =	sand.u32 $0x400, s16;
	s12 =	sadd.s32 $0x1, s12;
	s15 =	sor.u32 s13, s15;
	vm0 =	vlt.f32 v1, $1.600000000e+01  }
0x21f: {  	s10 =	sor.u32 s14, s15;
	v1 =	vsel vm0, $0x3F800000, v0  }
0x220: {  	s11 =	sor.u32 s13, s14;
	v2 =	vld [tilespmem:s10+$0x4000];
	[tilespmem:s9+$0x2000] =	vst v1  }
0x221: {  	v1 =	vld [tilespmem:s11+$0x4000]  }
0x222: {  	v3 =	vld [tilespmem:s11+$0x4080];
	_ =	sdelay $0x1  }
0x223: {  	v4 =	vld [tilespmem:s11+$0x4100];
	_ =	sdelay $0x1  }
0x224: {  	v5 =	vld [tilespmem:s11+$0x4180]  }
0x225: {  	vm8 =	vgt.f32 v1, v2;
	vm1 =	vgt.f32 v3, v2  }
0x226: {  	v6 =	vld [tilespmem:s11+$0x4200];
	v1 =	vsel vm8, $0x3F800000, v0;
	v3 =	vsel vm1, $0x3F800000, v0  }
0x227: {  	vm9 =	vgt.f32 v4, v2;
	v1 =	vadd.f32 v3, v1  }
0x228: {  	v37 =	vld [tilespmem:s11+$0x4280];
	v3 =	vsel vm9, $0x3F800000, v0  }
0x229: {  	vm10 =	vgt.f32 v5, v2;
	v1 =	vadd.f32 v3, v1  }
0x22a: {  	v38 =	vld [tilespmem:s11+$0x4300];
	v3 =	vsel vm10, $0x3F800000, v0  }
0x22b: {  	vm11 =	vgt.f32 v6, v2;
	v1 =	vadd.f32 v3, v1  }
0x22c: {  	v39 =	vld [tilespmem:s11+$0x4380];
	v3 =	vsel vm11, $0x3F800000, v0  }
0x22d: {  	vm12 =	vgt.f32 v37, v2;
	v1 =	vadd.f32 v3, v1  }
0x22e: {  	v40 =	vld [tilespmem:s11+$0x4800];
	v3 =	vsel vm12, $0x3F800000, v0  }
0x22f: {  	vm13 =	vgt.f32 v38, v2;
	v1 =	vadd.f32 v3, v1  }
0x230: {  	v41 =	vld [tilespmem:s11+$0x4880];
	v3 =	vsel vm13, $0x3F800000, v0  }
0x231: {  	vm14 =	vgt.f32 v39, v2;
	v1 =	vadd.f32 v3, v1  }
0x232: {  	v42 =	vld [tilespmem:s11+$0x4900];
	v3 =	vsel vm14, $0x3F800000, v0  }
0x233: {  	vm15 =	vgt.f32 v40, v2;
	v1 =	vadd.f32 v3, v1  }
0x234: {  	v43 =	vld [tilespmem:s11+$0x4980];
	v3 =	vsel vm15, $0x3F800000, v0  }
0x235: {  	vm4 =	vgt.f32 v41, v2;
	v1 =	vadd.f32 v3, v1  }
0x236: {  	v44 =	vld [tilespmem:s11+$0x4A00];
	v3 =	vsel vm4, $0x3F800000, v0  }
0x237: {  	vm5 =	vgt.f32 v42, v2;
	v1 =	vadd.f32 v3, v1  }
0x238: {  	v45 =	vld [tilespmem:s11+$0x4A80];
	v3 =	vsel vm5, $0x3F800000, v0  }
0x239: {  	vm6 =	vgt.f32 v43, v2;
	v1 =	vadd.f32 v3, v1  }
0x23a: {  	v46 =	vld [tilespmem:s11+$0x4B00];
	v3 =	vsel vm6, $0x3F800000, v0  }
0x23b: {  	vm7 =	vgt.f32 v44, v2;
	v1 =	vadd.f32 v3, v1  }
0x23c: {  	v47 =	vld [tilespmem:s11+$0x4B80];
	v3 =	vsel vm7, $0x3F800000, v0  }
0x23d: {  	vm8 =	vgt.f32 v45, v2;
	v1 =	vadd.f32 v3, v1  }
0x23e: {  	v48 =	vld [tilespmem:s11+$0x5000];
	v3 =	vsel vm8, $0x3F800000, v0  }
0x23f: {  	vm9 =	vgt.f32 v46, v2;
	v1 =	vadd.f32 v3, v1  }
0x240: {  	v49 =	vld [tilespmem:s11+$0x5080];
	v3 =	vsel vm9, $0x3F800000, v0  }
0x241: {  	vm10 =	vgt.f32 v47, v2;
	v1 =	vadd.f32 v3, v1  }
0x242: {  	v50 =	vld [tilespmem:s11+$0x5100];
	v3 =	vsel vm10, $0x3F800000, v0  }
0x243: {  	vm11 =	vgt.f32 v48, v2;
	v1 =	vadd.f32 v3, v1  }
0x244: {  	v51 =	vld [tilespmem:s11+$0x5180];
	v3 =	vsel vm11, $0x3F800000, v0  }
0x245: {  	vm12 =	vgt.f32 v49, v2;
	v1 =	vadd.f32 v3, v1  }
0x246: {  	v52 =	vld [tilespmem:s11+$0x5200];
	v3 =	vsel vm12, $0x3F800000, v0  }
0x247: {  	vm13 =	vgt.f32 v50, v2;
	v1 =	vadd.f32 v3, v1  }
0x248: {  	v53 =	vld [tilespmem:s11+$0x5280];
	v3 =	vsel vm13, $0x3F800000, v0  }
0x249: {  	vm14 =	vgt.f32 v51, v2;
	v1 =	vadd.f32 v3, v1  }
0x24a: {  	v54 =	vld [tilespmem:s11+$0x5300];
	v3 =	vsel vm14, $0x3F800000, v0  }
0x24b: {  	vm15 =	vgt.f32 v52, v2;
	v1 =	vadd.f32 v3, v1  }
0x24c: {  	v55 =	vld [tilespmem:s11+$0x5380];
	v3 =	vsel vm15, $0x3F800000, v0  }
0x24d: {  	vm4 =	vgt.f32 v53, v2;
	v1 =	vadd.f32 v3, v1  }
0x24e: {  	v56 =	vld [tilespmem:s11+$0x5800];
	v3 =	vsel vm4, $0x3F800000, v0  }
0x24f: {  	vm5 =	vgt.f32 v54, v2;
	v1 =	vadd.f32 v3, v1  }
0x250: {  	v57 =	vld [tilespmem:s11+$0x5880];
	v3 =	vsel vm5, $0x3F800000, v0  }
0x251: {  	vm6 =	vgt.f32 v55, v2;
	v1 =	vadd.f32 v3, v1  }
0x252: {  	v58 =	vld [tilespmem:s11+$0x5900];
	v3 =	vsel vm6, $0x3F800000, v0  }
0x253: {  	vm7 =	vgt.f32 v56, v2;
	v1 =	vadd.f32 v3, v1  }
0x254: {  	v59 =	vld [tilespmem:s11+$0x5980];
	v3 =	vsel vm7, $0x3F800000, v0  }
0x255: {  	vm8 =	vgt.f32 v57, v2;
	v1 =	vadd.f32 v3, v1  }
0x256: {  	v60 =	vld [tilespmem:s11+$0x5A00];
	v3 =	vsel vm8, $0x3F800000, v0  }
0x257: {  	vm9 =	vgt.f32 v58, v2;
	v1 =	vadd.f32 v3, v1  }
0x258: {  	v61 =	vld [tilespmem:s11+$0x5A80];
	v3 =	vsel vm9, $0x3F800000, v0  }
0x259: {  	vm10 =	vgt.f32 v59, v2;
	v1 =	vadd.f32 v3, v1  }
0x25a: {  	v62 =	vld [tilespmem:s11+$0x5B00];
	v3 =	vsel vm10, $0x3F800000, v0  }
0x25b: {  	vm11 =	vgt.f32 v60, v2;
	v1 =	vadd.f32 v3, v1  }
0x25c: {  	v63 =	vld [tilespmem:s11+$0x5B80];
	v3 =	vsel vm11, $0x3F800000, v0  }
0x25d: {  	vm12 =	vgt.f32 v61, v2;
	v1 =	vadd.f32 v3, v1  }
0x25e: {  	v3 =	vsel vm12, $0x3F800000, v0  }
0x25f: {  	vm13 =	vgt.f32 v62, v2;
	v1 =	vadd.f32 v3, v1  }
0x260: {  	v3 =	vsel vm13, $0x3F800000, v0  }
0x261: {  	vm14 =	vgt.f32 v63, v2;
	v1 =	vadd.f32 v3, v1  }
0x262: {  	v2 =	vsel vm14, $0x3F800000, v0  }
0x263: {  	v1 =	vadd.f32 v2, v1;
	_ =	sdelay $0x1  }
0x264: {  	s8 =	sadd.s32 $0x1, s8;
	vm15 =	vlt.f32 v1, $1.600000000e+01  }
0x265: {  	p0 =	sne.s32 s8, s5;
	v1 =	vsel vm15, $0x3F800000, v0  }
.Ltmp2:
0x266: {  	[tilespmem:s10+$0x2000] =	vst v1;
	(pc) =	sbr.rel @p0 .LBB2_1-.Ltmp2, $4  }
0x267: {  	[hbm4b:s4+s2] =	stream.linear.scatter [tilespmem:s7], [sflag:$0x1], $0x2000, $0x38;
	[tilespmem:$0x6000] =	vst v63  }
0x268: {  	_ =	swait.ge [sflag:s6], $0x2000  }
0x269: {  	[sflag:s6] =	ssyncset.done $0x0  }
0x26a: {  	[sflag:s6] =	ssyncadd.s32 $0xFFFFE000  }
0x26b: {  	_ =	sfence.sel $0x180000  }
0x26c: {  	[bflag:$0x0] =	sbarrier.arrive $0xFFFF  }
0x26d: {  	p0 =	sne.s32 s1, $0x0;
	_ =	strace $0x90000047  }
0x26e: {  	s0 =	sadd.s32 @!p0 $0x100000, s0;
	[bflag:$0x2] =	sbarrier.arrive $0xFFFF  }
0x26f: {  	[sflag:s0] =	ssyncadd.tile.s32 @!p0 $0x1;
	_ =	shalt  }
.Lfunc_end2:
_tile_overlayer_lowered:
.L_overlay_start_2:
0x270: {  	(tag) =	ssettag $0x2  }
0x271: {  	s0 =	rddreg [dreg:$0x0];
	s2 =	stileid.u32  }
0x272: {  	s1 =	rddreg [dreg:$0x1];
	p0 =	sne.s32 s2, $0x0  }
0x273: {  	s3 =	rddreg [dreg:$0x2];
	[bflag:$0x3] =	sbarrier.arrive $0xFFFF;
	s2 =	simm.s32 @!p0 $0x1C01  }
0x274: {  	[timem:s3], [sflag:s2] =	dma.local @!p0 [hbm:s0], s1  }
0x275: {  	s0 =	simm.s32 @!p0 $0x1  }
0x276: {  	_ =	swait.ge @!p0 [sflag:s0], s1  }
0x277: {  	s1 =	ssub.s32 @!p0 $0x0, s1;
	[sflag:s0] =	ssyncset.done @!p0 $0x0  }
0x278: {  	[sflag:s0] =	ssyncadd.s32 @!p0 s1  }
0x279: {  	[bflag:$0x3] =	sbarrier.arrive $0xFFFF  }
0x27a: {  	_ =	shalt  }

</sc_bundles>
